<compile_context>
chip_gen: v7x
topology: tpu7x:2x2x1
jax: 0.10.2.dev20260603
libtpu: 0.0.44.dev20260713+nightly
codegen_flags: <defaults>
</compile_context>

<pallas_src>
import functools

import jax
import jax.numpy as jnp
from jax import lax
from jax.experimental import pallas as pl
from jax.experimental.pallas import tpu as pltpu
from jax.experimental.pallas import tpu_sc as plsc

N_NODES = 10000
N_EDGES = 320000
IN_CH = 128
HID = 64
OUT_CH = 40

CHUNK = 256
NCH_D = 40
NCH_P = 80
E_PAD = 32 * NCH_D * CHUNK
N_PAD = 10240
RPT = N_PAD // 16

_MESH = plsc.VectorSubcoreMesh(core_axis_name="c", subcore_axis_name="s")
_SC_PARAMS = pltpu.CompilerParams(use_tc_tiling_on_sc=False)


def _deg_body(col_hbm, ones_hbm, zero_hbm, out_hbm, col_v, ones_v, degsh):
    c = lax.axis_index("c")
    s = lax.axis_index("s")
    wid = s * 2 + c
    pltpu.sync_copy(zero_hbm, degsh.at[pl.ds(s * RPT, RPT)])
    pltpu.sync_copy(ones_hbm, ones_v)
    plsc.subcore_barrier()

    for ph in range(2):
        pltpu.sync_copy(col_hbm.at[wid, pl.ds(ph * (NCH_D // 2), NCH_D // 2)],
                        col_v)

        def body(g, carry):
            pltpu.sync_copy(ones_v, degsh.at[col_v.at[g]], add=True)
            return carry

        lax.fori_loop(0, NCH_D // 2, body, 0)
    plsc.subcore_barrier()
    pltpu.sync_copy(degsh.at[pl.ds(s * RPT, RPT)],
                    out_hbm.at[c, pl.ds(s * RPT, RPT)])


_sc_deg = functools.partial(
    pl.kernel,
    _deg_body,
    out_type=jax.ShapeDtypeStruct((2, N_PAD), jnp.float32),
    mesh=_MESH,
    compiler_params=_SC_PARAMS,
    scratch_types=[
        pltpu.VMEM((NCH_D // 2, CHUNK), jnp.int32),
        pltpu.VMEM((CHUNK,), jnp.float32),
        pltpu.VMEM_SHARED((N_PAD,), jnp.float32),
    ],
)()


CPP = 40


def _prop_body(edge_split, nbuf, cpp, src_hbm, row_hbm, col_hbm, zero_hbm,
               out_l, out_r, *scr):
    c = lax.axis_index("c")
    s = lax.axis_index("s")
    row_v, col_v = scr[0], scr[1]
    bufs = scr[2:2 + nbuf]
    zsh = scr[2 + nbuf]
    gsems = scr[3 + nbuf:3 + 2 * nbuf]
    ssems = scr[3 + 2 * nbuf:3 + 3 * nbuf]
    pltpu.sync_copy(zero_hbm, zsh.at[pl.ds(s * RPT, RPT)])
    plsc.subcore_barrier()

    if edge_split:
        src = src_hbm
        shard = s * 2 + c
    else:
        src = src_hbm.at[c]
        shard = s

    def gather(g, b):
        return pltpu.make_async_copy(src.at[row_v.at[g]], bufs[b], gsems[b])

    def scatter(g, b):
        return pltpu.make_async_copy(bufs[b], zsh.at[col_v.at[g]], ssems[b])

    for ph in range(NCH_P // cpp):
        pltpu.sync_copy(row_hbm.at[shard, pl.ds(ph * cpp, cpp)], row_v)
        pltpu.sync_copy(col_hbm.at[shard, pl.ds(ph * cpp, cpp)], col_v)
        gather(0, 0).start()
        gather(1, 1).start()

        def body(g4, carry):
            for b in range(nbuf):
                g = nbuf * g4 + b
                gather(g, b).wait()
                scatter(g, b).start(add=True)
                nb = (b + 2) % nbuf

                @pl.when(g >= 2)
                def _():
                    scatter(g - 2, nb).wait()

                @pl.when(g + 2 < cpp)
                def _():
                    gather(g + 2, nb).start()

            return carry

        lax.fori_loop(0, cpp // nbuf, body, 0)
        scatter(cpp - 2, (cpp - 2) % nbuf).wait()
        scatter(cpp - 1, (cpp - 1) % nbuf).wait()

    plsc.subcore_barrier()

    @pl.when(c == 0)
    def _():
        pltpu.sync_copy(zsh.at[pl.ds(s * RPT, RPT)],
                        out_l.at[pl.ds(s * RPT, RPT)])

    @pl.when(c == 1)
    def _():
        pltpu.sync_copy(zsh.at[pl.ds(s * RPT, RPT)],
                        out_r.at[pl.ds(s * RPT, RPT)])


def _make_prop(width, chunk, edge_split, nbuf, cpp):
    return functools.partial(
        pl.kernel,
        functools.partial(_prop_body, edge_split, nbuf, cpp),
        out_type=[jax.ShapeDtypeStruct((N_PAD, width), jnp.float32),
                  jax.ShapeDtypeStruct((N_PAD, width), jnp.float32)],
        mesh=_MESH,
        compiler_params=_SC_PARAMS,
        scratch_types=(
            [pltpu.VMEM((cpp, chunk), jnp.int32)] * 2
            + [pltpu.VMEM((chunk, width), jnp.float32)] * nbuf
            + [pltpu.VMEM_SHARED((N_PAD, width), jnp.float32)]
            + [pltpu.SemaphoreType.DMA] * (2 * nbuf)
        ),
    )()


_sc_prop64 = _make_prop(HID, 256, False, 4, 40)
_sc_prop32 = _make_prop(HID // 2, 256, False, 4, 40)


def _tc1a_body(xp_ref, w012_ref, t_ref):
    t_ref[...] = jnp.dot(xp_ref[...], w012_ref[...],
                         preferred_element_type=jnp.float32)


def _tc1b_body(t_ref, degp_ref, ys_ref, dis_ref):
    deg = degp_ref[0] + degp_ref[1] + 1.0
    dis = lax.rsqrt(deg)
    ys_ref[0] = t_ref[:, HID:2 * HID] * dis
    ys_ref[1] = t_ref[:, 2 * HID:] * dis
    dis_ref[...] = dis


def _tc2_body(zr_ref, ys_ref, dis_ref, ws_ref):
    dis = dis_ref[...]
    wsfull = (zr_ref[...] + ys_ref[1]) * (dis * dis)
    ws_ref[0] = wsfull[:, :HID // 2]
    ws_ref[1] = wsfull[:, HID // 2:]


def _tc3_body(t_ref, zl_ref, z2l_ref, z2r_ref, ws_ref, ys_ref,
              dis_ref, b0_ref, b1_ref, b2_ref, wlin_ref, blin_ref, out_ref):
    dis = dis_ref[...]
    out0 = t_ref[:, :HID] + b0_ref[...]
    out1 = (zl_ref[...] + ys_ref[0]) * dis + b1_ref[...]
    z2raw = jnp.concatenate([z2l_ref[...], z2r_ref[...]], axis=-1)
    ws = jnp.concatenate([ws_ref[0], ws_ref[1]], axis=-1)
    out2 = (z2raw + ws) * dis + b2_ref[...]
    h = jnp.concatenate([out0, out1, out2], axis=-1)
    h = jnp.maximum(h, 0.0)
    out_ref[...] = jnp.dot(h, wlin_ref[...],
                           preferred_element_type=jnp.float32) + blin_ref[...]


def kernel(x, edge_index, W0, b0, W1, b1, W2, b2, Wlin, blin):
    f32 = jnp.float32
    xp = jnp.pad(x, ((0, N_PAD - N_NODES), (0, 0)))
    row = edge_index[0]
    col = edge_index[1]
    pad_e = E_PAD - N_EDGES
    ar = jnp.arange(pad_e, dtype=jnp.int32)
    pad_row = (ar * 9973) % N_NODES
    pad_col = N_NODES + ar % (N_PAD - N_NODES)
    rowp = jnp.concatenate([row, pad_row])
    colp = jnp.concatenate([col, pad_col])
    row16 = rowp.reshape(16, NCH_P, CHUNK)
    col16 = colp.reshape(16, NCH_P, CHUNK)
    col32d = colp.reshape(32, NCH_D, CHUNK)

    ones_c = jnp.ones((CHUNK,), f32)
    z1d = jnp.zeros((RPT,), f32)
    z64 = jnp.zeros((RPT, HID), f32)
    z32 = jnp.zeros((RPT, HID // 2), f32)

    degp = _sc_deg(col32d, ones_c, z1d)

    w012 = jnp.concatenate([W0, W1, W2], axis=1)
    t = pl.pallas_call(
        _tc1a_body,
        out_shape=jax.ShapeDtypeStruct((N_PAD, 3 * HID), f32),
    )(xp, w012)

    ys, dis = pl.pallas_call(
        _tc1b_body,
        out_shape=[
            jax.ShapeDtypeStruct((2, N_PAD, HID), f32),
            jax.ShapeDtypeStruct((N_PAD, 1), f32),
        ],
    )(t, degp.reshape(2, N_PAD, 1))

    zl, zr = _sc_prop64(ys, row16, col16, z64)

    ws = pl.pallas_call(
        _tc2_body,
        out_shape=jax.ShapeDtypeStruct((2, N_PAD, HID // 2), f32),
    )(zr, ys, dis)

    z2l, z2r = _sc_prop32(ws, row16, col16, z32)

    BM = N_PAD // 8
    row_blk = lambda w: pl.BlockSpec((BM, w), lambda i: (i, 0))
    pair_blk = lambda w: pl.BlockSpec((2, BM, w), lambda i: (0, i, 0))
    full = lambda a: pl.BlockSpec(a.shape, lambda i: (0,) * a.ndim)
    b0r = b0.reshape(1, HID)
    b1r = b1.reshape(1, HID)
    b2r = b2.reshape(1, HID)
    blinr = blin.reshape(1, OUT_CH)
    out = pl.pallas_call(
        _tc3_body,
        grid=(8,),
        in_specs=[
            row_blk(3 * HID), row_blk(HID), row_blk(HID // 2),
            row_blk(HID // 2), pair_blk(HID // 2), pair_blk(HID),
            row_blk(1), full(b0r), full(b1r), full(b2r),
            full(Wlin), full(blinr),
        ],
        out_specs=row_blk(OUT_CH),
        out_shape=jax.ShapeDtypeStruct((N_PAD, OUT_CH), f32),
    )(t, zl, z2l, z2r, ws, ys, dis, b0r, b1r, b2r, Wlin, blinr)

    return out[:N_NODES]

# --- scband reference (transcript-rebuilt; emitter-appended) ---
"""Pipeline reference for scband-mix-hop-net-61942018342913 (READ-ONLY COPY).

The authoritative reference and input builder live on the scoring server;
editing this copy changes nothing except your own understanding.
"""

import jax, jax.numpy as jnp
import numpy as np

N_NODES = 10000
N_EDGES = 320000
IN_CH = 128
HIDDEN = 64
OUT_CH = 40
POWERS = [0, 1, 2]


def setup_inputs(seed: int = 0) -> dict:
    key = jax.random.key(seed)
    ks = jax.random.split(key, 12)
    x = jax.random.normal(ks[0], (N_NODES, IN_CH), dtype=jnp.float32)
    edge_index = jax.random.randint(ks[1], (2, N_EDGES), 0, N_NODES, dtype=jnp.int32)
    s = 1.0 / np.sqrt(IN_CH)
    W0 = jax.random.uniform(ks[2], (IN_CH, HIDDEN), jnp.float32, -s, s)
    b0 = jax.random.uniform(ks[3], (HIDDEN,), jnp.float32, -s, s)
    W1 = jax.random.uniform(ks[4], (IN_CH, HIDDEN), jnp.float32, -s, s)
    b1 = jax.random.uniform(ks[5], (HIDDEN,), jnp.float32, -s, s)
    W2 = jax.random.uniform(ks[6], (IN_CH, HIDDEN), jnp.float32, -s, s)
    b2 = jax.random.uniform(ks[7], (HIDDEN,), jnp.float32, -s, s)
    s2 = 1.0 / np.sqrt(HIDDEN * len(POWERS))
    Wlin = jax.random.uniform(ks[8], (HIDDEN * len(POWERS), OUT_CH), jnp.float32, -s2, s2)
    blin = jax.random.uniform(ks[9], (OUT_CH,), jnp.float32, -s2, s2)
    return {"x": x, "edge_index": edge_index, "W0": W0, "b0": b0, "W1": W1, "b1": b1,
            "W2": W2, "b2": b2, "Wlin": Wlin, "blin": blin}


def _gcn_norm(edge_index, num_nodes):
    # add self-loops, symmetric normalization (PyG gcn_norm default)
    loop = jnp.arange(num_nodes, dtype=edge_index.dtype)
    row = jnp.concatenate([edge_index[0], loop])
    col = jnp.concatenate([edge_index[1], loop])
    w = jnp.ones(row.shape[0], dtype=jnp.float32)
    deg = jnp.zeros((num_nodes,), dtype=jnp.float32).at[col].add(w)
    deg_inv_sqrt = jnp.where(deg > 0, deg ** -0.5, 0.0)
    norm = deg_inv_sqrt[row] * w * deg_inv_sqrt[col]
    return row, col, norm


def _propagate(x, row, col, norm):
    # gather messages from source nodes, scatter-add into destination nodes
    msg = x[row] * norm[:, None]
    return jnp.zeros_like(x).at[col].add(msg)


def reference(x, edge_index, W0, b0, W1, b1, W2, b2, Wlin, blin):
    # dropout is identity in eval mode
    row, col, norm = _gcn_norm(edge_index, x.shape[0])
    # MixHopConv powers [0,1,2]: lin_p(A^p x)
    out0 = x @ W0 + b0
    x1 = _propagate(x, row, col, norm)
    out1 = x1 @ W1 + b1
    x2 = _propagate(x1, row, col, norm)
    out2 = x2 @ W2 + b2
    h = jnp.concatenate([out0, out1, out2], axis=-1)
    h = jax.nn.relu(h)
    return h @ Wlin + blin

if __name__ == "__main__":
    import jax
    _d = setup_inputs()
    print(jax.jit(kernel)(*tuple(_d.values())))

</pallas_src>

<mosaic_0001>
#map = affine_map<(d0, d1) -> (0, 0, 0)>
#map1 = affine_map<(d0, d1) -> (0, 0)>
module attributes {stable_mosaic.version = 14 : i64} {
  func.func @_prop_body(%arg0: i32, %arg1: i32, %arg2: memref<2x10240x32xf32, #tpu.memory_space<hbm>>, %arg3: memref<16x80x256xi32, #tpu.memory_space<hbm>>, %arg4: memref<16x80x256xi32, #tpu.memory_space<hbm>>, %arg5: memref<640x32xf32, #tpu.memory_space<hbm>>, %arg6: memref<10240x32xf32, #tpu.memory_space<hbm>>, %arg7: memref<10240x32xf32, #tpu.memory_space<hbm>>, %arg8: memref<40x256xi32, #tpu.memory_space<vmem>>, %arg9: memref<40x256xi32, #tpu.memory_space<vmem>>, %arg10: memref<256x32xf32, #tpu.memory_space<vmem>>, %arg11: memref<256x32xf32, #tpu.memory_space<vmem>>, %arg12: memref<256x32xf32, #tpu.memory_space<vmem>>, %arg13: memref<256x32xf32, #tpu.memory_space<vmem>>, %arg14: memref<10240x32xf32, #tpu.memory_space<vmem_shared>>, %arg15: memref<!tpu.dma_semaphore, #tpu.memory_space<semaphore_mem>>, %arg16: memref<!tpu.dma_semaphore, #tpu.memory_space<semaphore_mem>>, %arg17: memref<!tpu.dma_semaphore, #tpu.memory_space<semaphore_mem>>, %arg18: memref<!tpu.dma_semaphore, #tpu.memory_space<semaphore_mem>>, %arg19: memref<!tpu.dma_semaphore, #tpu.memory_space<semaphore_mem>>, %arg20: memref<!tpu.dma_semaphore, #tpu.memory_space<semaphore_mem>>, %arg21: memref<!tpu.dma_semaphore, #tpu.memory_space<semaphore_mem>>, %arg22: memref<!tpu.dma_semaphore, #tpu.memory_space<semaphore_mem>>) attributes {dimension_semantics = [#tpu.dimension_semantics<core_parallel>, #tpu.dimension_semantics<subcore_parallel>], iteration_bounds = array<i64: 2, 16>, scalar_prefetch = 0 : i64, scratch_operands = 15 : i64, tpu.core_type = #tpu.core_type<sc_vector_subcore>, window_params = [{transform_indices = #map}, {transform_indices = #map}, {transform_indices = #map}, {transform_indices = #map1}, {transform_indices = #map1}, {transform_indices = #map1}]} {
    %mul3A = arith.constant 640 : i32
    %mul3A_0 = arith.muli %arg1, %mul3A : i32
    "tpu.region"() ({
      %run_scoped3A = tpu.sem_alloc : memref<!tpu.dma_semaphore, #tpu.memory_space<semaphore_mem>>
      %dma_start3A_90 = arith.constant 0 : i32
      %dma_start3A_91 = tpu.memref_slice %arg14[%mul3A_0, %dma_start3A_90] : memref<10240x32xf32, #tpu.memory_space<vmem_shared>> -> memref<640x32xf32, #tpu.memory_space<vmem_shared>>
      tpu.enqueue_dma source(%arg5 : memref<640x32xf32, #tpu.memory_space<hbm>>) target(%dma_start3A_91 : memref<640x32xf32, #tpu.memory_space<vmem_shared>>) target_semaphore(%run_scoped3A : memref<!tpu.dma_semaphore, #tpu.memory_space<semaphore_mem>>)
      %dma_wait3A_92 = arith.constant 0 : i32
      %dma_wait3A_93 = tpu.memref_slice %arg14[%mul3A_0, %dma_wait3A_92] : memref<10240x32xf32, #tpu.memory_space<vmem_shared>> -> memref<640x32xf32, #tpu.memory_space<vmem_shared>>
      tpu.wait_dma2 semaphore(%run_scoped3A : memref<!tpu.dma_semaphore, #tpu.memory_space<semaphore_mem>>) src(%arg5 : memref<640x32xf32, #tpu.memory_space<hbm>>) dst(%dma_wait3A_93 : memref<640x32xf32, #tpu.memory_space<vmem_shared>>)
      tpu.yield
    }) : () -> ()
    %barrier3A = arith.constant 0 : index
    tpu.barrier barrier_id(%barrier3A)
    "tpu.region"() ({
      %run_scoped3A = tpu.sem_alloc : memref<!tpu.dma_semaphore, #tpu.memory_space<semaphore_mem>>
      %dma_start3A_90 = arith.constant 0 : i32
      %dma_start3A_91 = arith.constant 0 : i32
      %dma_start3A_92 = tpu.memref_slice %arg3[%arg1, %dma_start3A_90, %dma_start3A_91] : memref<16x80x256xi32, #tpu.memory_space<hbm>> -> memref<1x40x256xi32, #tpu.memory_space<hbm>>
      %dma_start3A_93 = tpu.memref_squeeze %dma_start3A_92 : memref<1x40x256xi32, #tpu.memory_space<hbm>> -> memref<40x256xi32, #tpu.memory_space<hbm>>
      %dma_start3A_94 = arith.constant 0 : i32
      %dma_start3A_95 = arith.constant 0 : i32
      %dma_start3A_96 = tpu.memref_slice %arg3[%arg1, %dma_start3A_94, %dma_start3A_95] : memref<16x80x256xi32, #tpu.memory_space<hbm>> -> memref<1x40x256xi32, #tpu.memory_space<hbm>>
      %dma_start3A_97 = tpu.memref_squeeze %dma_start3A_96 : memref<1x40x256xi32, #tpu.memory_space<hbm>> -> memref<40x256xi32, #tpu.memory_space<hbm>>
      tpu.enqueue_dma source(%dma_start3A_97 : memref<40x256xi32, #tpu.memory_space<hbm>>) target(%arg8 : memref<40x256xi32, #tpu.memory_space<vmem>>) target_semaphore(%run_scoped3A : memref<!tpu.dma_semaphore, #tpu.memory_space<semaphore_mem>>)
      %dma_wait3A_98 = arith.constant 0 : i32
      %dma_wait3A_99 = arith.constant 0 : i32
      %dma_wait3A_100 = tpu.memref_slice %arg3[%arg1, %dma_wait3A_98, %dma_wait3A_99] : memref<16x80x256xi32, #tpu.memory_space<hbm>> -> memref<1x40x256xi32, #tpu.memory_space<hbm>>
      %dma_wait3A_101 = tpu.memref_squeeze %dma_wait3A_100 : memref<1x40x256xi32, #tpu.memory_space<hbm>> -> memref<40x256xi32, #tpu.memory_space<hbm>>
      %dma_wait3A_102 = arith.constant 0 : i32
      %dma_wait3A_103 = arith.constant 0 : i32
      %dma_wait3A_104 = tpu.memref_slice %arg3[%arg1, %dma_wait3A_102, %dma_wait3A_103] : memref<16x80x256xi32, #tpu.memory_space<hbm>> -> memref<1x40x256xi32, #tpu.memory_space<hbm>>
      %dma_wait3A_105 = tpu.memref_squeeze %dma_wait3A_104 : memref<1x40x256xi32, #tpu.memory_space<hbm>> -> memref<40x256xi32, #tpu.memory_space<hbm>>
      tpu.wait_dma2 semaphore(%run_scoped3A : memref<!tpu.dma_semaphore, #tpu.memory_space<semaphore_mem>>) src(%dma_wait3A_105 : memref<40x256xi32, #tpu.memory_space<hbm>>) dst(%arg8 : memref<40x256xi32, #tpu.memory_space<vmem>>)
      tpu.yield
    }) : () -> ()
    "tpu.region"() ({
      %run_scoped3A = tpu.sem_alloc : memref<!tpu.dma_semaphore, #tpu.memory_space<semaphore_mem>>
      %dma_start3A_90 = arith.constant 0 : i32
      %dma_start3A_91 = arith.constant 0 : i32
      %dma_start3A_92 = tpu.memref_slice %arg4[%arg1, %dma_start3A_90, %dma_start3A_91] : memref<16x80x256xi32, #tpu.memory_space<hbm>> -> memref<1x40x256xi32, #tpu.memory_space<hbm>>
      %dma_start3A_93 = tpu.memref_squeeze %dma_start3A_92 : memref<1x40x256xi32, #tpu.memory_space<hbm>> -> memref<40x256xi32, #tpu.memory_space<hbm>>
      %dma_start3A_94 = arith.constant 0 : i32
      %dma_start3A_95 = arith.constant 0 : i32
      %dma_start3A_96 = tpu.memref_slice %arg4[%arg1, %dma_start3A_94, %dma_start3A_95] : memref<16x80x256xi32, #tpu.memory_space<hbm>> -> memref<1x40x256xi32, #tpu.memory_space<hbm>>
      %dma_start3A_97 = tpu.memref_squeeze %dma_start3A_96 : memref<1x40x256xi32, #tpu.memory_space<hbm>> -> memref<40x256xi32, #tpu.memory_space<hbm>>
      tpu.enqueue_dma source(%dma_start3A_97 : memref<40x256xi32, #tpu.memory_space<hbm>>) target(%arg9 : memref<40x256xi32, #tpu.memory_space<vmem>>) target_semaphore(%run_scoped3A : memref<!tpu.dma_semaphore, #tpu.memory_space<semaphore_mem>>)
      %dma_wait3A_98 = arith.constant 0 : i32
      %dma_wait3A_99 = arith.constant 0 : i32
      %dma_wait3A_100 = tpu.memref_slice %arg4[%arg1, %dma_wait3A_98, %dma_wait3A_99] : memref<16x80x256xi32, #tpu.memory_space<hbm>> -> memref<1x40x256xi32, #tpu.memory_space<hbm>>
      %dma_wait3A_101 = tpu.memref_squeeze %dma_wait3A_100 : memref<1x40x256xi32, #tpu.memory_space<hbm>> -> memref<40x256xi32, #tpu.memory_space<hbm>>
      %dma_wait3A_102 = arith.constant 0 : i32
      %dma_wait3A_103 = arith.constant 0 : i32
      %dma_wait3A_104 = tpu.memref_slice %arg4[%arg1, %dma_wait3A_102, %dma_wait3A_103] : memref<16x80x256xi32, #tpu.memory_space<hbm>> -> memref<1x40x256xi32, #tpu.memory_space<hbm>>
      %dma_wait3A_105 = tpu.memref_squeeze %dma_wait3A_104 : memref<1x40x256xi32, #tpu.memory_space<hbm>> -> memref<40x256xi32, #tpu.memory_space<hbm>>
      tpu.wait_dma2 semaphore(%run_scoped3A : memref<!tpu.dma_semaphore, #tpu.memory_space<semaphore_mem>>) src(%dma_wait3A_105 : memref<40x256xi32, #tpu.memory_space<hbm>>) dst(%arg9 : memref<40x256xi32, #tpu.memory_space<vmem>>)
      tpu.yield
    }) : () -> ()
    %dma_start3A = arith.constant 0 : i32
    %dma_start3A_1 = arith.constant 0 : i32
    %dma_start3A_2 = tpu.memref_slice %arg8[%dma_start3A, %dma_start3A_1] : memref<40x256xi32, #tpu.memory_space<vmem>> -> memref<1x256xi32, #tpu.memory_space<vmem>>
    %dma_start3A_3 = tpu.memref_squeeze %dma_start3A_2 : memref<1x256xi32, #tpu.memory_space<vmem>> -> memref<256xi32, #tpu.memory_space<vmem>>
    %dma_start3A_4 = arith.constant 0 : i32
    %dma_start3A_5 = arith.constant 0 : i32
    %dma_start3A_6 = tpu.memref_slice %arg2[%arg0, %dma_start3A_4, %dma_start3A_5] : memref<2x10240x32xf32, #tpu.memory_space<hbm>> -> memref<1x10240x32xf32, #tpu.memory_space<hbm>>
    %dma_start3A_7 = tpu.memref_squeeze %dma_start3A_6 : memref<1x10240x32xf32, #tpu.memory_space<hbm>> -> memref<10240x32xf32, #tpu.memory_space<hbm>>
    %dma_start3A_8 = arith.constant 0 : i32
    %dma_start3A_9 = arith.constant 0 : i32
    %dma_start3A_10 = tpu.memref_slice %dma_start3A_7[%dma_start3A_8, %dma_start3A_9] : memref<10240x32xf32, #tpu.memory_space<hbm>> -> memref<10240x32xf32, #tpu.memory_space<hbm>>
    tpu.enqueue_indirect_dma source(%dma_start3A_10 : memref<10240x32xf32, #tpu.memory_space<hbm>>) target(%arg10 : memref<256x32xf32, #tpu.memory_space<vmem>>) offsets(%dma_start3A_3 : memref<256xi32, #tpu.memory_space<vmem>>) semaphore(%arg15 : memref<!tpu.dma_semaphore, #tpu.memory_space<semaphore_mem>>)
    %dma_start3A_11 = arith.constant 1 : i32
    %dma_start3A_12 = arith.constant 0 : i32
    %dma_start3A_13 = tpu.memref_slice %arg8[%dma_start3A_11, %dma_start3A_12] : memref<40x256xi32, #tpu.memory_space<vmem>> -> memref<1x256xi32, #tpu.memory_space<vmem>>
    %dma_start3A_14 = tpu.memref_squeeze %dma_start3A_13 : memref<1x256xi32, #tpu.memory_space<vmem>> -> memref<256xi32, #tpu.memory_space<vmem>>
    %dma_start3A_15 = arith.constant 0 : i32
    %dma_start3A_16 = arith.constant 0 : i32
    %dma_start3A_17 = tpu.memref_slice %arg2[%arg0, %dma_start3A_15, %dma_start3A_16] : memref<2x10240x32xf32, #tpu.memory_space<hbm>> -> memref<1x10240x32xf32, #tpu.memory_space<hbm>>
    %dma_start3A_18 = tpu.memref_squeeze %dma_start3A_17 : memref<1x10240x32xf32, #tpu.memory_space<hbm>> -> memref<10240x32xf32, #tpu.memory_space<hbm>>
    %dma_start3A_19 = arith.constant 0 : i32
    %dma_start3A_20 = arith.constant 0 : i32
    %dma_start3A_21 = tpu.memref_slice %dma_start3A_18[%dma_start3A_19, %dma_start3A_20] : memref<10240x32xf32, #tpu.memory_space<hbm>> -> memref<10240x32xf32, #tpu.memory_space<hbm>>
    tpu.enqueue_indirect_dma source(%dma_start3A_21 : memref<10240x32xf32, #tpu.memory_space<hbm>>) target(%arg11 : memref<256x32xf32, #tpu.memory_space<vmem>>) offsets(%dma_start3A_14 : memref<256xi32, #tpu.memory_space<vmem>>) semaphore(%arg16 : memref<!tpu.dma_semaphore, #tpu.memory_space<semaphore_mem>>)
    %scan3A = arith.constant 0 : i32
    %scan3A_22 = arith.constant 0 : i32
    %scan3A_23 = arith.constant 10 : i32
    %scan3A_24 = arith.addi %scan3A_22, %scan3A_23 : i32
    %scan3A_25 = arith.constant 1 : i32
    scf.for %scan3A_90 = %scan3A_22 to %scan3A_24 step %scan3A_25  : i32 {
      %mul3A_91 = arith.constant 4 : i32
      %mul3A_92 = arith.muli %mul3A_91, %scan3A_90 : i32
      %add3A = arith.constant 0 : i32
      %add3A_93 = arith.addi %mul3A_92, %add3A : i32
      %dma_wait3A_94 = arith.constant 0 : i32
      %dma_wait3A_95 = tpu.memref_slice %arg8[%add3A_93, %dma_wait3A_94] : memref<40x256xi32, #tpu.memory_space<vmem>> -> memref<1x256xi32, #tpu.memory_space<vmem>>
      %dma_wait3A_96 = tpu.memref_squeeze %dma_wait3A_95 : memref<1x256xi32, #tpu.memory_space<vmem>> -> memref<256xi32, #tpu.memory_space<vmem>>
      %dma_wait3A_97 = arith.constant 0 : i32
      %dma_wait3A_98 = arith.constant 0 : i32
      %dma_wait3A_99 = tpu.memref_slice %arg2[%arg0, %dma_wait3A_97, %dma_wait3A_98] : memref<2x10240x32xf32, #tpu.memory_space<hbm>> -> memref<1x10240x32xf32, #tpu.memory_space<hbm>>
      %dma_wait3A_100 = tpu.memref_squeeze %dma_wait3A_99 : memref<1x10240x32xf32, #tpu.memory_space<hbm>> -> memref<10240x32xf32, #tpu.memory_space<hbm>>
      %dma_wait3A_101 = arith.constant 0 : i32
      %dma_wait3A_102 = arith.constant 0 : i32
      %dma_wait3A_103 = tpu.memref_slice %dma_wait3A_100[%dma_wait3A_101, %dma_wait3A_102] : memref<10240x32xf32, #tpu.memory_space<hbm>> -> memref<10240x32xf32, #tpu.memory_space<hbm>>
      tpu.wait_indirect_dma semaphore(%arg15 : memref<!tpu.dma_semaphore, #tpu.memory_space<semaphore_mem>>) src(%dma_wait3A_103 : memref<10240x32xf32, #tpu.memory_space<hbm>>) dst(%arg10 : memref<256x32xf32, #tpu.memory_space<vmem>>)
      %dma_start3A_104 = arith.constant 0 : i32
      %dma_start3A_105 = tpu.memref_slice %arg9[%add3A_93, %dma_start3A_104] : memref<40x256xi32, #tpu.memory_space<vmem>> -> memref<1x256xi32, #tpu.memory_space<vmem>>
      %dma_start3A_106 = tpu.memref_squeeze %dma_start3A_105 : memref<1x256xi32, #tpu.memory_space<vmem>> -> memref<256xi32, #tpu.memory_space<vmem>>
      %dma_start3A_107 = arith.constant 0 : i32
      %dma_start3A_108 = arith.constant 0 : i32
      %dma_start3A_109 = tpu.memref_slice %arg14[%dma_start3A_107, %dma_start3A_108] : memref<10240x32xf32, #tpu.memory_space<vmem_shared>> -> memref<10240x32xf32, #tpu.memory_space<vmem_shared>>
      tpu.enqueue_indirect_dma source(%arg10 : memref<256x32xf32, #tpu.memory_space<vmem>>) target(%dma_start3A_109 : memref<10240x32xf32, #tpu.memory_space<vmem_shared>>) offsets(%dma_start3A_106 : memref<256xi32, #tpu.memory_space<vmem>>) semaphore(%arg19 : memref<!tpu.dma_semaphore, #tpu.memory_space<semaphore_mem>>) {add = true}
      %ge3A = arith.constant 2 : i32
      %ge3A_110 = arith.cmpi sge, %add3A_93, %ge3A : i32
      %convert_element_type3A_111 = arith.extui %ge3A_110 : i1 to i32
      %cond3A_112 = arith.constant 0 : i32
      %cond3A_113 = arith.cmpi ne, %convert_element_type3A_111, %cond3A_112 : i32
      scf.if %cond3A_113 {
        %sub3A = arith.constant 2 : i32
        %sub3A_216 = arith.subi %add3A_93, %sub3A : i32
        %dma_wait3A_217 = arith.constant 0 : i32
        %dma_wait3A_218 = tpu.memref_slice %arg9[%sub3A_216, %dma_wait3A_217] : memref<40x256xi32, #tpu.memory_space<vmem>> -> memref<1x256xi32, #tpu.memory_space<vmem>>
        %dma_wait3A_219 = tpu.memref_squeeze %dma_wait3A_218 : memref<1x256xi32, #tpu.memory_space<vmem>> -> memref<256xi32, #tpu.memory_space<vmem>>
        %dma_wait3A_220 = arith.constant 0 : i32
        %dma_wait3A_221 = arith.constant 0 : i32
        %dma_wait3A_222 = tpu.memref_slice %arg14[%dma_wait3A_220, %dma_wait3A_221] : memref<10240x32xf32, #tpu.memory_space<vmem_shared>> -> memref<10240x32xf32, #tpu.memory_space<vmem_shared>>
        tpu.wait_indirect_dma semaphore(%arg21 : memref<!tpu.dma_semaphore, #tpu.memory_space<semaphore_mem>>) src(%arg12 : memref<256x32xf32, #tpu.memory_space<vmem>>) dst(%dma_wait3A_222 : memref<10240x32xf32, #tpu.memory_space<vmem_shared>>)
      } else {
      }
      %add3A_114 = arith.constant 2 : i32
      %add3A_115 = arith.addi %add3A_93, %add3A_114 : i32
      %lt3A = arith.constant 40 : i32
      %lt3A_116 = arith.cmpi slt, %add3A_115, %lt3A : i32
      %convert_element_type3A_117 = arith.extui %lt3A_116 : i1 to i32
      %cond3A_118 = arith.constant 0 : i32
      %cond3A_119 = arith.cmpi ne, %convert_element_type3A_117, %cond3A_118 : i32
      scf.if %cond3A_119 {
        %add3A_216 = arith.constant 2 : i32
        %add3A_217 = arith.addi %add3A_93, %add3A_216 : i32
        %dma_start3A_218 = arith.constant 0 : i32
        %dma_start3A_219 = tpu.memref_slice %arg8[%add3A_217, %dma_start3A_218] : memref<40x256xi32, #tpu.memory_space<vmem>> -> memref<1x256xi32, #tpu.memory_space<vmem>>
        %dma_start3A_220 = tpu.memref_squeeze %dma_start3A_219 : memref<1x256xi32, #tpu.memory_space<vmem>> -> memref<256xi32, #tpu.memory_space<vmem>>
        %dma_start3A_221 = arith.constant 0 : i32
        %dma_start3A_222 = arith.constant 0 : i32
        %dma_start3A_223 = tpu.memref_slice %arg2[%arg0, %dma_start3A_221, %dma_start3A_222] : memref<2x10240x32xf32, #tpu.memory_space<hbm>> -> memref<1x10240x32xf32, #tpu.memory_space<hbm>>
        %dma_start3A_224 = tpu.memref_squeeze %dma_start3A_223 : memref<1x10240x32xf32, #tpu.memory_space<hbm>> -> memref<10240x32xf32, #tpu.memory_space<hbm>>
        %dma_start3A_225 = arith.constant 0 : i32
        %dma_start3A_226 = arith.constant 0 : i32
        %dma_start3A_227 = tpu.memref_slice %dma_start3A_224[%dma_start3A_225, %dma_start3A_226] : memref<10240x32xf32, #tpu.memory_space<hbm>> -> memref<10240x32xf32, #tpu.memory_space<hbm>>
        tpu.enqueue_indirect_dma source(%dma_start3A_227 : memref<10240x32xf32, #tpu.memory_space<hbm>>) target(%arg12 : memref<256x32xf32, #tpu.memory_space<vmem>>) offsets(%dma_start3A_220 : memref<256xi32, #tpu.memory_space<vmem>>) semaphore(%arg17 : memref<!tpu.dma_semaphore, #tpu.memory_space<semaphore_mem>>)
      } else {
      }
      %mul3A_120 = arith.constant 4 : i32
      %mul3A_121 = arith.muli %mul3A_120, %scan3A_90 : i32
      %add3A_122 = arith.constant 1 : i32
      %add3A_123 = arith.addi %mul3A_121, %add3A_122 : i32
      %dma_wait3A_124 = arith.constant 0 : i32
      %dma_wait3A_125 = tpu.memref_slice %arg8[%add3A_123, %dma_wait3A_124] : memref<40x256xi32, #tpu.memory_space<vmem>> -> memref<1x256xi32, #tpu.memory_space<vmem>>
      %dma_wait3A_126 = tpu.memref_squeeze %dma_wait3A_125 : memref<1x256xi32, #tpu.memory_space<vmem>> -> memref<256xi32, #tpu.memory_space<vmem>>
      %dma_wait3A_127 = arith.constant 0 : i32
      %dma_wait3A_128 = arith.constant 0 : i32
      %dma_wait3A_129 = tpu.memref_slice %arg2[%arg0, %dma_wait3A_127, %dma_wait3A_128] : memref<2x10240x32xf32, #tpu.memory_space<hbm>> -> memref<1x10240x32xf32, #tpu.memory_space<hbm>>
      %dma_wait3A_130 = tpu.memref_squeeze %dma_wait3A_129 : memref<1x10240x32xf32, #tpu.memory_space<hbm>> -> memref<10240x32xf32, #tpu.memory_space<hbm>>
      %dma_wait3A_131 = arith.constant 0 : i32
      %dma_wait3A_132 = arith.constant 0 : i32
      %dma_wait3A_133 = tpu.memref_slice %dma_wait3A_130[%dma_wait3A_131, %dma_wait3A_132] : memref<10240x32xf32, #tpu.memory_space<hbm>> -> memref<10240x32xf32, #tpu.memory_space<hbm>>
      tpu.wait_indirect_dma semaphore(%arg16 : memref<!tpu.dma_semaphore, #tpu.memory_space<semaphore_mem>>) src(%dma_wait3A_133 : memref<10240x32xf32, #tpu.memory_space<hbm>>) dst(%arg11 : memref<256x32xf32, #tpu.memory_space<vmem>>)
      %dma_start3A_134 = arith.constant 0 : i32
      %dma_start3A_135 = tpu.memref_slice %arg9[%add3A_123, %dma_start3A_134] : memref<40x256xi32, #tpu.memory_space<vmem>> -> memref<1x256xi32, #tpu.memory_space<vmem>>
      %dma_start3A_136 = tpu.memref_squeeze %dma_start3A_135 : memref<1x256xi32, #tpu.memory_space<vmem>> -> memref<256xi32, #tpu.memory_space<vmem>>
      %dma_start3A_137 = arith.constant 0 : i32
      %dma_start3A_138 = arith.constant 0 : i32
      %dma_start3A_139 = tpu.memref_slice %arg14[%dma_start3A_137, %dma_start3A_138] : memref<10240x32xf32, #tpu.memory_space<vmem_shared>> -> memref<10240x32xf32, #tpu.memory_space<vmem_shared>>
      tpu.enqueue_indirect_dma source(%arg11 : memref<256x32xf32, #tpu.memory_space<vmem>>) target(%dma_start3A_139 : memref<10240x32xf32, #tpu.memory_space<vmem_shared>>) offsets(%dma_start3A_136 : memref<256xi32, #tpu.memory_space<vmem>>) semaphore(%arg20 : memref<!tpu.dma_semaphore, #tpu.memory_space<semaphore_mem>>) {add = true}
      %ge3A_140 = arith.constant 2 : i32
      %ge3A_141 = arith.cmpi sge, %add3A_123, %ge3A_140 : i32
      %convert_element_type3A_142 = arith.extui %ge3A_141 : i1 to i32
      %cond3A_143 = arith.constant 0 : i32
      %cond3A_144 = arith.cmpi ne, %convert_element_type3A_142, %cond3A_143 : i32
      scf.if %cond3A_144 {
        %sub3A = arith.constant 2 : i32
        %sub3A_216 = arith.subi %add3A_123, %sub3A : i32
        %dma_wait3A_217 = arith.constant 0 : i32
        %dma_wait3A_218 = tpu.memref_slice %arg9[%sub3A_216, %dma_wait3A_217] : memref<40x256xi32, #tpu.memory_space<vmem>> -> memref<1x256xi32, #tpu.memory_space<vmem>>
        %dma_wait3A_219 = tpu.memref_squeeze %dma_wait3A_218 : memref<1x256xi32, #tpu.memory_space<vmem>> -> memref<256xi32, #tpu.memory_space<vmem>>
        %dma_wait3A_220 = arith.constant 0 : i32
        %dma_wait3A_221 = arith.constant 0 : i32
        %dma_wait3A_222 = tpu.memref_slice %arg14[%dma_wait3A_220, %dma_wait3A_221] : memref<10240x32xf32, #tpu.memory_space<vmem_shared>> -> memref<10240x32xf32, #tpu.memory_space<vmem_shared>>
        tpu.wait_indirect_dma semaphore(%arg22 : memref<!tpu.dma_semaphore, #tpu.memory_space<semaphore_mem>>) src(%arg13 : memref<256x32xf32, #tpu.memory_space<vmem>>) dst(%dma_wait3A_222 : memref<10240x32xf32, #tpu.memory_space<vmem_shared>>)
      } else {
      }
      %add3A_145 = arith.constant 2 : i32
      %add3A_146 = arith.addi %add3A_123, %add3A_145 : i32
      %lt3A_147 = arith.constant 40 : i32
      %lt3A_148 = arith.cmpi slt, %add3A_146, %lt3A_147 : i32
      %convert_element_type3A_149 = arith.extui %lt3A_148 : i1 to i32
      %cond3A_150 = arith.constant 0 : i32
      %cond3A_151 = arith.cmpi ne, %convert_element_type3A_149, %cond3A_150 : i32
      scf.if %cond3A_151 {
        %add3A_216 = arith.constant 2 : i32
        %add3A_217 = arith.addi %add3A_123, %add3A_216 : i32
        %dma_start3A_218 = arith.constant 0 : i32
        %dma_start3A_219 = tpu.memref_slice %arg8[%add3A_217, %dma_start3A_218] : memref<40x256xi32, #tpu.memory_space<vmem>> -> memref<1x256xi32, #tpu.memory_space<vmem>>
        %dma_start3A_220 = tpu.memref_squeeze %dma_start3A_219 : memref<1x256xi32, #tpu.memory_space<vmem>> -> memref<256xi32, #tpu.memory_space<vmem>>
        %dma_start3A_221 = arith.constant 0 : i32
        %dma_start3A_222 = arith.constant 0 : i32
        %dma_start3A_223 = tpu.memref_slice %arg2[%arg0, %dma_start3A_221, %dma_start3A_222] : memref<2x10240x32xf32, #tpu.memory_space<hbm>> -> memref<1x10240x32xf32, #tpu.memory_space<hbm>>
        %dma_start3A_224 = tpu.memref_squeeze %dma_start3A_223 : memref<1x10240x32xf32, #tpu.memory_space<hbm>> -> memref<10240x32xf32, #tpu.memory_space<hbm>>
        %dma_start3A_225 = arith.constant 0 : i32
        %dma_start3A_226 = arith.constant 0 : i32
        %dma_start3A_227 = tpu.memref_slice %dma_start3A_224[%dma_start3A_225, %dma_start3A_226] : memref<10240x32xf32, #tpu.memory_space<hbm>> -> memref<10240x32xf32, #tpu.memory_space<hbm>>
        tpu.enqueue_indirect_dma source(%dma_start3A_227 : memref<10240x32xf32, #tpu.memory_space<hbm>>) target(%arg13 : memref<256x32xf32, #tpu.memory_space<vmem>>) offsets(%dma_start3A_220 : memref<256xi32, #tpu.memory_space<vmem>>) semaphore(%arg18 : memref<!tpu.dma_semaphore, #tpu.memory_space<semaphore_mem>>)
      } else {
      }
      %mul3A_152 = arith.constant 4 : i32
      %mul3A_153 = arith.muli %mul3A_152, %scan3A_90 : i32
      %add3A_154 = arith.constant 2 : i32
      %add3A_155 = arith.addi %mul3A_153, %add3A_154 : i32
      %dma_wait3A_156 = arith.constant 0 : i32
      %dma_wait3A_157 = tpu.memref_slice %arg8[%add3A_155, %dma_wait3A_156] : memref<40x256xi32, #tpu.memory_space<vmem>> -> memref<1x256xi32, #tpu.memory_space<vmem>>
      %dma_wait3A_158 = tpu.memref_squeeze %dma_wait3A_157 : memref<1x256xi32, #tpu.memory_space<vmem>> -> memref<256xi32, #tpu.memory_space<vmem>>
      %dma_wait3A_159 = arith.constant 0 : i32
      %dma_wait3A_160 = arith.constant 0 : i32
      %dma_wait3A_161 = tpu.memref_slice %arg2[%arg0, %dma_wait3A_159, %dma_wait3A_160] : memref<2x10240x32xf32, #tpu.memory_space<hbm>> -> memref<1x10240x32xf32, #tpu.memory_space<hbm>>
      %dma_wait3A_162 = tpu.memref_squeeze %dma_wait3A_161 : memref<1x10240x32xf32, #tpu.memory_space<hbm>> -> memref<10240x32xf32, #tpu.memory_space<hbm>>
      %dma_wait3A_163 = arith.constant 0 : i32
      %dma_wait3A_164 = arith.constant 0 : i32
      %dma_wait3A_165 = tpu.memref_slice %dma_wait3A_162[%dma_wait3A_163, %dma_wait3A_164] : memref<10240x32xf32, #tpu.memory_space<hbm>> -> memref<10240x32xf32, #tpu.memory_space<hbm>>
      tpu.wait_indirect_dma semaphore(%arg17 : memref<!tpu.dma_semaphore, #tpu.memory_space<semaphore_mem>>) src(%dma_wait3A_165 : memref<10240x32xf32, #tpu.memory_space<hbm>>) dst(%arg12 : memref<256x32xf32, #tpu.memory_space<vmem>>)
      %dma_start3A_166 = arith.constant 0 : i32
      %dma_start3A_167 = tpu.memref_slice %arg9[%add3A_155, %dma_start3A_166] : memref<40x256xi32, #tpu.memory_space<vmem>> -> memref<1x256xi32, #tpu.memory_space<vmem>>
      %dma_start3A_168 = tpu.memref_squeeze %dma_start3A_167 : memref<1x256xi32, #tpu.memory_space<vmem>> -> memref<256xi32, #tpu.memory_space<vmem>>
      %dma_start3A_169 = arith.constant 0 : i32
      %dma_start3A_170 = arith.constant 0 : i32
      %dma_start3A_171 = tpu.memref_slice %arg14[%dma_start3A_169, %dma_start3A_170] : memref<10240x32xf32, #tpu.memory_space<vmem_shared>> -> memref<10240x32xf32, #tpu.memory_space<vmem_shared>>
      tpu.enqueue_indirect_dma source(%arg12 : memref<256x32xf32, #tpu.memory_space<vmem>>) target(%dma_start3A_171 : memref<10240x32xf32, #tpu.memory_space<vmem_shared>>) offsets(%dma_start3A_168 : memref<256xi32, #tpu.memory_space<vmem>>) semaphore(%arg21 : memref<!tpu.dma_semaphore, #tpu.memory_space<semaphore_mem>>) {add = true}
      %ge3A_172 = arith.constant 2 : i32
      %ge3A_173 = arith.cmpi sge, %add3A_155, %ge3A_172 : i32
      %convert_element_type3A_174 = arith.extui %ge3A_173 : i1 to i32
      %cond3A_175 = arith.constant 0 : i32
      %cond3A_176 = arith.cmpi ne, %convert_element_type3A_174, %cond3A_175 : i32
      scf.if %cond3A_176 {
        %sub3A = arith.constant 2 : i32
        %sub3A_216 = arith.subi %add3A_155, %sub3A : i32
        %dma_wait3A_217 = arith.constant 0 : i32
        %dma_wait3A_218 = tpu.memref_slice %arg9[%sub3A_216, %dma_wait3A_217] : memref<40x256xi32, #tpu.memory_space<vmem>> -> memref<1x256xi32, #tpu.memory_space<vmem>>
        %dma_wait3A_219 = tpu.memref_squeeze %dma_wait3A_218 : memref<1x256xi32, #tpu.memory_space<vmem>> -> memref<256xi32, #tpu.memory_space<vmem>>
        %dma_wait3A_220 = arith.constant 0 : i32
        %dma_wait3A_221 = arith.constant 0 : i32
        %dma_wait3A_222 = tpu.memref_slice %arg14[%dma_wait3A_220, %dma_wait3A_221] : memref<10240x32xf32, #tpu.memory_space<vmem_shared>> -> memref<10240x32xf32, #tpu.memory_space<vmem_shared>>
        tpu.wait_indirect_dma semaphore(%arg19 : memref<!tpu.dma_semaphore, #tpu.memory_space<semaphore_mem>>) src(%arg10 : memref<256x32xf32, #tpu.memory_space<vmem>>) dst(%dma_wait3A_222 : memref<10240x32xf32, #tpu.memory_space<vmem_shared>>)
      } else {
      }
      %add3A_177 = arith.constant 2 : i32
      %add3A_178 = arith.addi %add3A_155, %add3A_177 : i32
      %lt3A_179 = arith.constant 40 : i32
      %lt3A_180 = arith.cmpi slt, %add3A_178, %lt3A_179 : i32
      %convert_element_type3A_181 = arith.extui %lt3A_180 : i1 to i32
      %cond3A_182 = arith.constant 0 : i32
      %cond3A_183 = arith.cmpi ne, %convert_element_type3A_181, %cond3A_182 : i32
      scf.if %cond3A_183 {
        %add3A_216 = arith.constant 2 : i32
        %add3A_217 = arith.addi %add3A_155, %add3A_216 : i32
        %dma_start3A_218 = arith.constant 0 : i32
        %dma_start3A_219 = tpu.memref_slice %arg8[%add3A_217, %dma_start3A_218] : memref<40x256xi32, #tpu.memory_space<vmem>> -> memref<1x256xi32, #tpu.memory_space<vmem>>
        %dma_start3A_220 = tpu.memref_squeeze %dma_start3A_219 : memref<1x256xi32, #tpu.memory_space<vmem>> -> memref<256xi32, #tpu.memory_space<vmem>>
        %dma_start3A_221 = arith.constant 0 : i32
        %dma_start3A_222 = arith.constant 0 : i32
        %dma_start3A_223 = tpu.memref_slice %arg2[%arg0, %dma_start3A_221, %dma_start3A_222] : memref<2x10240x32xf32, #tpu.memory_space<hbm>> -> memref<1x10240x32xf32, #tpu.memory_space<hbm>>
        %dma_start3A_224 = tpu.memref_squeeze %dma_start3A_223 : memref<1x10240x32xf32, #tpu.memory_space<hbm>> -> memref<10240x32xf32, #tpu.memory_space<hbm>>
        %dma_start3A_225 = arith.constant 0 : i32
        %dma_start3A_226 = arith.constant 0 : i32
        %dma_start3A_227 = tpu.memref_slice %dma_start3A_224[%dma_start3A_225, %dma_start3A_226] : memref<10240x32xf32, #tpu.memory_space<hbm>> -> memref<10240x32xf32, #tpu.memory_space<hbm>>
        tpu.enqueue_indirect_dma source(%dma_start3A_227 : memref<10240x32xf32, #tpu.memory_space<hbm>>) target(%arg10 : memref<256x32xf32, #tpu.memory_space<vmem>>) offsets(%dma_start3A_220 : memref<256xi32, #tpu.memory_space<vmem>>) semaphore(%arg15 : memref<!tpu.dma_semaphore, #tpu.memory_space<semaphore_mem>>)
      } else {
      }
      %mul3A_184 = arith.constant 4 : i32
      %mul3A_185 = arith.muli %mul3A_184, %scan3A_90 : i32
      %add3A_186 = arith.constant 3 : i32
      %add3A_187 = arith.addi %mul3A_185, %add3A_186 : i32
      %dma_wait3A_188 = arith.constant 0 : i32
      %dma_wait3A_189 = tpu.memref_slice %arg8[%add3A_187, %dma_wait3A_188] : memref<40x256xi32, #tpu.memory_space<vmem>> -> memref<1x256xi32, #tpu.memory_space<vmem>>
      %dma_wait3A_190 = tpu.memref_squeeze %dma_wait3A_189 : memref<1x256xi32, #tpu.memory_space<vmem>> -> memref<256xi32, #tpu.memory_space<vmem>>
      %dma_wait3A_191 = arith.constant 0 : i32
      %dma_wait3A_192 = arith.constant 0 : i32
      %dma_wait3A_193 = tpu.memref_slice %arg2[%arg0, %dma_wait3A_191, %dma_wait3A_192] : memref<2x10240x32xf32, #tpu.memory_space<hbm>> -> memref<1x10240x32xf32, #tpu.memory_space<hbm>>
      %dma_wait3A_194 = tpu.memref_squeeze %dma_wait3A_193 : memref<1x10240x32xf32, #tpu.memory_space<hbm>> -> memref<10240x32xf32, #tpu.memory_space<hbm>>
      %dma_wait3A_195 = arith.constant 0 : i32
      %dma_wait3A_196 = arith.constant 0 : i32
      %dma_wait3A_197 = tpu.memref_slice %dma_wait3A_194[%dma_wait3A_195, %dma_wait3A_196] : memref<10240x32xf32, #tpu.memory_space<hbm>> -> memref<10240x32xf32, #tpu.memory_space<hbm>>
      tpu.wait_indirect_dma semaphore(%arg18 : memref<!tpu.dma_semaphore, #tpu.memory_space<semaphore_mem>>) src(%dma_wait3A_197 : memref<10240x32xf32, #tpu.memory_space<hbm>>) dst(%arg13 : memref<256x32xf32, #tpu.memory_space<vmem>>)
      %dma_start3A_198 = arith.constant 0 : i32
      %dma_start3A_199 = tpu.memref_slice %arg9[%add3A_187, %dma_start3A_198] : memref<40x256xi32, #tpu.memory_space<vmem>> -> memref<1x256xi32, #tpu.memory_space<vmem>>
      %dma_start3A_200 = tpu.memref_squeeze %dma_start3A_199 : memref<1x256xi32, #tpu.memory_space<vmem>> -> memref<256xi32, #tpu.memory_space<vmem>>
      %dma_start3A_201 = arith.constant 0 : i32
      %dma_start3A_202 = arith.constant 0 : i32
      %dma_start3A_203 = tpu.memref_slice %arg14[%dma_start3A_201, %dma_start3A_202] : memref<10240x32xf32, #tpu.memory_space<vmem_shared>> -> memref<10240x32xf32, #tpu.memory_space<vmem_shared>>
      tpu.enqueue_indirect_dma source(%arg13 : memref<256x32xf32, #tpu.memory_space<vmem>>) target(%dma_start3A_203 : memref<10240x32xf32, #tpu.memory_space<vmem_shared>>) offsets(%dma_start3A_200 : memref<256xi32, #tpu.memory_space<vmem>>) semaphore(%arg22 : memref<!tpu.dma_semaphore, #tpu.memory_space<semaphore_mem>>) {add = true}
      %ge3A_204 = arith.constant 2 : i32
      %ge3A_205 = arith.cmpi sge, %add3A_187, %ge3A_204 : i32
      %convert_element_type3A_206 = arith.extui %ge3A_205 : i1 to i32
      %cond3A_207 = arith.constant 0 : i32
      %cond3A_208 = arith.cmpi ne, %convert_element_type3A_206, %cond3A_207 : i32
      scf.if %cond3A_208 {
        %sub3A = arith.constant 2 : i32
        %sub3A_216 = arith.subi %add3A_187, %sub3A : i32
        %dma_wait3A_217 = arith.constant 0 : i32
        %dma_wait3A_218 = tpu.memref_slice %arg9[%sub3A_216, %dma_wait3A_217] : memref<40x256xi32, #tpu.memory_space<vmem>> -> memref<1x256xi32, #tpu.memory_space<vmem>>
        %dma_wait3A_219 = tpu.memref_squeeze %dma_wait3A_218 : memref<1x256xi32, #tpu.memory_space<vmem>> -> memref<256xi32, #tpu.memory_space<vmem>>
        %dma_wait3A_220 = arith.constant 0 : i32
        %dma_wait3A_221 = arith.constant 0 : i32
        %dma_wait3A_222 = tpu.memref_slice %arg14[%dma_wait3A_220, %dma_wait3A_221] : memref<10240x32xf32, #tpu.memory_space<vmem_shared>> -> memref<10240x32xf32, #tpu.memory_space<vmem_shared>>
        tpu.wait_indirect_dma semaphore(%arg20 : memref<!tpu.dma_semaphore, #tpu.memory_space<semaphore_mem>>) src(%arg11 : memref<256x32xf32, #tpu.memory_space<vmem>>) dst(%dma_wait3A_222 : memref<10240x32xf32, #tpu.memory_space<vmem_shared>>)
      } else {
      }
      %add3A_209 = arith.constant 2 : i32
      %add3A_210 = arith.addi %add3A_187, %add3A_209 : i32
      %lt3A_211 = arith.constant 40 : i32
      %lt3A_212 = arith.cmpi slt, %add3A_210, %lt3A_211 : i32
      %convert_element_type3A_213 = arith.extui %lt3A_212 : i1 to i32
      %cond3A_214 = arith.constant 0 : i32
      %cond3A_215 = arith.cmpi ne, %convert_element_type3A_213, %cond3A_214 : i32
      scf.if %cond3A_215 {
        %add3A_216 = arith.constant 2 : i32
        %add3A_217 = arith.addi %add3A_187, %add3A_216 : i32
        %dma_start3A_218 = arith.constant 0 : i32
        %dma_start3A_219 = tpu.memref_slice %arg8[%add3A_217, %dma_start3A_218] : memref<40x256xi32, #tpu.memory_space<vmem>> -> memref<1x256xi32, #tpu.memory_space<vmem>>
        %dma_start3A_220 = tpu.memref_squeeze %dma_start3A_219 : memref<1x256xi32, #tpu.memory_space<vmem>> -> memref<256xi32, #tpu.memory_space<vmem>>
        %dma_start3A_221 = arith.constant 0 : i32
        %dma_start3A_222 = arith.constant 0 : i32
        %dma_start3A_223 = tpu.memref_slice %arg2[%arg0, %dma_start3A_221, %dma_start3A_222] : memref<2x10240x32xf32, #tpu.memory_space<hbm>> -> memref<1x10240x32xf32, #tpu.memory_space<hbm>>
        %dma_start3A_224 = tpu.memref_squeeze %dma_start3A_223 : memref<1x10240x32xf32, #tpu.memory_space<hbm>> -> memref<10240x32xf32, #tpu.memory_space<hbm>>
        %dma_start3A_225 = arith.constant 0 : i32
        %dma_start3A_226 = arith.constant 0 : i32
        %dma_start3A_227 = tpu.memref_slice %dma_start3A_224[%dma_start3A_225, %dma_start3A_226] : memref<10240x32xf32, #tpu.memory_space<hbm>> -> memref<10240x32xf32, #tpu.memory_space<hbm>>
        tpu.enqueue_indirect_dma source(%dma_start3A_227 : memref<10240x32xf32, #tpu.memory_space<hbm>>) target(%arg11 : memref<256x32xf32, #tpu.memory_space<vmem>>) offsets(%dma_start3A_220 : memref<256xi32, #tpu.memory_space<vmem>>) semaphore(%arg16 : memref<!tpu.dma_semaphore, #tpu.memory_space<semaphore_mem>>)
      } else {
      }
    }
    %scan3A_26 = arith.constant 10 : i32
    %dma_wait3A = arith.constant 38 : i32
    %dma_wait3A_27 = arith.constant 0 : i32
    %dma_wait3A_28 = tpu.memref_slice %arg9[%dma_wait3A, %dma_wait3A_27] : memref<40x256xi32, #tpu.memory_space<vmem>> -> memref<1x256xi32, #tpu.memory_space<vmem>>
    %dma_wait3A_29 = tpu.memref_squeeze %dma_wait3A_28 : memref<1x256xi32, #tpu.memory_space<vmem>> -> memref<256xi32, #tpu.memory_space<vmem>>
    %dma_wait3A_30 = arith.constant 0 : i32
    %dma_wait3A_31 = arith.constant 0 : i32
    %dma_wait3A_32 = tpu.memref_slice %arg14[%dma_wait3A_30, %dma_wait3A_31] : memref<10240x32xf32, #tpu.memory_space<vmem_shared>> -> memref<10240x32xf32, #tpu.memory_space<vmem_shared>>
    tpu.wait_indirect_dma semaphore(%arg21 : memref<!tpu.dma_semaphore, #tpu.memory_space<semaphore_mem>>) src(%arg12 : memref<256x32xf32, #tpu.memory_space<vmem>>) dst(%dma_wait3A_32 : memref<10240x32xf32, #tpu.memory_space<vmem_shared>>)
    %dma_wait3A_33 = arith.constant 39 : i32
    %dma_wait3A_34 = arith.constant 0 : i32
    %dma_wait3A_35 = tpu.memref_slice %arg9[%dma_wait3A_33, %dma_wait3A_34] : memref<40x256xi32, #tpu.memory_space<vmem>> -> memref<1x256xi32, #tpu.memory_space<vmem>>
    %dma_wait3A_36 = tpu.memref_squeeze %dma_wait3A_35 : memref<1x256xi32, #tpu.memory_space<vmem>> -> memref<256xi32, #tpu.memory_space<vmem>>
    %dma_wait3A_37 = arith.constant 0 : i32
    %dma_wait3A_38 = arith.constant 0 : i32
    %dma_wait3A_39 = tpu.memref_slice %arg14[%dma_wait3A_37, %dma_wait3A_38] : memref<10240x32xf32, #tpu.memory_space<vmem_shared>> -> memref<10240x32xf32, #tpu.memory_space<vmem_shared>>
    tpu.wait_indirect_dma semaphore(%arg22 : memref<!tpu.dma_semaphore, #tpu.memory_space<semaphore_mem>>) src(%arg13 : memref<256x32xf32, #tpu.memory_space<vmem>>) dst(%dma_wait3A_39 : memref<10240x32xf32, #tpu.memory_space<vmem_shared>>)
    "tpu.region"() ({
      %run_scoped3A = tpu.sem_alloc : memref<!tpu.dma_semaphore, #tpu.memory_space<semaphore_mem>>
      %dma_start3A_90 = arith.constant 40 : i32
      %dma_start3A_91 = arith.constant 0 : i32
      %dma_start3A_92 = tpu.memref_slice %arg3[%arg1, %dma_start3A_90, %dma_start3A_91] : memref<16x80x256xi32, #tpu.memory_space<hbm>> -> memref<1x40x256xi32, #tpu.memory_space<hbm>>
      %dma_start3A_93 = tpu.memref_squeeze %dma_start3A_92 : memref<1x40x256xi32, #tpu.memory_space<hbm>> -> memref<40x256xi32, #tpu.memory_space<hbm>>
      %dma_start3A_94 = arith.constant 40 : i32
      %dma_start3A_95 = arith.constant 0 : i32
      %dma_start3A_96 = tpu.memref_slice %arg3[%arg1, %dma_start3A_94, %dma_start3A_95] : memref<16x80x256xi32, #tpu.memory_space<hbm>> -> memref<1x40x256xi32, #tpu.memory_space<hbm>>
      %dma_start3A_97 = tpu.memref_squeeze %dma_start3A_96 : memref<1x40x256xi32, #tpu.memory_space<hbm>> -> memref<40x256xi32, #tpu.memory_space<hbm>>
      tpu.enqueue_dma source(%dma_start3A_97 : memref<40x256xi32, #tpu.memory_space<hbm>>) target(%arg8 : memref<40x256xi32, #tpu.memory_space<vmem>>) target_semaphore(%run_scoped3A : memref<!tpu.dma_semaphore, #tpu.memory_space<semaphore_mem>>)
      %dma_wait3A_98 = arith.constant 40 : i32
      %dma_wait3A_99 = arith.constant 0 : i32
      %dma_wait3A_100 = tpu.memref_slice %arg3[%arg1, %dma_wait3A_98, %dma_wait3A_99] : memref<16x80x256xi32, #tpu.memory_space<hbm>> -> memref<1x40x256xi32, #tpu.memory_space<hbm>>
      %dma_wait3A_101 = tpu.memref_squeeze %dma_wait3A_100 : memref<1x40x256xi32, #tpu.memory_space<hbm>> -> memref<40x256xi32, #tpu.memory_space<hbm>>
      %dma_wait3A_102 = arith.constant 40 : i32
      %dma_wait3A_103 = arith.constant 0 : i32
      %dma_wait3A_104 = tpu.memref_slice %arg3[%arg1, %dma_wait3A_102, %dma_wait3A_103] : memref<16x80x256xi32, #tpu.memory_space<hbm>> -> memref<1x40x256xi32, #tpu.memory_space<hbm>>
      %dma_wait3A_105 = tpu.memref_squeeze %dma_wait3A_104 : memref<1x40x256xi32, #tpu.memory_space<hbm>> -> memref<40x256xi32, #tpu.memory_space<hbm>>
      tpu.wait_dma2 semaphore(%run_scoped3A : memref<!tpu.dma_semaphore, #tpu.memory_space<semaphore_mem>>) src(%dma_wait3A_105 : memref<40x256xi32, #tpu.memory_space<hbm>>) dst(%arg8 : memref<40x256xi32, #tpu.memory_space<vmem>>)
      tpu.yield
    }) : () -> ()
    "tpu.region"() ({
      %run_scoped3A = tpu.sem_alloc : memref<!tpu.dma_semaphore, #tpu.memory_space<semaphore_mem>>
      %dma_start3A_90 = arith.constant 40 : i32
      %dma_start3A_91 = arith.constant 0 : i32
      %dma_start3A_92 = tpu.memref_slice %arg4[%arg1, %dma_start3A_90, %dma_start3A_91] : memref<16x80x256xi32, #tpu.memory_space<hbm>> -> memref<1x40x256xi32, #tpu.memory_space<hbm>>
      %dma_start3A_93 = tpu.memref_squeeze %dma_start3A_92 : memref<1x40x256xi32, #tpu.memory_space<hbm>> -> memref<40x256xi32, #tpu.memory_space<hbm>>
      %dma_start3A_94 = arith.constant 40 : i32
      %dma_start3A_95 = arith.constant 0 : i32
      %dma_start3A_96 = tpu.memref_slice %arg4[%arg1, %dma_start3A_94, %dma_start3A_95] : memref<16x80x256xi32, #tpu.memory_space<hbm>> -> memref<1x40x256xi32, #tpu.memory_space<hbm>>
      %dma_start3A_97 = tpu.memref_squeeze %dma_start3A_96 : memref<1x40x256xi32, #tpu.memory_space<hbm>> -> memref<40x256xi32, #tpu.memory_space<hbm>>
      tpu.enqueue_dma source(%dma_start3A_97 : memref<40x256xi32, #tpu.memory_space<hbm>>) target(%arg9 : memref<40x256xi32, #tpu.memory_space<vmem>>) target_semaphore(%run_scoped3A : memref<!tpu.dma_semaphore, #tpu.memory_space<semaphore_mem>>)
      %dma_wait3A_98 = arith.constant 40 : i32
      %dma_wait3A_99 = arith.constant 0 : i32
      %dma_wait3A_100 = tpu.memref_slice %arg4[%arg1, %dma_wait3A_98, %dma_wait3A_99] : memref<16x80x256xi32, #tpu.memory_space<hbm>> -> memref<1x40x256xi32, #tpu.memory_space<hbm>>
      %dma_wait3A_101 = tpu.memref_squeeze %dma_wait3A_100 : memref<1x40x256xi32, #tpu.memory_space<hbm>> -> memref<40x256xi32, #tpu.memory_space<hbm>>
      %dma_wait3A_102 = arith.constant 40 : i32
      %dma_wait3A_103 = arith.constant 0 : i32
      %dma_wait3A_104 = tpu.memref_slice %arg4[%arg1, %dma_wait3A_102, %dma_wait3A_103] : memref<16x80x256xi32, #tpu.memory_space<hbm>> -> memref<1x40x256xi32, #tpu.memory_space<hbm>>
      %dma_wait3A_105 = tpu.memref_squeeze %dma_wait3A_104 : memref<1x40x256xi32, #tpu.memory_space<hbm>> -> memref<40x256xi32, #tpu.memory_space<hbm>>
      tpu.wait_dma2 semaphore(%run_scoped3A : memref<!tpu.dma_semaphore, #tpu.memory_space<semaphore_mem>>) src(%dma_wait3A_105 : memref<40x256xi32, #tpu.memory_space<hbm>>) dst(%arg9 : memref<40x256xi32, #tpu.memory_space<vmem>>)
      tpu.yield
    }) : () -> ()
    %dma_start3A_40 = arith.constant 0 : i32
    %dma_start3A_41 = arith.constant 0 : i32
    %dma_start3A_42 = tpu.memref_slice %arg8[%dma_start3A_40, %dma_start3A_41] : memref<40x256xi32, #tpu.memory_space<vmem>> -> memref<1x256xi32, #tpu.memory_space<vmem>>
    %dma_start3A_43 = tpu.memref_squeeze %dma_start3A_42 : memref<1x256xi32, #tpu.memory_space<vmem>> -> memref<256xi32, #tpu.memory_space<vmem>>
    %dma_start3A_44 = arith.constant 0 : i32
    %dma_start3A_45 = arith.constant 0 : i32
    %dma_start3A_46 = tpu.memref_slice %arg2[%arg0, %dma_start3A_44, %dma_start3A_45] : memref<2x10240x32xf32, #tpu.memory_space<hbm>> -> memref<1x10240x32xf32, #tpu.memory_space<hbm>>
    %dma_start3A_47 = tpu.memref_squeeze %dma_start3A_46 : memref<1x10240x32xf32, #tpu.memory_space<hbm>> -> memref<10240x32xf32, #tpu.memory_space<hbm>>
    %dma_start3A_48 = arith.constant 0 : i32
    %dma_start3A_49 = arith.constant 0 : i32
    %dma_start3A_50 = tpu.memref_slice %dma_start3A_47[%dma_start3A_48, %dma_start3A_49] : memref<10240x32xf32, #tpu.memory_space<hbm>> -> memref<10240x32xf32, #tpu.memory_space<hbm>>
    tpu.enqueue_indirect_dma source(%dma_start3A_50 : memref<10240x32xf32, #tpu.memory_space<hbm>>) target(%arg10 : memref<256x32xf32, #tpu.memory_space<vmem>>) offsets(%dma_start3A_43 : memref<256xi32, #tpu.memory_space<vmem>>) semaphore(%arg15 : memref<!tpu.dma_semaphore, #tpu.memory_space<semaphore_mem>>)
    %dma_start3A_51 = arith.constant 1 : i32
    %dma_start3A_52 = arith.constant 0 : i32
    %dma_start3A_53 = tpu.memref_slice %arg8[%dma_start3A_51, %dma_start3A_52] : memref<40x256xi32, #tpu.memory_space<vmem>> -> memref<1x256xi32, #tpu.memory_space<vmem>>
    %dma_start3A_54 = tpu.memref_squeeze %dma_start3A_53 : memref<1x256xi32, #tpu.memory_space<vmem>> -> memref<256xi32, #tpu.memory_space<vmem>>
    %dma_start3A_55 = arith.constant 0 : i32
    %dma_start3A_56 = arith.constant 0 : i32
    %dma_start3A_57 = tpu.memref_slice %arg2[%arg0, %dma_start3A_55, %dma_start3A_56] : memref<2x10240x32xf32, #tpu.memory_space<hbm>> -> memref<1x10240x32xf32, #tpu.memory_space<hbm>>
    %dma_start3A_58 = tpu.memref_squeeze %dma_start3A_57 : memref<1x10240x32xf32, #tpu.memory_space<hbm>> -> memref<10240x32xf32, #tpu.memory_space<hbm>>
    %dma_start3A_59 = arith.constant 0 : i32
    %dma_start3A_60 = arith.constant 0 : i32
    %dma_start3A_61 = tpu.memref_slice %dma_start3A_58[%dma_start3A_59, %dma_start3A_60] : memref<10240x32xf32, #tpu.memory_space<hbm>> -> memref<10240x32xf32, #tpu.memory_space<hbm>>
    tpu.enqueue_indirect_dma source(%dma_start3A_61 : memref<10240x32xf32, #tpu.memory_space<hbm>>) target(%arg11 : memref<256x32xf32, #tpu.memory_space<vmem>>) offsets(%dma_start3A_54 : memref<256xi32, #tpu.memory_space<vmem>>) semaphore(%arg16 : memref<!tpu.dma_semaphore, #tpu.memory_space<semaphore_mem>>)
    %scan3A_62 = arith.constant 0 : i32
    %scan3A_63 = arith.constant 0 : i32
    %scan3A_64 = arith.constant 10 : i32
    %scan3A_65 = arith.addi %scan3A_63, %scan3A_64 : i32
    %scan3A_66 = arith.constant 1 : i32
    scf.for %scan3A_90 = %scan3A_63 to %scan3A_65 step %scan3A_66  : i32 {
      %mul3A_91 = arith.constant 4 : i32
      %mul3A_92 = arith.muli %mul3A_91, %scan3A_90 : i32
      %add3A = arith.constant 0 : i32
      %add3A_93 = arith.addi %mul3A_92, %add3A : i32
      %dma_wait3A_94 = arith.constant 0 : i32
      %dma_wait3A_95 = tpu.memref_slice %arg8[%add3A_93, %dma_wait3A_94] : memref<40x256xi32, #tpu.memory_space<vmem>> -> memref<1x256xi32, #tpu.memory_space<vmem>>
      %dma_wait3A_96 = tpu.memref_squeeze %dma_wait3A_95 : memref<1x256xi32, #tpu.memory_space<vmem>> -> memref<256xi32, #tpu.memory_space<vmem>>
      %dma_wait3A_97 = arith.constant 0 : i32
      %dma_wait3A_98 = arith.constant 0 : i32
      %dma_wait3A_99 = tpu.memref_slice %arg2[%arg0, %dma_wait3A_97, %dma_wait3A_98] : memref<2x10240x32xf32, #tpu.memory_space<hbm>> -> memref<1x10240x32xf32, #tpu.memory_space<hbm>>
      %dma_wait3A_100 = tpu.memref_squeeze %dma_wait3A_99 : memref<1x10240x32xf32, #tpu.memory_space<hbm>> -> memref<10240x32xf32, #tpu.memory_space<hbm>>
      %dma_wait3A_101 = arith.constant 0 : i32
      %dma_wait3A_102 = arith.constant 0 : i32
      %dma_wait3A_103 = tpu.memref_slice %dma_wait3A_100[%dma_wait3A_101, %dma_wait3A_102] : memref<10240x32xf32, #tpu.memory_space<hbm>> -> memref<10240x32xf32, #tpu.memory_space<hbm>>
      tpu.wait_indirect_dma semaphore(%arg15 : memref<!tpu.dma_semaphore, #tpu.memory_space<semaphore_mem>>) src(%dma_wait3A_103 : memref<10240x32xf32, #tpu.memory_space<hbm>>) dst(%arg10 : memref<256x32xf32, #tpu.memory_space<vmem>>)
      %dma_start3A_104 = arith.constant 0 : i32
      %dma_start3A_105 = tpu.memref_slice %arg9[%add3A_93, %dma_start3A_104] : memref<40x256xi32, #tpu.memory_space<vmem>> -> memref<1x256xi32, #tpu.memory_space<vmem>>
      %dma_start3A_106 = tpu.memref_squeeze %dma_start3A_105 : memref<1x256xi32, #tpu.memory_space<vmem>> -> memref<256xi32, #tpu.memory_space<vmem>>
      %dma_start3A_107 = arith.constant 0 : i32
      %dma_start3A_108 = arith.constant 0 : i32
      %dma_start3A_109 = tpu.memref_slice %arg14[%dma_start3A_107, %dma_start3A_108] : memref<10240x32xf32, #tpu.memory_space<vmem_shared>> -> memref<10240x32xf32, #tpu.memory_space<vmem_shared>>
      tpu.enqueue_indirect_dma source(%arg10 : memref<256x32xf32, #tpu.memory_space<vmem>>) target(%dma_start3A_109 : memref<10240x32xf32, #tpu.memory_space<vmem_shared>>) offsets(%dma_start3A_106 : memref<256xi32, #tpu.memory_space<vmem>>) semaphore(%arg19 : memref<!tpu.dma_semaphore, #tpu.memory_space<semaphore_mem>>) {add = true}
      %ge3A = arith.constant 2 : i32
      %ge3A_110 = arith.cmpi sge, %add3A_93, %ge3A : i32
      %convert_element_type3A_111 = arith.extui %ge3A_110 : i1 to i32
      %cond3A_112 = arith.constant 0 : i32
      %cond3A_113 = arith.cmpi ne, %convert_element_type3A_111, %cond3A_112 : i32
      scf.if %cond3A_113 {
        %sub3A = arith.constant 2 : i32
        %sub3A_216 = arith.subi %add3A_93, %sub3A : i32
        %dma_wait3A_217 = arith.constant 0 : i32
        %dma_wait3A_218 = tpu.memref_slice %arg9[%sub3A_216, %dma_wait3A_217] : memref<40x256xi32, #tpu.memory_space<vmem>> -> memref<1x256xi32, #tpu.memory_space<vmem>>
        %dma_wait3A_219 = tpu.memref_squeeze %dma_wait3A_218 : memref<1x256xi32, #tpu.memory_space<vmem>> -> memref<256xi32, #tpu.memory_space<vmem>>
        %dma_wait3A_220 = arith.constant 0 : i32
        %dma_wait3A_221 = arith.constant 0 : i32
        %dma_wait3A_222 = tpu.memref_slice %arg14[%dma_wait3A_220, %dma_wait3A_221] : memref<10240x32xf32, #tpu.memory_space<vmem_shared>> -> memref<10240x32xf32, #tpu.memory_space<vmem_shared>>
        tpu.wait_indirect_dma semaphore(%arg21 : memref<!tpu.dma_semaphore, #tpu.memory_space<semaphore_mem>>) src(%arg12 : memref<256x32xf32, #tpu.memory_space<vmem>>) dst(%dma_wait3A_222 : memref<10240x32xf32, #tpu.memory_space<vmem_shared>>)
      } else {
      }
      %add3A_114 = arith.constant 2 : i32
      %add3A_115 = arith.addi %add3A_93, %add3A_114 : i32
      %lt3A = arith.constant 40 : i32
      %lt3A_116 = arith.cmpi slt, %add3A_115, %lt3A : i32
      %convert_element_type3A_117 = arith.extui %lt3A_116 : i1 to i32
      %cond3A_118 = arith.constant 0 : i32
      %cond3A_119 = arith.cmpi ne, %convert_element_type3A_117, %cond3A_118 : i32
      scf.if %cond3A_119 {
        %add3A_216 = arith.constant 2 : i32
        %add3A_217 = arith.addi %add3A_93, %add3A_216 : i32
        %dma_start3A_218 = arith.constant 0 : i32
        %dma_start3A_219 = tpu.memref_slice %arg8[%add3A_217, %dma_start3A_218] : memref<40x256xi32, #tpu.memory_space<vmem>> -> memref<1x256xi32, #tpu.memory_space<vmem>>
        %dma_start3A_220 = tpu.memref_squeeze %dma_start3A_219 : memref<1x256xi32, #tpu.memory_space<vmem>> -> memref<256xi32, #tpu.memory_space<vmem>>
        %dma_start3A_221 = arith.constant 0 : i32
        %dma_start3A_222 = arith.constant 0 : i32
        %dma_start3A_223 = tpu.memref_slice %arg2[%arg0, %dma_start3A_221, %dma_start3A_222] : memref<2x10240x32xf32, #tpu.memory_space<hbm>> -> memref<1x10240x32xf32, #tpu.memory_space<hbm>>
        %dma_start3A_224 = tpu.memref_squeeze %dma_start3A_223 : memref<1x10240x32xf32, #tpu.memory_space<hbm>> -> memref<10240x32xf32, #tpu.memory_space<hbm>>
        %dma_start3A_225 = arith.constant 0 : i32
        %dma_start3A_226 = arith.constant 0 : i32
        %dma_start3A_227 = tpu.memref_slice %dma_start3A_224[%dma_start3A_225, %dma_start3A_226] : memref<10240x32xf32, #tpu.memory_space<hbm>> -> memref<10240x32xf32, #tpu.memory_space<hbm>>
        tpu.enqueue_indirect_dma source(%dma_start3A_227 : memref<10240x32xf32, #tpu.memory_space<hbm>>) target(%arg12 : memref<256x32xf32, #tpu.memory_space<vmem>>) offsets(%dma_start3A_220 : memref<256xi32, #tpu.memory_space<vmem>>) semaphore(%arg17 : memref<!tpu.dma_semaphore, #tpu.memory_space<semaphore_mem>>)
      } else {
      }
      %mul3A_120 = arith.constant 4 : i32
      %mul3A_121 = arith.muli %mul3A_120, %scan3A_90 : i32
      %add3A_122 = arith.constant 1 : i32
      %add3A_123 = arith.addi %mul3A_121, %add3A_122 : i32
      %dma_wait3A_124 = arith.constant 0 : i32
      %dma_wait3A_125 = tpu.memref_slice %arg8[%add3A_123, %dma_wait3A_124] : memref<40x256xi32, #tpu.memory_space<vmem>> -> memref<1x256xi32, #tpu.memory_space<vmem>>
      %dma_wait3A_126 = tpu.memref_squeeze %dma_wait3A_125 : memref<1x256xi32, #tpu.memory_space<vmem>> -> memref<256xi32, #tpu.memory_space<vmem>>
      %dma_wait3A_127 = arith.constant 0 : i32
      %dma_wait3A_128 = arith.constant 0 : i32
      %dma_wait3A_129 = tpu.memref_slice %arg2[%arg0, %dma_wait3A_127, %dma_wait3A_128] : memref<2x10240x32xf32, #tpu.memory_space<hbm>> -> memref<1x10240x32xf32, #tpu.memory_space<hbm>>
      %dma_wait3A_130 = tpu.memref_squeeze %dma_wait3A_129 : memref<1x10240x32xf32, #tpu.memory_space<hbm>> -> memref<10240x32xf32, #tpu.memory_space<hbm>>
      %dma_wait3A_131 = arith.constant 0 : i32
      %dma_wait3A_132 = arith.constant 0 : i32
      %dma_wait3A_133 = tpu.memref_slice %dma_wait3A_130[%dma_wait3A_131, %dma_wait3A_132] : memref<10240x32xf32, #tpu.memory_space<hbm>> -> memref<10240x32xf32, #tpu.memory_space<hbm>>
      tpu.wait_indirect_dma semaphore(%arg16 : memref<!tpu.dma_semaphore, #tpu.memory_space<semaphore_mem>>) src(%dma_wait3A_133 : memref<10240x32xf32, #tpu.memory_space<hbm>>) dst(%arg11 : memref<256x32xf32, #tpu.memory_space<vmem>>)
      %dma_start3A_134 = arith.constant 0 : i32
      %dma_start3A_135 = tpu.memref_slice %arg9[%add3A_123, %dma_start3A_134] : memref<40x256xi32, #tpu.memory_space<vmem>> -> memref<1x256xi32, #tpu.memory_space<vmem>>
      %dma_start3A_136 = tpu.memref_squeeze %dma_start3A_135 : memref<1x256xi32, #tpu.memory_space<vmem>> -> memref<256xi32, #tpu.memory_space<vmem>>
      %dma_start3A_137 = arith.constant 0 : i32
      %dma_start3A_138 = arith.constant 0 : i32
      %dma_start3A_139 = tpu.memref_slice %arg14[%dma_start3A_137, %dma_start3A_138] : memref<10240x32xf32, #tpu.memory_space<vmem_shared>> -> memref<10240x32xf32, #tpu.memory_space<vmem_shared>>
      tpu.enqueue_indirect_dma source(%arg11 : memref<256x32xf32, #tpu.memory_space<vmem>>) target(%dma_start3A_139 : memref<10240x32xf32, #tpu.memory_space<vmem_shared>>) offsets(%dma_start3A_136 : memref<256xi32, #tpu.memory_space<vmem>>) semaphore(%arg20 : memref<!tpu.dma_semaphore, #tpu.memory_space<semaphore_mem>>) {add = true}
      %ge3A_140 = arith.constant 2 : i32
      %ge3A_141 = arith.cmpi sge, %add3A_123, %ge3A_140 : i32
      %convert_element_type3A_142 = arith.extui %ge3A_141 : i1 to i32
      %cond3A_143 = arith.constant 0 : i32
      %cond3A_144 = arith.cmpi ne, %convert_element_type3A_142, %cond3A_143 : i32
      scf.if %cond3A_144 {
        %sub3A = arith.constant 2 : i32
        %sub3A_216 = arith.subi %add3A_123, %sub3A : i32
        %dma_wait3A_217 = arith.constant 0 : i32
        %dma_wait3A_218 = tpu.memref_slice %arg9[%sub3A_216, %dma_wait3A_217] : memref<40x256xi32, #tpu.memory_space<vmem>> -> memref<1x256xi32, #tpu.memory_space<vmem>>
        %dma_wait3A_219 = tpu.memref_squeeze %dma_wait3A_218 : memref<1x256xi32, #tpu.memory_space<vmem>> -> memref<256xi32, #tpu.memory_space<vmem>>
        %dma_wait3A_220 = arith.constant 0 : i32
        %dma_wait3A_221 = arith.constant 0 : i32
        %dma_wait3A_222 = tpu.memref_slice %arg14[%dma_wait3A_220, %dma_wait3A_221] : memref<10240x32xf32, #tpu.memory_space<vmem_shared>> -> memref<10240x32xf32, #tpu.memory_space<vmem_shared>>
        tpu.wait_indirect_dma semaphore(%arg22 : memref<!tpu.dma_semaphore, #tpu.memory_space<semaphore_mem>>) src(%arg13 : memref<256x32xf32, #tpu.memory_space<vmem>>) dst(%dma_wait3A_222 : memref<10240x32xf32, #tpu.memory_space<vmem_shared>>)
      } else {
      }
      %add3A_145 = arith.constant 2 : i32
      %add3A_146 = arith.addi %add3A_123, %add3A_145 : i32
      %lt3A_147 = arith.constant 40 : i32
      %lt3A_148 = arith.cmpi slt, %add3A_146, %lt3A_147 : i32
      %convert_element_type3A_149 = arith.extui %lt3A_148 : i1 to i32
      %cond3A_150 = arith.constant 0 : i32
      %cond3A_151 = arith.cmpi ne, %convert_element_type3A_149, %cond3A_150 : i32
      scf.if %cond3A_151 {
        %add3A_216 = arith.constant 2 : i32
        %add3A_217 = arith.addi %add3A_123, %add3A_216 : i32
        %dma_start3A_218 = arith.constant 0 : i32
        %dma_start3A_219 = tpu.memref_slice %arg8[%add3A_217, %dma_start3A_218] : memref<40x256xi32, #tpu.memory_space<vmem>> -> memref<1x256xi32, #tpu.memory_space<vmem>>
        %dma_start3A_220 = tpu.memref_squeeze %dma_start3A_219 : memref<1x256xi32, #tpu.memory_space<vmem>> -> memref<256xi32, #tpu.memory_space<vmem>>
        %dma_start3A_221 = arith.constant 0 : i32
        %dma_start3A_222 = arith.constant 0 : i32
        %dma_start3A_223 = tpu.memref_slice %arg2[%arg0, %dma_start3A_221, %dma_start3A_222] : memref<2x10240x32xf32, #tpu.memory_space<hbm>> -> memref<1x10240x32xf32, #tpu.memory_space<hbm>>
        %dma_start3A_224 = tpu.memref_squeeze %dma_start3A_223 : memref<1x10240x32xf32, #tpu.memory_space<hbm>> -> memref<10240x32xf32, #tpu.memory_space<hbm>>
        %dma_start3A_225 = arith.constant 0 : i32
        %dma_start3A_226 = arith.constant 0 : i32
        %dma_start3A_227 = tpu.memref_slice %dma_start3A_224[%dma_start3A_225, %dma_start3A_226] : memref<10240x32xf32, #tpu.memory_space<hbm>> -> memref<10240x32xf32, #tpu.memory_space<hbm>>
        tpu.enqueue_indirect_dma source(%dma_start3A_227 : memref<10240x32xf32, #tpu.memory_space<hbm>>) target(%arg13 : memref<256x32xf32, #tpu.memory_space<vmem>>) offsets(%dma_start3A_220 : memref<256xi32, #tpu.memory_space<vmem>>) semaphore(%arg18 : memref<!tpu.dma_semaphore, #tpu.memory_space<semaphore_mem>>)
      } else {
      }
      %mul3A_152 = arith.constant 4 : i32
      %mul3A_153 = arith.muli %mul3A_152, %scan3A_90 : i32
      %add3A_154 = arith.constant 2 : i32
      %add3A_155 = arith.addi %mul3A_153, %add3A_154 : i32
      %dma_wait3A_156 = arith.constant 0 : i32
      %dma_wait3A_157 = tpu.memref_slice %arg8[%add3A_155, %dma_wait3A_156] : memref<40x256xi32, #tpu.memory_space<vmem>> -> memref<1x256xi32, #tpu.memory_space<vmem>>
      %dma_wait3A_158 = tpu.memref_squeeze %dma_wait3A_157 : memref<1x256xi32, #tpu.memory_space<vmem>> -> memref<256xi32, #tpu.memory_space<vmem>>
      %dma_wait3A_159 = arith.constant 0 : i32
      %dma_wait3A_160 = arith.constant 0 : i32
      %dma_wait3A_161 = tpu.memref_slice %arg2[%arg0, %dma_wait3A_159, %dma_wait3A_160] : memref<2x10240x32xf32, #tpu.memory_space<hbm>> -> memref<1x10240x32xf32, #tpu.memory_space<hbm>>
      %dma_wait3A_162 = tpu.memref_squeeze %dma_wait3A_161 : memref<1x10240x32xf32, #tpu.memory_space<hbm>> -> memref<10240x32xf32, #tpu.memory_space<hbm>>
      %dma_wait3A_163 = arith.constant 0 : i32
      %dma_wait3A_164 = arith.constant 0 : i32
      %dma_wait3A_165 = tpu.memref_slice %dma_wait3A_162[%dma_wait3A_163, %dma_wait3A_164] : memref<10240x32xf32, #tpu.memory_space<hbm>> -> memref<10240x32xf32, #tpu.memory_space<hbm>>
      tpu.wait_indirect_dma semaphore(%arg17 : memref<!tpu.dma_semaphore, #tpu.memory_space<semaphore_mem>>) src(%dma_wait3A_165 : memref<10240x32xf32, #tpu.memory_space<hbm>>) dst(%arg12 : memref<256x32xf32, #tpu.memory_space<vmem>>)
      %dma_start3A_166 = arith.constant 0 : i32
      %dma_start3A_167 = tpu.memref_slice %arg9[%add3A_155, %dma_start3A_166] : memref<40x256xi32, #tpu.memory_space<vmem>> -> memref<1x256xi32, #tpu.memory_space<vmem>>
      %dma_start3A_168 = tpu.memref_squeeze %dma_start3A_167 : memref<1x256xi32, #tpu.memory_space<vmem>> -> memref<256xi32, #tpu.memory_space<vmem>>
      %dma_start3A_169 = arith.constant 0 : i32
      %dma_start3A_170 = arith.constant 0 : i32
      %dma_start3A_171 = tpu.memref_slice %arg14[%dma_start3A_169, %dma_start3A_170] : memref<10240x32xf32, #tpu.memory_space<vmem_shared>> -> memref<10240x32xf32, #tpu.memory_space<vmem_shared>>
      tpu.enqueue_indirect_dma source(%arg12 : memref<256x32xf32, #tpu.memory_space<vmem>>) target(%dma_start3A_171 : memref<10240x32xf32, #tpu.memory_space<vmem_shared>>) offsets(%dma_start3A_168 : memref<256xi32, #tpu.memory_space<vmem>>) semaphore(%arg21 : memref<!tpu.dma_semaphore, #tpu.memory_space<semaphore_mem>>) {add = true}
      %ge3A_172 = arith.constant 2 : i32
      %ge3A_173 = arith.cmpi sge, %add3A_155, %ge3A_172 : i32
      %convert_element_type3A_174 = arith.extui %ge3A_173 : i1 to i32
      %cond3A_175 = arith.constant 0 : i32
      %cond3A_176 = arith.cmpi ne, %convert_element_type3A_174, %cond3A_175 : i32
      scf.if %cond3A_176 {
        %sub3A = arith.constant 2 : i32
        %sub3A_216 = arith.subi %add3A_155, %sub3A : i32
        %dma_wait3A_217 = arith.constant 0 : i32
        %dma_wait3A_218 = tpu.memref_slice %arg9[%sub3A_216, %dma_wait3A_217] : memref<40x256xi32, #tpu.memory_space<vmem>> -> memref<1x256xi32, #tpu.memory_space<vmem>>
        %dma_wait3A_219 = tpu.memref_squeeze %dma_wait3A_218 : memref<1x256xi32, #tpu.memory_space<vmem>> -> memref<256xi32, #tpu.memory_space<vmem>>
        %dma_wait3A_220 = arith.constant 0 : i32
        %dma_wait3A_221 = arith.constant 0 : i32
        %dma_wait3A_222 = tpu.memref_slice %arg14[%dma_wait3A_220, %dma_wait3A_221] : memref<10240x32xf32, #tpu.memory_space<vmem_shared>> -> memref<10240x32xf32, #tpu.memory_space<vmem_shared>>
        tpu.wait_indirect_dma semaphore(%arg19 : memref<!tpu.dma_semaphore, #tpu.memory_space<semaphore_mem>>) src(%arg10 : memref<256x32xf32, #tpu.memory_space<vmem>>) dst(%dma_wait3A_222 : memref<10240x32xf32, #tpu.memory_space<vmem_shared>>)
      } else {
      }
      %add3A_177 = arith.constant 2 : i32
      %add3A_178 = arith.addi %add3A_155, %add3A_177 : i32
      %lt3A_179 = arith.constant 40 : i32
      %lt3A_180 = arith.cmpi slt, %add3A_178, %lt3A_179 : i32
      %convert_element_type3A_181 = arith.extui %lt3A_180 : i1 to i32
      %cond3A_182 = arith.constant 0 : i32
      %cond3A_183 = arith.cmpi ne, %convert_element_type3A_181, %cond3A_182 : i32
      scf.if %cond3A_183 {
        %add3A_216 = arith.constant 2 : i32
        %add3A_217 = arith.addi %add3A_155, %add3A_216 : i32
        %dma_start3A_218 = arith.constant 0 : i32
        %dma_start3A_219 = tpu.memref_slice %arg8[%add3A_217, %dma_start3A_218] : memref<40x256xi32, #tpu.memory_space<vmem>> -> memref<1x256xi32, #tpu.memory_space<vmem>>
        %dma_start3A_220 = tpu.memref_squeeze %dma_start3A_219 : memref<1x256xi32, #tpu.memory_space<vmem>> -> memref<256xi32, #tpu.memory_space<vmem>>
        %dma_start3A_221 = arith.constant 0 : i32
        %dma_start3A_222 = arith.constant 0 : i32
        %dma_start3A_223 = tpu.memref_slice %arg2[%arg0, %dma_start3A_221, %dma_start3A_222] : memref<2x10240x32xf32, #tpu.memory_space<hbm>> -> memref<1x10240x32xf32, #tpu.memory_space<hbm>>
        %dma_start3A_224 = tpu.memref_squeeze %dma_start3A_223 : memref<1x10240x32xf32, #tpu.memory_space<hbm>> -> memref<10240x32xf32, #tpu.memory_space<hbm>>
        %dma_start3A_225 = arith.constant 0 : i32
        %dma_start3A_226 = arith.constant 0 : i32
        %dma_start3A_227 = tpu.memref_slice %dma_start3A_224[%dma_start3A_225, %dma_start3A_226] : memref<10240x32xf32, #tpu.memory_space<hbm>> -> memref<10240x32xf32, #tpu.memory_space<hbm>>
        tpu.enqueue_indirect_dma source(%dma_start3A_227 : memref<10240x32xf32, #tpu.memory_space<hbm>>) target(%arg10 : memref<256x32xf32, #tpu.memory_space<vmem>>) offsets(%dma_start3A_220 : memref<256xi32, #tpu.memory_space<vmem>>) semaphore(%arg15 : memref<!tpu.dma_semaphore, #tpu.memory_space<semaphore_mem>>)
      } else {
      }
      %mul3A_184 = arith.constant 4 : i32
      %mul3A_185 = arith.muli %mul3A_184, %scan3A_90 : i32
      %add3A_186 = arith.constant 3 : i32
      %add3A_187 = arith.addi %mul3A_185, %add3A_186 : i32
      %dma_wait3A_188 = arith.constant 0 : i32
      %dma_wait3A_189 = tpu.memref_slice %arg8[%add3A_187, %dma_wait3A_188] : memref<40x256xi32, #tpu.memory_space<vmem>> -> memref<1x256xi32, #tpu.memory_space<vmem>>
      %dma_wait3A_190 = tpu.memref_squeeze %dma_wait3A_189 : memref<1x256xi32, #tpu.memory_space<vmem>> -> memref<256xi32, #tpu.memory_space<vmem>>
      %dma_wait3A_191 = arith.constant 0 : i32
      %dma_wait3A_192 = arith.constant 0 : i32
      %dma_wait3A_193 = tpu.memref_slice %arg2[%arg0, %dma_wait3A_191, %dma_wait3A_192] : memref<2x10240x32xf32, #tpu.memory_space<hbm>> -> memref<1x10240x32xf32, #tpu.memory_space<hbm>>
      %dma_wait3A_194 = tpu.memref_squeeze %dma_wait3A_193 : memref<1x10240x32xf32, #tpu.memory_space<hbm>> -> memref<10240x32xf32, #tpu.memory_space<hbm>>
      %dma_wait3A_195 = arith.constant 0 : i32
      %dma_wait3A_196 = arith.constant 0 : i32
      %dma_wait3A_197 = tpu.memref_slice %dma_wait3A_194[%dma_wait3A_195, %dma_wait3A_196] : memref<10240x32xf32, #tpu.memory_space<hbm>> -> memref<10240x32xf32, #tpu.memory_space<hbm>>
      tpu.wait_indirect_dma semaphore(%arg18 : memref<!tpu.dma_semaphore, #tpu.memory_space<semaphore_mem>>) src(%dma_wait3A_197 : memref<10240x32xf32, #tpu.memory_space<hbm>>) dst(%arg13 : memref<256x32xf32, #tpu.memory_space<vmem>>)
      %dma_start3A_198 = arith.constant 0 : i32
      %dma_start3A_199 = tpu.memref_slice %arg9[%add3A_187, %dma_start3A_198] : memref<40x256xi32, #tpu.memory_space<vmem>> -> memref<1x256xi32, #tpu.memory_space<vmem>>
      %dma_start3A_200 = tpu.memref_squeeze %dma_start3A_199 : memref<1x256xi32, #tpu.memory_space<vmem>> -> memref<256xi32, #tpu.memory_space<vmem>>
      %dma_start3A_201 = arith.constant 0 : i32
      %dma_start3A_202 = arith.constant 0 : i32
      %dma_start3A_203 = tpu.memref_slice %arg14[%dma_start3A_201, %dma_start3A_202] : memref<10240x32xf32, #tpu.memory_space<vmem_shared>> -> memref<10240x32xf32, #tpu.memory_space<vmem_shared>>
      tpu.enqueue_indirect_dma source(%arg13 : memref<256x32xf32, #tpu.memory_space<vmem>>) target(%dma_start3A_203 : memref<10240x32xf32, #tpu.memory_space<vmem_shared>>) offsets(%dma_start3A_200 : memref<256xi32, #tpu.memory_space<vmem>>) semaphore(%arg22 : memref<!tpu.dma_semaphore, #tpu.memory_space<semaphore_mem>>) {add = true}
      %ge3A_204 = arith.constant 2 : i32
      %ge3A_205 = arith.cmpi sge, %add3A_187, %ge3A_204 : i32
      %convert_element_type3A_206 = arith.extui %ge3A_205 : i1 to i32
      %cond3A_207 = arith.constant 0 : i32
      %cond3A_208 = arith.cmpi ne, %convert_element_type3A_206, %cond3A_207 : i32
      scf.if %cond3A_208 {
        %sub3A = arith.constant 2 : i32
        %sub3A_216 = arith.subi %add3A_187, %sub3A : i32
        %dma_wait3A_217 = arith.constant 0 : i32
        %dma_wait3A_218 = tpu.memref_slice %arg9[%sub3A_216, %dma_wait3A_217] : memref<40x256xi32, #tpu.memory_space<vmem>> -> memref<1x256xi32, #tpu.memory_space<vmem>>
        %dma_wait3A_219 = tpu.memref_squeeze %dma_wait3A_218 : memref<1x256xi32, #tpu.memory_space<vmem>> -> memref<256xi32, #tpu.memory_space<vmem>>
        %dma_wait3A_220 = arith.constant 0 : i32
        %dma_wait3A_221 = arith.constant 0 : i32
        %dma_wait3A_222 = tpu.memref_slice %arg14[%dma_wait3A_220, %dma_wait3A_221] : memref<10240x32xf32, #tpu.memory_space<vmem_shared>> -> memref<10240x32xf32, #tpu.memory_space<vmem_shared>>
        tpu.wait_indirect_dma semaphore(%arg20 : memref<!tpu.dma_semaphore, #tpu.memory_space<semaphore_mem>>) src(%arg11 : memref<256x32xf32, #tpu.memory_space<vmem>>) dst(%dma_wait3A_222 : memref<10240x32xf32, #tpu.memory_space<vmem_shared>>)
      } else {
      }
      %add3A_209 = arith.constant 2 : i32
      %add3A_210 = arith.addi %add3A_187, %add3A_209 : i32
      %lt3A_211 = arith.constant 40 : i32
      %lt3A_212 = arith.cmpi slt, %add3A_210, %lt3A_211 : i32
      %convert_element_type3A_213 = arith.extui %lt3A_212 : i1 to i32
      %cond3A_214 = arith.constant 0 : i32
      %cond3A_215 = arith.cmpi ne, %convert_element_type3A_213, %cond3A_214 : i32
      scf.if %cond3A_215 {
        %add3A_216 = arith.constant 2 : i32
        %add3A_217 = arith.addi %add3A_187, %add3A_216 : i32
        %dma_start3A_218 = arith.constant 0 : i32
        %dma_start3A_219 = tpu.memref_slice %arg8[%add3A_217, %dma_start3A_218] : memref<40x256xi32, #tpu.memory_space<vmem>> -> memref<1x256xi32, #tpu.memory_space<vmem>>
        %dma_start3A_220 = tpu.memref_squeeze %dma_start3A_219 : memref<1x256xi32, #tpu.memory_space<vmem>> -> memref<256xi32, #tpu.memory_space<vmem>>
        %dma_start3A_221 = arith.constant 0 : i32
        %dma_start3A_222 = arith.constant 0 : i32
        %dma_start3A_223 = tpu.memref_slice %arg2[%arg0, %dma_start3A_221, %dma_start3A_222] : memref<2x10240x32xf32, #tpu.memory_space<hbm>> -> memref<1x10240x32xf32, #tpu.memory_space<hbm>>
        %dma_start3A_224 = tpu.memref_squeeze %dma_start3A_223 : memref<1x10240x32xf32, #tpu.memory_space<hbm>> -> memref<10240x32xf32, #tpu.memory_space<hbm>>
        %dma_start3A_225 = arith.constant 0 : i32
        %dma_start3A_226 = arith.constant 0 : i32
        %dma_start3A_227 = tpu.memref_slice %dma_start3A_224[%dma_start3A_225, %dma_start3A_226] : memref<10240x32xf32, #tpu.memory_space<hbm>> -> memref<10240x32xf32, #tpu.memory_space<hbm>>
        tpu.enqueue_indirect_dma source(%dma_start3A_227 : memref<10240x32xf32, #tpu.memory_space<hbm>>) target(%arg11 : memref<256x32xf32, #tpu.memory_space<vmem>>) offsets(%dma_start3A_220 : memref<256xi32, #tpu.memory_space<vmem>>) semaphore(%arg16 : memref<!tpu.dma_semaphore, #tpu.memory_space<semaphore_mem>>)
      } else {
      }
    }
    %scan3A_67 = arith.constant 10 : i32
    %dma_wait3A_68 = arith.constant 38 : i32
    %dma_wait3A_69 = arith.constant 0 : i32
    %dma_wait3A_70 = tpu.memref_slice %arg9[%dma_wait3A_68, %dma_wait3A_69] : memref<40x256xi32, #tpu.memory_space<vmem>> -> memref<1x256xi32, #tpu.memory_space<vmem>>
    %dma_wait3A_71 = tpu.memref_squeeze %dma_wait3A_70 : memref<1x256xi32, #tpu.memory_space<vmem>> -> memref<256xi32, #tpu.memory_space<vmem>>
    %dma_wait3A_72 = arith.constant 0 : i32
    %dma_wait3A_73 = arith.constant 0 : i32
    %dma_wait3A_74 = tpu.memref_slice %arg14[%dma_wait3A_72, %dma_wait3A_73] : memref<10240x32xf32, #tpu.memory_space<vmem_shared>> -> memref<10240x32xf32, #tpu.memory_space<vmem_shared>>
    tpu.wait_indirect_dma semaphore(%arg21 : memref<!tpu.dma_semaphore, #tpu.memory_space<semaphore_mem>>) src(%arg12 : memref<256x32xf32, #tpu.memory_space<vmem>>) dst(%dma_wait3A_74 : memref<10240x32xf32, #tpu.memory_space<vmem_shared>>)
    %dma_wait3A_75 = arith.constant 39 : i32
    %dma_wait3A_76 = arith.constant 0 : i32
    %dma_wait3A_77 = tpu.memref_slice %arg9[%dma_wait3A_75, %dma_wait3A_76] : memref<40x256xi32, #tpu.memory_space<vmem>> -> memref<1x256xi32, #tpu.memory_space<vmem>>
    %dma_wait3A_78 = tpu.memref_squeeze %dma_wait3A_77 : memref<1x256xi32, #tpu.memory_space<vmem>> -> memref<256xi32, #tpu.memory_space<vmem>>
    %dma_wait3A_79 = arith.constant 0 : i32
    %dma_wait3A_80 = arith.constant 0 : i32
    %dma_wait3A_81 = tpu.memref_slice %arg14[%dma_wait3A_79, %dma_wait3A_80] : memref<10240x32xf32, #tpu.memory_space<vmem_shared>> -> memref<10240x32xf32, #tpu.memory_space<vmem_shared>>
    tpu.wait_indirect_dma semaphore(%arg22 : memref<!tpu.dma_semaphore, #tpu.memory_space<semaphore_mem>>) src(%arg13 : memref<256x32xf32, #tpu.memory_space<vmem>>) dst(%dma_wait3A_81 : memref<10240x32xf32, #tpu.memory_space<vmem_shared>>)
    %barrier3A_82 = arith.constant 0 : index
    tpu.barrier barrier_id(%barrier3A_82)
    %eq3A = arith.constant 0 : i32
    %eq3A_83 = arith.cmpi eq, %arg0, %eq3A : i32
    %convert_element_type3A = arith.extui %eq3A_83 : i1 to i32
    %cond3A = arith.constant 0 : i32
    %cond3A_84 = arith.cmpi ne, %convert_element_type3A, %cond3A : i32
    scf.if %cond3A_84 {
      %mul3A_90 = arith.constant 640 : i32
      %mul3A_91 = arith.muli %arg1, %mul3A_90 : i32
      %mul3A_92 = arith.constant 640 : i32
      %mul3A_93 = arith.muli %arg1, %mul3A_92 : i32
      "tpu.region"() ({
        %run_scoped3A = tpu.sem_alloc : memref<!tpu.dma_semaphore, #tpu.memory_space<semaphore_mem>>
        %dma_start3A_94 = arith.constant 0 : i32
        %dma_start3A_95 = tpu.memref_slice %arg6[%mul3A_93, %dma_start3A_94] : memref<10240x32xf32, #tpu.memory_space<hbm>> -> memref<640x32xf32, #tpu.memory_space<hbm>>
        %dma_start3A_96 = arith.constant 0 : i32
        %dma_start3A_97 = tpu.memref_slice %arg14[%mul3A_91, %dma_start3A_96] : memref<10240x32xf32, #tpu.memory_space<vmem_shared>> -> memref<640x32xf32, #tpu.memory_space<vmem_shared>>
        tpu.enqueue_dma source(%dma_start3A_97 : memref<640x32xf32, #tpu.memory_space<vmem_shared>>) target(%dma_start3A_95 : memref<640x32xf32, #tpu.memory_space<hbm>>) target_semaphore(%run_scoped3A : memref<!tpu.dma_semaphore, #tpu.memory_space<semaphore_mem>>)
        %dma_wait3A_98 = arith.constant 0 : i32
        %dma_wait3A_99 = tpu.memref_slice %arg6[%mul3A_93, %dma_wait3A_98] : memref<10240x32xf32, #tpu.memory_space<hbm>> -> memref<640x32xf32, #tpu.memory_space<hbm>>
        %dma_wait3A_100 = arith.constant 0 : i32
        %dma_wait3A_101 = tpu.memref_slice %arg14[%mul3A_91, %dma_wait3A_100] : memref<10240x32xf32, #tpu.memory_space<vmem_shared>> -> memref<640x32xf32, #tpu.memory_space<vmem_shared>>
        tpu.wait_dma2 semaphore(%run_scoped3A : memref<!tpu.dma_semaphore, #tpu.memory_space<semaphore_mem>>) src(%dma_wait3A_101 : memref<640x32xf32, #tpu.memory_space<vmem_shared>>) dst(%dma_wait3A_99 : memref<640x32xf32, #tpu.memory_space<hbm>>)
        tpu.yield
      }) : () -> ()
    } else {
    }
    %eq3A_85 = arith.constant 1 : i32
    %eq3A_86 = arith.cmpi eq, %arg0, %eq3A_85 : i32
    %convert_element_type3A_87 = arith.extui %eq3A_86 : i1 to i32
    %cond3A_88 = arith.constant 0 : i32
    %cond3A_89 = arith.cmpi ne, %convert_element_type3A_87, %cond3A_88 : i32
    scf.if %cond3A_89 {
      %mul3A_90 = arith.constant 640 : i32
      %mul3A_91 = arith.muli %arg1, %mul3A_90 : i32
      %mul3A_92 = arith.constant 640 : i32
      %mul3A_93 = arith.muli %arg1, %mul3A_92 : i32
      "tpu.region"() ({
        %run_scoped3A = tpu.sem_alloc : memref<!tpu.dma_semaphore, #tpu.memory_space<semaphore_mem>>
        %dma_start3A_94 = arith.constant 0 : i32
        %dma_start3A_95 = tpu.memref_slice %arg7[%mul3A_93, %dma_start3A_94] : memref<10240x32xf32, #tpu.memory_space<hbm>> -> memref<640x32xf32, #tpu.memory_space<hbm>>
        %dma_start3A_96 = arith.constant 0 : i32
        %dma_start3A_97 = tpu.memref_slice %arg14[%mul3A_91, %dma_start3A_96] : memref<10240x32xf32, #tpu.memory_space<vmem_shared>> -> memref<640x32xf32, #tpu.memory_space<vmem_shared>>
        tpu.enqueue_dma source(%dma_start3A_97 : memref<640x32xf32, #tpu.memory_space<vmem_shared>>) target(%dma_start3A_95 : memref<640x32xf32, #tpu.memory_space<hbm>>) target_semaphore(%run_scoped3A : memref<!tpu.dma_semaphore, #tpu.memory_space<semaphore_mem>>)
        %dma_wait3A_98 = arith.constant 0 : i32
        %dma_wait3A_99 = tpu.memref_slice %arg7[%mul3A_93, %dma_wait3A_98] : memref<10240x32xf32, #tpu.memory_space<hbm>> -> memref<640x32xf32, #tpu.memory_space<hbm>>
        %dma_wait3A_100 = arith.constant 0 : i32
        %dma_wait3A_101 = tpu.memref_slice %arg14[%mul3A_91, %dma_wait3A_100] : memref<10240x32xf32, #tpu.memory_space<vmem_shared>> -> memref<640x32xf32, #tpu.memory_space<vmem_shared>>
        tpu.wait_dma2 semaphore(%run_scoped3A : memref<!tpu.dma_semaphore, #tpu.memory_space<semaphore_mem>>) src(%dma_wait3A_101 : memref<640x32xf32, #tpu.memory_space<vmem_shared>>) dst(%dma_wait3A_99 : memref<640x32xf32, #tpu.memory_space<hbm>>)
        tpu.yield
      }) : () -> ()
    } else {
    }
    return
  }
}

#map = affine_map<(d0, d1) -> (0, 0, 0)>
#map1 = affine_map<(d0, d1) -> (0, 0)>
module attributes {stable_mosaic.version = 14 : i64} {
  func.func @_prop_body(%arg0: i32, %arg1: i32, %arg2: memref<2x10240x64xf32, #tpu.memory_space<hbm>>, %arg3: memref<16x80x256xi32, #tpu.memory_space<hbm>>, %arg4: memref<16x80x256xi32, #tpu.memory_space<hbm>>, %arg5: memref<640x64xf32, #tpu.memory_space<hbm>>, %arg6: memref<10240x64xf32, #tpu.memory_space<hbm>>, %arg7: memref<10240x64xf32, #tpu.memory_space<hbm>>, %arg8: memref<40x256xi32, #tpu.memory_space<vmem>>, %arg9: memref<40x256xi32, #tpu.memory_space<vmem>>, %arg10: memref<256x64xf32, #tpu.memory_space<vmem>>, %arg11: memref<256x64xf32, #tpu.memory_space<vmem>>, %arg12: memref<256x64xf32, #tpu.memory_space<vmem>>, %arg13: memref<256x64xf32, #tpu.memory_space<vmem>>, %arg14: memref<10240x64xf32, #tpu.memory_space<vmem_shared>>, %arg15: memref<!tpu.dma_semaphore, #tpu.memory_space<semaphore_mem>>, %arg16: memref<!tpu.dma_semaphore, #tpu.memory_space<semaphore_mem>>, %arg17: memref<!tpu.dma_semaphore, #tpu.memory_space<semaphore_mem>>, %arg18: memref<!tpu.dma_semaphore, #tpu.memory_space<semaphore_mem>>, %arg19: memref<!tpu.dma_semaphore, #tpu.memory_space<semaphore_mem>>, %arg20: memref<!tpu.dma_semaphore, #tpu.memory_space<semaphore_mem>>, %arg21: memref<!tpu.dma_semaphore, #tpu.memory_space<semaphore_mem>>, %arg22: memref<!tpu.dma_semaphore, #tpu.memory_space<semaphore_mem>>) attributes {dimension_semantics = [#tpu.dimension_semantics<core_parallel>, #tpu.dimension_semantics<subcore_parallel>], iteration_bounds = array<i64: 2, 16>, scalar_prefetch = 0 : i64, scratch_operands = 15 : i64, tpu.core_type = #tpu.core_type<sc_vector_subcore>, window_params = [{transform_indices = #map}, {transform_indices = #map}, {transform_indices = #map}, {transform_indices = #map1}, {transform_indices = #map1}, {transform_indices = #map1}]} {
    %mul3A = arith.constant 640 : i32
    %mul3A_0 = arith.muli %arg1, %mul3A : i32
    "tpu.region"() ({
      %run_scoped3A = tpu.sem_alloc : memref<!tpu.dma_semaphore, #tpu.memory_space<semaphore_mem>>
      %dma_start3A_90 = arith.constant 0 : i32
      %dma_start3A_91 = tpu.memref_slice %arg14[%mul3A_0, %dma_start3A_90] : memref<10240x64xf32, #tpu.memory_space<vmem_shared>> -> memref<640x64xf32, #tpu.memory_space<vmem_shared>>
      tpu.enqueue_dma source(%arg5 : memref<640x64xf32, #tpu.memory_space<hbm>>) target(%dma_start3A_91 : memref<640x64xf32, #tpu.memory_space<vmem_shared>>) target_semaphore(%run_scoped3A : memref<!tpu.dma_semaphore, #tpu.memory_space<semaphore_mem>>)
      %dma_wait3A_92 = arith.constant 0 : i32
      %dma_wait3A_93 = tpu.memref_slice %arg14[%mul3A_0, %dma_wait3A_92] : memref<10240x64xf32, #tpu.memory_space<vmem_shared>> -> memref<640x64xf32, #tpu.memory_space<vmem_shared>>
      tpu.wait_dma2 semaphore(%run_scoped3A : memref<!tpu.dma_semaphore, #tpu.memory_space<semaphore_mem>>) src(%arg5 : memref<640x64xf32, #tpu.memory_space<hbm>>) dst(%dma_wait3A_93 : memref<640x64xf32, #tpu.memory_space<vmem_shared>>)
      tpu.yield
    }) : () -> ()
    %barrier3A = arith.constant 0 : index
    tpu.barrier barrier_id(%barrier3A)
    "tpu.region"() ({
      %run_scoped3A = tpu.sem_alloc : memref<!tpu.dma_semaphore, #tpu.memory_space<semaphore_mem>>
      %dma_start3A_90 = arith.constant 0 : i32
      %dma_start3A_91 = arith.constant 0 : i32
      %dma_start3A_92 = tpu.memref_slice %arg3[%arg1, %dma_start3A_90, %dma_start3A_91] : memref<16x80x256xi32, #tpu.memory_space<hbm>> -> memref<1x40x256xi32, #tpu.memory_space<hbm>>
      %dma_start3A_93 = tpu.memref_squeeze %dma_start3A_92 : memref<1x40x256xi32, #tpu.memory_space<hbm>> -> memref<40x256xi32, #tpu.memory_space<hbm>>
      %dma_start3A_94 = arith.constant 0 : i32
      %dma_start3A_95 = arith.constant 0 : i32
      %dma_start3A_96 = tpu.memref_slice %arg3[%arg1, %dma_start3A_94, %dma_start3A_95] : memref<16x80x256xi32, #tpu.memory_space<hbm>> -> memref<1x40x256xi32, #tpu.memory_space<hbm>>
      %dma_start3A_97 = tpu.memref_squeeze %dma_start3A_96 : memref<1x40x256xi32, #tpu.memory_space<hbm>> -> memref<40x256xi32, #tpu.memory_space<hbm>>
      tpu.enqueue_dma source(%dma_start3A_97 : memref<40x256xi32, #tpu.memory_space<hbm>>) target(%arg8 : memref<40x256xi32, #tpu.memory_space<vmem>>) target_semaphore(%run_scoped3A : memref<!tpu.dma_semaphore, #tpu.memory_space<semaphore_mem>>)
      %dma_wait3A_98 = arith.constant 0 : i32
      %dma_wait3A_99 = arith.constant 0 : i32
      %dma_wait3A_100 = tpu.memref_slice %arg3[%arg1, %dma_wait3A_98, %dma_wait3A_99] : memref<16x80x256xi32, #tpu.memory_space<hbm>> -> memref<1x40x256xi32, #tpu.memory_space<hbm>>
      %dma_wait3A_101 = tpu.memref_squeeze %dma_wait3A_100 : memref<1x40x256xi32, #tpu.memory_space<hbm>> -> memref<40x256xi32, #tpu.memory_space<hbm>>
      %dma_wait3A_102 = arith.constant 0 : i32
      %dma_wait3A_103 = arith.constant 0 : i32
      %dma_wait3A_104 = tpu.memref_slice %arg3[%arg1, %dma_wait3A_102, %dma_wait3A_103] : memref<16x80x256xi32, #tpu.memory_space<hbm>> -> memref<1x40x256xi32, #tpu.memory_space<hbm>>
      %dma_wait3A_105 = tpu.memref_squeeze %dma_wait3A_104 : memref<1x40x256xi32, #tpu.memory_space<hbm>> -> memref<40x256xi32, #tpu.memory_space<hbm>>
      tpu.wait_dma2 semaphore(%run_scoped3A : memref<!tpu.dma_semaphore, #tpu.memory_space<semaphore_mem>>) src(%dma_wait3A_105 : memref<40x256xi32, #tpu.memory_space<hbm>>) dst(%arg8 : memref<40x256xi32, #tpu.memory_space<vmem>>)
      tpu.yield
    }) : () -> ()
    "tpu.region"() ({
      %run_scoped3A = tpu.sem_alloc : memref<!tpu.dma_semaphore, #tpu.memory_space<semaphore_mem>>
      %dma_start3A_90 = arith.constant 0 : i32
      %dma_start3A_91 = arith.constant 0 : i32
      %dma_start3A_92 = tpu.memref_slice %arg4[%arg1, %dma_start3A_90, %dma_start3A_91] : memref<16x80x256xi32, #tpu.memory_space<hbm>> -> memref<1x40x256xi32, #tpu.memory_space<hbm>>
      %dma_start3A_93 = tpu.memref_squeeze %dma_start3A_92 : memref<1x40x256xi32, #tpu.memory_space<hbm>> -> memref<40x256xi32, #tpu.memory_space<hbm>>
      %dma_start3A_94 = arith.constant 0 : i32
      %dma_start3A_95 = arith.constant 0 : i32
      %dma_start3A_96 = tpu.memref_slice %arg4[%arg1, %dma_start3A_94, %dma_start3A_95] : memref<16x80x256xi32, #tpu.memory_space<hbm>> -> memref<1x40x256xi32, #tpu.memory_space<hbm>>
      %dma_start3A_97 = tpu.memref_squeeze %dma_start3A_96 : memref<1x40x256xi32, #tpu.memory_space<hbm>> -> memref<40x256xi32, #tpu.memory_space<hbm>>
      tpu.enqueue_dma source(%dma_start3A_97 : memref<40x256xi32, #tpu.memory_space<hbm>>) target(%arg9 : memref<40x256xi32, #tpu.memory_space<vmem>>) target_semaphore(%run_scoped3A : memref<!tpu.dma_semaphore, #tpu.memory_space<semaphore_mem>>)
      %dma_wait3A_98 = arith.constant 0 : i32
      %dma_wait3A_99 = arith.constant 0 : i32
      %dma_wait3A_100 = tpu.memref_slice %arg4[%arg1, %dma_wait3A_98, %dma_wait3A_99] : memref<16x80x256xi32, #tpu.memory_space<hbm>> -> memref<1x40x256xi32, #tpu.memory_space<hbm>>
      %dma_wait3A_101 = tpu.memref_squeeze %dma_wait3A_100 : memref<1x40x256xi32, #tpu.memory_space<hbm>> -> memref<40x256xi32, #tpu.memory_space<hbm>>
      %dma_wait3A_102 = arith.constant 0 : i32
      %dma_wait3A_103 = arith.constant 0 : i32
      %dma_wait3A_104 = tpu.memref_slice %arg4[%arg1, %dma_wait3A_102, %dma_wait3A_103] : memref<16x80x256xi32, #tpu.memory_space<hbm>> -> memref<1x40x256xi32, #tpu.memory_space<hbm>>
      %dma_wait3A_105 = tpu.memref_squeeze %dma_wait3A_104 : memref<1x40x256xi32, #tpu.memory_space<hbm>> -> memref<40x256xi32, #tpu.memory_space<hbm>>
      tpu.wait_dma2 semaphore(%run_scoped3A : memref<!tpu.dma_semaphore, #tpu.memory_space<semaphore_mem>>) src(%dma_wait3A_105 : memref<40x256xi32, #tpu.memory_space<hbm>>) dst(%arg9 : memref<40x256xi32, #tpu.memory_space<vmem>>)
      tpu.yield
    }) : () -> ()
    %dma_start3A = arith.constant 0 : i32
    %dma_start3A_1 = arith.constant 0 : i32
    %dma_start3A_2 = tpu.memref_slice %arg8[%dma_start3A, %dma_start3A_1] : memref<40x256xi32, #tpu.memory_space<vmem>> -> memref<1x256xi32, #tpu.memory_space<vmem>>
    %dma_start3A_3 = tpu.memref_squeeze %dma_start3A_2 : memref<1x256xi32, #tpu.memory_space<vmem>> -> memref<256xi32, #tpu.memory_space<vmem>>
    %dma_start3A_4 = arith.constant 0 : i32
    %dma_start3A_5 = arith.constant 0 : i32
    %dma_start3A_6 = tpu.memref_slice %arg2[%arg0, %dma_start3A_4, %dma_start3A_5] : memref<2x10240x64xf32, #tpu.memory_space<hbm>> -> memref<1x10240x64xf32, #tpu.memory_space<hbm>>
    %dma_start3A_7 = tpu.memref_squeeze %dma_start3A_6 : memref<1x10240x64xf32, #tpu.memory_space<hbm>> -> memref<10240x64xf32, #tpu.memory_space<hbm>>
    %dma_start3A_8 = arith.constant 0 : i32
    %dma_start3A_9 = arith.constant 0 : i32
    %dma_start3A_10 = tpu.memref_slice %dma_start3A_7[%dma_start3A_8, %dma_start3A_9] : memref<10240x64xf32, #tpu.memory_space<hbm>> -> memref<10240x64xf32, #tpu.memory_space<hbm>>
    tpu.enqueue_indirect_dma source(%dma_start3A_10 : memref<10240x64xf32, #tpu.memory_space<hbm>>) target(%arg10 : memref<256x64xf32, #tpu.memory_space<vmem>>) offsets(%dma_start3A_3 : memref<256xi32, #tpu.memory_space<vmem>>) semaphore(%arg15 : memref<!tpu.dma_semaphore, #tpu.memory_space<semaphore_mem>>)
    %dma_start3A_11 = arith.constant 1 : i32
    %dma_start3A_12 = arith.constant 0 : i32
    %dma_start3A_13 = tpu.memref_slice %arg8[%dma_start3A_11, %dma_start3A_12] : memref<40x256xi32, #tpu.memory_space<vmem>> -> memref<1x256xi32, #tpu.memory_space<vmem>>
    %dma_start3A_14 = tpu.memref_squeeze %dma_start3A_13 : memref<1x256xi32, #tpu.memory_space<vmem>> -> memref<256xi32, #tpu.memory_space<vmem>>
    %dma_start3A_15 = arith.constant 0 : i32
    %dma_start3A_16 = arith.constant 0 : i32
    %dma_start3A_17 = tpu.memref_slice %arg2[%arg0, %dma_start3A_15, %dma_start3A_16] : memref<2x10240x64xf32, #tpu.memory_space<hbm>> -> memref<1x10240x64xf32, #tpu.memory_space<hbm>>
    %dma_start3A_18 = tpu.memref_squeeze %dma_start3A_17 : memref<1x10240x64xf32, #tpu.memory_space<hbm>> -> memref<10240x64xf32, #tpu.memory_space<hbm>>
    %dma_start3A_19 = arith.constant 0 : i32
    %dma_start3A_20 = arith.constant 0 : i32
    %dma_start3A_21 = tpu.memref_slice %dma_start3A_18[%dma_start3A_19, %dma_start3A_20] : memref<10240x64xf32, #tpu.memory_space<hbm>> -> memref<10240x64xf32, #tpu.memory_space<hbm>>
    tpu.enqueue_indirect_dma source(%dma_start3A_21 : memref<10240x64xf32, #tpu.memory_space<hbm>>) target(%arg11 : memref<256x64xf32, #tpu.memory_space<vmem>>) offsets(%dma_start3A_14 : memref<256xi32, #tpu.memory_space<vmem>>) semaphore(%arg16 : memref<!tpu.dma_semaphore, #tpu.memory_space<semaphore_mem>>)
    %scan3A = arith.constant 0 : i32
    %scan3A_22 = arith.constant 0 : i32
    %scan3A_23 = arith.constant 10 : i32
    %scan3A_24 = arith.addi %scan3A_22, %scan3A_23 : i32
    %scan3A_25 = arith.constant 1 : i32
    scf.for %scan3A_90 = %scan3A_22 to %scan3A_24 step %scan3A_25  : i32 {
      %mul3A_91 = arith.constant 4 : i32
      %mul3A_92 = arith.muli %mul3A_91, %scan3A_90 : i32
      %add3A = arith.constant 0 : i32
      %add3A_93 = arith.addi %mul3A_92, %add3A : i32
      %dma_wait3A_94 = arith.constant 0 : i32
      %dma_wait3A_95 = tpu.memref_slice %arg8[%add3A_93, %dma_wait3A_94] : memref<40x256xi32, #tpu.memory_space<vmem>> -> memref<1x256xi32, #tpu.memory_space<vmem>>
      %dma_wait3A_96 = tpu.memref_squeeze %dma_wait3A_95 : memref<1x256xi32, #tpu.memory_space<vmem>> -> memref<256xi32, #tpu.memory_space<vmem>>
      %dma_wait3A_97 = arith.constant 0 : i32
      %dma_wait3A_98 = arith.constant 0 : i32
      %dma_wait3A_99 = tpu.memref_slice %arg2[%arg0, %dma_wait3A_97, %dma_wait3A_98] : memref<2x10240x64xf32, #tpu.memory_space<hbm>> -> memref<1x10240x64xf32, #tpu.memory_space<hbm>>
      %dma_wait3A_100 = tpu.memref_squeeze %dma_wait3A_99 : memref<1x10240x64xf32, #tpu.memory_space<hbm>> -> memref<10240x64xf32, #tpu.memory_space<hbm>>
      %dma_wait3A_101 = arith.constant 0 : i32
      %dma_wait3A_102 = arith.constant 0 : i32
      %dma_wait3A_103 = tpu.memref_slice %dma_wait3A_100[%dma_wait3A_101, %dma_wait3A_102] : memref<10240x64xf32, #tpu.memory_space<hbm>> -> memref<10240x64xf32, #tpu.memory_space<hbm>>
      tpu.wait_indirect_dma semaphore(%arg15 : memref<!tpu.dma_semaphore, #tpu.memory_space<semaphore_mem>>) src(%dma_wait3A_103 : memref<10240x64xf32, #tpu.memory_space<hbm>>) dst(%arg10 : memref<256x64xf32, #tpu.memory_space<vmem>>)
      %dma_start3A_104 = arith.constant 0 : i32
      %dma_start3A_105 = tpu.memref_slice %arg9[%add3A_93, %dma_start3A_104] : memref<40x256xi32, #tpu.memory_space<vmem>> -> memref<1x256xi32, #tpu.memory_space<vmem>>
      %dma_start3A_106 = tpu.memref_squeeze %dma_start3A_105 : memref<1x256xi32, #tpu.memory_space<vmem>> -> memref<256xi32, #tpu.memory_space<vmem>>
      %dma_start3A_107 = arith.constant 0 : i32
      %dma_start3A_108 = arith.constant 0 : i32
      %dma_start3A_109 = tpu.memref_slice %arg14[%dma_start3A_107, %dma_start3A_108] : memref<10240x64xf32, #tpu.memory_space<vmem_shared>> -> memref<10240x64xf32, #tpu.memory_space<vmem_shared>>
      tpu.enqueue_indirect_dma source(%arg10 : memref<256x64xf32, #tpu.memory_space<vmem>>) target(%dma_start3A_109 : memref<10240x64xf32, #tpu.memory_space<vmem_shared>>) offsets(%dma_start3A_106 : memref<256xi32, #tpu.memory_space<vmem>>) semaphore(%arg19 : memref<!tpu.dma_semaphore, #tpu.memory_space<semaphore_mem>>) {add = true}
      %ge3A = arith.constant 2 : i32
      %ge3A_110 = arith.cmpi sge, %add3A_93, %ge3A : i32
      %convert_element_type3A_111 = arith.extui %ge3A_110 : i1 to i32
      %cond3A_112 = arith.constant 0 : i32
      %cond3A_113 = arith.cmpi ne, %convert_element_type3A_111, %cond3A_112 : i32
      scf.if %cond3A_113 {
        %sub3A = arith.constant 2 : i32
        %sub3A_216 = arith.subi %add3A_93, %sub3A : i32
        %dma_wait3A_217 = arith.constant 0 : i32
        %dma_wait3A_218 = tpu.memref_slice %arg9[%sub3A_216, %dma_wait3A_217] : memref<40x256xi32, #tpu.memory_space<vmem>> -> memref<1x256xi32, #tpu.memory_space<vmem>>
        %dma_wait3A_219 = tpu.memref_squeeze %dma_wait3A_218 : memref<1x256xi32, #tpu.memory_space<vmem>> -> memref<256xi32, #tpu.memory_space<vmem>>
        %dma_wait3A_220 = arith.constant 0 : i32
        %dma_wait3A_221 = arith.constant 0 : i32
        %dma_wait3A_222 = tpu.memref_slice %arg14[%dma_wait3A_220, %dma_wait3A_221] : memref<10240x64xf32, #tpu.memory_space<vmem_shared>> -> memref<10240x64xf32, #tpu.memory_space<vmem_shared>>
        tpu.wait_indirect_dma semaphore(%arg21 : memref<!tpu.dma_semaphore, #tpu.memory_space<semaphore_mem>>) src(%arg12 : memref<256x64xf32, #tpu.memory_space<vmem>>) dst(%dma_wait3A_222 : memref<10240x64xf32, #tpu.memory_space<vmem_shared>>)
      } else {
      }
      %add3A_114 = arith.constant 2 : i32
      %add3A_115 = arith.addi %add3A_93, %add3A_114 : i32
      %lt3A = arith.constant 40 : i32
      %lt3A_116 = arith.cmpi slt, %add3A_115, %lt3A : i32
      %convert_element_type3A_117 = arith.extui %lt3A_116 : i1 to i32
      %cond3A_118 = arith.constant 0 : i32
      %cond3A_119 = arith.cmpi ne, %convert_element_type3A_117, %cond3A_118 : i32
      scf.if %cond3A_119 {
        %add3A_216 = arith.constant 2 : i32
        %add3A_217 = arith.addi %add3A_93, %add3A_216 : i32
        %dma_start3A_218 = arith.constant 0 : i32
        %dma_start3A_219 = tpu.memref_slice %arg8[%add3A_217, %dma_start3A_218] : memref<40x256xi32, #tpu.memory_space<vmem>> -> memref<1x256xi32, #tpu.memory_space<vmem>>
        %dma_start3A_220 = tpu.memref_squeeze %dma_start3A_219 : memref<1x256xi32, #tpu.memory_space<vmem>> -> memref<256xi32, #tpu.memory_space<vmem>>
        %dma_start3A_221 = arith.constant 0 : i32
        %dma_start3A_222 = arith.constant 0 : i32
        %dma_start3A_223 = tpu.memref_slice %arg2[%arg0, %dma_start3A_221, %dma_start3A_222] : memref<2x10240x64xf32, #tpu.memory_space<hbm>> -> memref<1x10240x64xf32, #tpu.memory_space<hbm>>
        %dma_start3A_224 = tpu.memref_squeeze %dma_start3A_223 : memref<1x10240x64xf32, #tpu.memory_space<hbm>> -> memref<10240x64xf32, #tpu.memory_space<hbm>>
        %dma_start3A_225 = arith.constant 0 : i32
        %dma_start3A_226 = arith.constant 0 : i32
        %dma_start3A_227 = tpu.memref_slice %dma_start3A_224[%dma_start3A_225, %dma_start3A_226] : memref<10240x64xf32, #tpu.memory_space<hbm>> -> memref<10240x64xf32, #tpu.memory_space<hbm>>
        tpu.enqueue_indirect_dma source(%dma_start3A_227 : memref<10240x64xf32, #tpu.memory_space<hbm>>) target(%arg12 : memref<256x64xf32, #tpu.memory_space<vmem>>) offsets(%dma_start3A_220 : memref<256xi32, #tpu.memory_space<vmem>>) semaphore(%arg17 : memref<!tpu.dma_semaphore, #tpu.memory_space<semaphore_mem>>)
      } else {
      }
      %mul3A_120 = arith.constant 4 : i32
      %mul3A_121 = arith.muli %mul3A_120, %scan3A_90 : i32
      %add3A_122 = arith.constant 1 : i32
      %add3A_123 = arith.addi %mul3A_121, %add3A_122 : i32
      %dma_wait3A_124 = arith.constant 0 : i32
      %dma_wait3A_125 = tpu.memref_slice %arg8[%add3A_123, %dma_wait3A_124] : memref<40x256xi32, #tpu.memory_space<vmem>> -> memref<1x256xi32, #tpu.memory_space<vmem>>
      %dma_wait3A_126 = tpu.memref_squeeze %dma_wait3A_125 : memref<1x256xi32, #tpu.memory_space<vmem>> -> memref<256xi32, #tpu.memory_space<vmem>>
      %dma_wait3A_127 = arith.constant 0 : i32
      %dma_wait3A_128 = arith.constant 0 : i32
      %dma_wait3A_129 = tpu.memref_slice %arg2[%arg0, %dma_wait3A_127, %dma_wait3A_128] : memref<2x10240x64xf32, #tpu.memory_space<hbm>> -> memref<1x10240x64xf32, #tpu.memory_space<hbm>>
      %dma_wait3A_130 = tpu.memref_squeeze %dma_wait3A_129 : memref<1x10240x64xf32, #tpu.memory_space<hbm>> -> memref<10240x64xf32, #tpu.memory_space<hbm>>
      %dma_wait3A_131 = arith.constant 0 : i32
      %dma_wait3A_132 = arith.constant 0 : i32
      %dma_wait3A_133 = tpu.memref_slice %dma_wait3A_130[%dma_wait3A_131, %dma_wait3A_132] : memref<10240x64xf32, #tpu.memory_space<hbm>> -> memref<10240x64xf32, #tpu.memory_space<hbm>>
      tpu.wait_indirect_dma semaphore(%arg16 : memref<!tpu.dma_semaphore, #tpu.memory_space<semaphore_mem>>) src(%dma_wait3A_133 : memref<10240x64xf32, #tpu.memory_space<hbm>>) dst(%arg11 : memref<256x64xf32, #tpu.memory_space<vmem>>)
      %dma_start3A_134 = arith.constant 0 : i32
      %dma_start3A_135 = tpu.memref_slice %arg9[%add3A_123, %dma_start3A_134] : memref<40x256xi32, #tpu.memory_space<vmem>> -> memref<1x256xi32, #tpu.memory_space<vmem>>
      %dma_start3A_136 = tpu.memref_squeeze %dma_start3A_135 : memref<1x256xi32, #tpu.memory_space<vmem>> -> memref<256xi32, #tpu.memory_space<vmem>>
      %dma_start3A_137 = arith.constant 0 : i32
      %dma_start3A_138 = arith.constant 0 : i32
      %dma_start3A_139 = tpu.memref_slice %arg14[%dma_start3A_137, %dma_start3A_138] : memref<10240x64xf32, #tpu.memory_space<vmem_shared>> -> memref<10240x64xf32, #tpu.memory_space<vmem_shared>>
      tpu.enqueue_indirect_dma source(%arg11 : memref<256x64xf32, #tpu.memory_space<vmem>>) target(%dma_start3A_139 : memref<10240x64xf32, #tpu.memory_space<vmem_shared>>) offsets(%dma_start3A_136 : memref<256xi32, #tpu.memory_space<vmem>>) semaphore(%arg20 : memref<!tpu.dma_semaphore, #tpu.memory_space<semaphore_mem>>) {add = true}
      %ge3A_140 = arith.constant 2 : i32
      %ge3A_141 = arith.cmpi sge, %add3A_123, %ge3A_140 : i32
      %convert_element_type3A_142 = arith.extui %ge3A_141 : i1 to i32
      %cond3A_143 = arith.constant 0 : i32
      %cond3A_144 = arith.cmpi ne, %convert_element_type3A_142, %cond3A_143 : i32
      scf.if %cond3A_144 {
        %sub3A = arith.constant 2 : i32
        %sub3A_216 = arith.subi %add3A_123, %sub3A : i32
        %dma_wait3A_217 = arith.constant 0 : i32
        %dma_wait3A_218 = tpu.memref_slice %arg9[%sub3A_216, %dma_wait3A_217] : memref<40x256xi32, #tpu.memory_space<vmem>> -> memref<1x256xi32, #tpu.memory_space<vmem>>
        %dma_wait3A_219 = tpu.memref_squeeze %dma_wait3A_218 : memref<1x256xi32, #tpu.memory_space<vmem>> -> memref<256xi32, #tpu.memory_space<vmem>>
        %dma_wait3A_220 = arith.constant 0 : i32
        %dma_wait3A_221 = arith.constant 0 : i32
        %dma_wait3A_222 = tpu.memref_slice %arg14[%dma_wait3A_220, %dma_wait3A_221] : memref<10240x64xf32, #tpu.memory_space<vmem_shared>> -> memref<10240x64xf32, #tpu.memory_space<vmem_shared>>
        tpu.wait_indirect_dma semaphore(%arg22 : memref<!tpu.dma_semaphore, #tpu.memory_space<semaphore_mem>>) src(%arg13 : memref<256x64xf32, #tpu.memory_space<vmem>>) dst(%dma_wait3A_222 : memref<10240x64xf32, #tpu.memory_space<vmem_shared>>)
      } else {
      }
      %add3A_145 = arith.constant 2 : i32
      %add3A_146 = arith.addi %add3A_123, %add3A_145 : i32
      %lt3A_147 = arith.constant 40 : i32
      %lt3A_148 = arith.cmpi slt, %add3A_146, %lt3A_147 : i32
      %convert_element_type3A_149 = arith.extui %lt3A_148 : i1 to i32
      %cond3A_150 = arith.constant 0 : i32
      %cond3A_151 = arith.cmpi ne, %convert_element_type3A_149, %cond3A_150 : i32
      scf.if %cond3A_151 {
        %add3A_216 = arith.constant 2 : i32
        %add3A_217 = arith.addi %add3A_123, %add3A_216 : i32
        %dma_start3A_218 = arith.constant 0 : i32
        %dma_start3A_219 = tpu.memref_slice %arg8[%add3A_217, %dma_start3A_218] : memref<40x256xi32, #tpu.memory_space<vmem>> -> memref<1x256xi32, #tpu.memory_space<vmem>>
        %dma_start3A_220 = tpu.memref_squeeze %dma_start3A_219 : memref<1x256xi32, #tpu.memory_space<vmem>> -> memref<256xi32, #tpu.memory_space<vmem>>
        %dma_start3A_221 = arith.constant 0 : i32
        %dma_start3A_222 = arith.constant 0 : i32
        %dma_start3A_223 = tpu.memref_slice %arg2[%arg0, %dma_start3A_221, %dma_start3A_222] : memref<2x10240x64xf32, #tpu.memory_space<hbm>> -> memref<1x10240x64xf32, #tpu.memory_space<hbm>>
        %dma_start3A_224 = tpu.memref_squeeze %dma_start3A_223 : memref<1x10240x64xf32, #tpu.memory_space<hbm>> -> memref<10240x64xf32, #tpu.memory_space<hbm>>
        %dma_start3A_225 = arith.constant 0 : i32
        %dma_start3A_226 = arith.constant 0 : i32
        %dma_start3A_227 = tpu.memref_slice %dma_start3A_224[%dma_start3A_225, %dma_start3A_226] : memref<10240x64xf32, #tpu.memory_space<hbm>> -> memref<10240x64xf32, #tpu.memory_space<hbm>>
        tpu.enqueue_indirect_dma source(%dma_start3A_227 : memref<10240x64xf32, #tpu.memory_space<hbm>>) target(%arg13 : memref<256x64xf32, #tpu.memory_space<vmem>>) offsets(%dma_start3A_220 : memref<256xi32, #tpu.memory_space<vmem>>) semaphore(%arg18 : memref<!tpu.dma_semaphore, #tpu.memory_space<semaphore_mem>>)
      } else {
      }
      %mul3A_152 = arith.constant 4 : i32
      %mul3A_153 = arith.muli %mul3A_152, %scan3A_90 : i32
      %add3A_154 = arith.constant 2 : i32
      %add3A_155 = arith.addi %mul3A_153, %add3A_154 : i32
      %dma_wait3A_156 = arith.constant 0 : i32
      %dma_wait3A_157 = tpu.memref_slice %arg8[%add3A_155, %dma_wait3A_156] : memref<40x256xi32, #tpu.memory_space<vmem>> -> memref<1x256xi32, #tpu.memory_space<vmem>>
      %dma_wait3A_158 = tpu.memref_squeeze %dma_wait3A_157 : memref<1x256xi32, #tpu.memory_space<vmem>> -> memref<256xi32, #tpu.memory_space<vmem>>
      %dma_wait3A_159 = arith.constant 0 : i32
      %dma_wait3A_160 = arith.constant 0 : i32
      %dma_wait3A_161 = tpu.memref_slice %arg2[%arg0, %dma_wait3A_159, %dma_wait3A_160] : memref<2x10240x64xf32, #tpu.memory_space<hbm>> -> memref<1x10240x64xf32, #tpu.memory_space<hbm>>
      %dma_wait3A_162 = tpu.memref_squeeze %dma_wait3A_161 : memref<1x10240x64xf32, #tpu.memory_space<hbm>> -> memref<10240x64xf32, #tpu.memory_space<hbm>>
      %dma_wait3A_163 = arith.constant 0 : i32
      %dma_wait3A_164 = arith.constant 0 : i32
      %dma_wait3A_165 = tpu.memref_slice %dma_wait3A_162[%dma_wait3A_163, %dma_wait3A_164] : memref<10240x64xf32, #tpu.memory_space<hbm>> -> memref<10240x64xf32, #tpu.memory_space<hbm>>
      tpu.wait_indirect_dma semaphore(%arg17 : memref<!tpu.dma_semaphore, #tpu.memory_space<semaphore_mem>>) src(%dma_wait3A_165 : memref<10240x64xf32, #tpu.memory_space<hbm>>) dst(%arg12 : memref<256x64xf32, #tpu.memory_space<vmem>>)
      %dma_start3A_166 = arith.constant 0 : i32
      %dma_start3A_167 = tpu.memref_slice %arg9[%add3A_155, %dma_start3A_166] : memref<40x256xi32, #tpu.memory_space<vmem>> -> memref<1x256xi32, #tpu.memory_space<vmem>>
      %dma_start3A_168 = tpu.memref_squeeze %dma_start3A_167 : memref<1x256xi32, #tpu.memory_space<vmem>> -> memref<256xi32, #tpu.memory_space<vmem>>
      %dma_start3A_169 = arith.constant 0 : i32
      %dma_start3A_170 = arith.constant 0 : i32
      %dma_start3A_171 = tpu.memref_slice %arg14[%dma_start3A_169, %dma_start3A_170] : memref<10240x64xf32, #tpu.memory_space<vmem_shared>> -> memref<10240x64xf32, #tpu.memory_space<vmem_shared>>
      tpu.enqueue_indirect_dma source(%arg12 : memref<256x64xf32, #tpu.memory_space<vmem>>) target(%dma_start3A_171 : memref<10240x64xf32, #tpu.memory_space<vmem_shared>>) offsets(%dma_start3A_168 : memref<256xi32, #tpu.memory_space<vmem>>) semaphore(%arg21 : memref<!tpu.dma_semaphore, #tpu.memory_space<semaphore_mem>>) {add = true}
      %ge3A_172 = arith.constant 2 : i32
      %ge3A_173 = arith.cmpi sge, %add3A_155, %ge3A_172 : i32
      %convert_element_type3A_174 = arith.extui %ge3A_173 : i1 to i32
      %cond3A_175 = arith.constant 0 : i32
      %cond3A_176 = arith.cmpi ne, %convert_element_type3A_174, %cond3A_175 : i32
      scf.if %cond3A_176 {
        %sub3A = arith.constant 2 : i32
        %sub3A_216 = arith.subi %add3A_155, %sub3A : i32
        %dma_wait3A_217 = arith.constant 0 : i32
        %dma_wait3A_218 = tpu.memref_slice %arg9[%sub3A_216, %dma_wait3A_217] : memref<40x256xi32, #tpu.memory_space<vmem>> -> memref<1x256xi32, #tpu.memory_space<vmem>>
        %dma_wait3A_219 = tpu.memref_squeeze %dma_wait3A_218 : memref<1x256xi32, #tpu.memory_space<vmem>> -> memref<256xi32, #tpu.memory_space<vmem>>
        %dma_wait3A_220 = arith.constant 0 : i32
        %dma_wait3A_221 = arith.constant 0 : i32
        %dma_wait3A_222 = tpu.memref_slice %arg14[%dma_wait3A_220, %dma_wait3A_221] : memref<10240x64xf32, #tpu.memory_space<vmem_shared>> -> memref<10240x64xf32, #tpu.memory_space<vmem_shared>>
        tpu.wait_indirect_dma semaphore(%arg19 : memref<!tpu.dma_semaphore, #tpu.memory_space<semaphore_mem>>) src(%arg10 : memref<256x64xf32, #tpu.memory_space<vmem>>) dst(%dma_wait3A_222 : memref<10240x64xf32, #tpu.memory_space<vmem_shared>>)
      } else {
      }
      %add3A_177 = arith.constant 2 : i32
      %add3A_178 = arith.addi %add3A_155, %add3A_177 : i32
      %lt3A_179 = arith.constant 40 : i32
      %lt3A_180 = arith.cmpi slt, %add3A_178, %lt3A_179 : i32
      %convert_element_type3A_181 = arith.extui %lt3A_180 : i1 to i32
      %cond3A_182 = arith.constant 0 : i32
      %cond3A_183 = arith.cmpi ne, %convert_element_type3A_181, %cond3A_182 : i32
      scf.if %cond3A_183 {
        %add3A_216 = arith.constant 2 : i32
        %add3A_217 = arith.addi %add3A_155, %add3A_216 : i32
        %dma_start3A_218 = arith.constant 0 : i32
        %dma_start3A_219 = tpu.memref_slice %arg8[%add3A_217, %dma_start3A_218] : memref<40x256xi32, #tpu.memory_space<vmem>> -> memref<1x256xi32, #tpu.memory_space<vmem>>
        %dma_start3A_220 = tpu.memref_squeeze %dma_start3A_219 : memref<1x256xi32, #tpu.memory_space<vmem>> -> memref<256xi32, #tpu.memory_space<vmem>>
        %dma_start3A_221 = arith.constant 0 : i32
        %dma_start3A_222 = arith.constant 0 : i32
        %dma_start3A_223 = tpu.memref_slice %arg2[%arg0, %dma_start3A_221, %dma_start3A_222] : memref<2x10240x64xf32, #tpu.memory_space<hbm>> -> memref<1x10240x64xf32, #tpu.memory_space<hbm>>
        %dma_start3A_224 = tpu.memref_squeeze %dma_start3A_223 : memref<1x10240x64xf32, #tpu.memory_space<hbm>> -> memref<10240x64xf32, #tpu.memory_space<hbm>>
        %dma_start3A_225 = arith.constant 0 : i32
        %dma_start3A_226 = arith.constant 0 : i32
        %dma_start3A_227 = tpu.memref_slice %dma_start3A_224[%dma_start3A_225, %dma_start3A_226] : memref<10240x64xf32, #tpu.memory_space<hbm>> -> memref<10240x64xf32, #tpu.memory_space<hbm>>
        tpu.enqueue_indirect_dma source(%dma_start3A_227 : memref<10240x64xf32, #tpu.memory_space<hbm>>) target(%arg10 : memref<256x64xf32, #tpu.memory_space<vmem>>) offsets(%dma_start3A_220 : memref<256xi32, #tpu.memory_space<vmem>>) semaphore(%arg15 : memref<!tpu.dma_semaphore, #tpu.memory_space<semaphore_mem>>)
      } else {
      }
      %mul3A_184 = arith.constant 4 : i32
      %mul3A_185 = arith.muli %mul3A_184, %scan3A_90 : i32
      %add3A_186 = arith.constant 3 : i32
      %add3A_187 = arith.addi %mul3A_185, %add3A_186 : i32
      %dma_wait3A_188 = arith.constant 0 : i32
      %dma_wait3A_189 = tpu.memref_slice %arg8[%add3A_187, %dma_wait3A_188] : memref<40x256xi32, #tpu.memory_space<vmem>> -> memref<1x256xi32, #tpu.memory_space<vmem>>
      %dma_wait3A_190 = tpu.memref_squeeze %dma_wait3A_189 : memref<1x256xi32, #tpu.memory_space<vmem>> -> memref<256xi32, #tpu.memory_space<vmem>>
      %dma_wait3A_191 = arith.constant 0 : i32
      %dma_wait3A_192 = arith.constant 0 : i32
      %dma_wait3A_193 = tpu.memref_slice %arg2[%arg0, %dma_wait3A_191, %dma_wait3A_192] : memref<2x10240x64xf32, #tpu.memory_space<hbm>> -> memref<1x10240x64xf32, #tpu.memory_space<hbm>>
      %dma_wait3A_194 = tpu.memref_squeeze %dma_wait3A_193 : memref<1x10240x64xf32, #tpu.memory_space<hbm>> -> memref<10240x64xf32, #tpu.memory_space<hbm>>
      %dma_wait3A_195 = arith.constant 0 : i32
      %dma_wait3A_196 = arith.constant 0 : i32
      %dma_wait3A_197 = tpu.memref_slice %dma_wait3A_194[%dma_wait3A_195, %dma_wait3A_196] : memref<10240x64xf32, #tpu.memory_space<hbm>> -> memref<10240x64xf32, #tpu.memory_space<hbm>>
      tpu.wait_indirect_dma semaphore(%arg18 : memref<!tpu.dma_semaphore, #tpu.memory_space<semaphore_mem>>) src(%dma_wait3A_197 : memref<10240x64xf32, #tpu.memory_space<hbm>>) dst(%arg13 : memref<256x64xf32, #tpu.memory_space<vmem>>)
      %dma_start3A_198 = arith.constant 0 : i32
      %dma_start3A_199 = tpu.memref_slice %arg9[%add3A_187, %dma_start3A_198] : memref<40x256xi32, #tpu.memory_space<vmem>> -> memref<1x256xi32, #tpu.memory_space<vmem>>
      %dma_start3A_200 = tpu.memref_squeeze %dma_start3A_199 : memref<1x256xi32, #tpu.memory_space<vmem>> -> memref<256xi32, #tpu.memory_space<vmem>>
      %dma_start3A_201 = arith.constant 0 : i32
      %dma_start3A_202 = arith.constant 0 : i32
      %dma_start3A_203 = tpu.memref_slice %arg14[%dma_start3A_201, %dma_start3A_202] : memref<10240x64xf32, #tpu.memory_space<vmem_shared>> -> memref<10240x64xf32, #tpu.memory_space<vmem_shared>>
      tpu.enqueue_indirect_dma source(%arg13 : memref<256x64xf32, #tpu.memory_space<vmem>>) target(%dma_start3A_203 : memref<10240x64xf32, #tpu.memory_space<vmem_shared>>) offsets(%dma_start3A_200 : memref<256xi32, #tpu.memory_space<vmem>>) semaphore(%arg22 : memref<!tpu.dma_semaphore, #tpu.memory_space<semaphore_mem>>) {add = true}
      %ge3A_204 = arith.constant 2 : i32
      %ge3A_205 = arith.cmpi sge, %add3A_187, %ge3A_204 : i32
      %convert_element_type3A_206 = arith.extui %ge3A_205 : i1 to i32
      %cond3A_207 = arith.constant 0 : i32
      %cond3A_208 = arith.cmpi ne, %convert_element_type3A_206, %cond3A_207 : i32
      scf.if %cond3A_208 {
        %sub3A = arith.constant 2 : i32
        %sub3A_216 = arith.subi %add3A_187, %sub3A : i32
        %dma_wait3A_217 = arith.constant 0 : i32
        %dma_wait3A_218 = tpu.memref_slice %arg9[%sub3A_216, %dma_wait3A_217] : memref<40x256xi32, #tpu.memory_space<vmem>> -> memref<1x256xi32, #tpu.memory_space<vmem>>
        %dma_wait3A_219 = tpu.memref_squeeze %dma_wait3A_218 : memref<1x256xi32, #tpu.memory_space<vmem>> -> memref<256xi32, #tpu.memory_space<vmem>>
        %dma_wait3A_220 = arith.constant 0 : i32
        %dma_wait3A_221 = arith.constant 0 : i32
        %dma_wait3A_222 = tpu.memref_slice %arg14[%dma_wait3A_220, %dma_wait3A_221] : memref<10240x64xf32, #tpu.memory_space<vmem_shared>> -> memref<10240x64xf32, #tpu.memory_space<vmem_shared>>
        tpu.wait_indirect_dma semaphore(%arg20 : memref<!tpu.dma_semaphore, #tpu.memory_space<semaphore_mem>>) src(%arg11 : memref<256x64xf32, #tpu.memory_space<vmem>>) dst(%dma_wait3A_222 : memref<10240x64xf32, #tpu.memory_space<vmem_shared>>)
      } else {
      }
      %add3A_209 = arith.constant 2 : i32
      %add3A_210 = arith.addi %add3A_187, %add3A_209 : i32
      %lt3A_211 = arith.constant 40 : i32
      %lt3A_212 = arith.cmpi slt, %add3A_210, %lt3A_211 : i32
      %convert_element_type3A_213 = arith.extui %lt3A_212 : i1 to i32
      %cond3A_214 = arith.constant 0 : i32
      %cond3A_215 = arith.cmpi ne, %convert_element_type3A_213, %cond3A_214 : i32
      scf.if %cond3A_215 {
        %add3A_216 = arith.constant 2 : i32
        %add3A_217 = arith.addi %add3A_187, %add3A_216 : i32
        %dma_start3A_218 = arith.constant 0 : i32
        %dma_start3A_219 = tpu.memref_slice %arg8[%add3A_217, %dma_start3A_218] : memref<40x256xi32, #tpu.memory_space<vmem>> -> memref<1x256xi32, #tpu.memory_space<vmem>>
        %dma_start3A_220 = tpu.memref_squeeze %dma_start3A_219 : memref<1x256xi32, #tpu.memory_space<vmem>> -> memref<256xi32, #tpu.memory_space<vmem>>
        %dma_start3A_221 = arith.constant 0 : i32
        %dma_start3A_222 = arith.constant 0 : i32
        %dma_start3A_223 = tpu.memref_slice %arg2[%arg0, %dma_start3A_221, %dma_start3A_222] : memref<2x10240x64xf32, #tpu.memory_space<hbm>> -> memref<1x10240x64xf32, #tpu.memory_space<hbm>>
        %dma_start3A_224 = tpu.memref_squeeze %dma_start3A_223 : memref<1x10240x64xf32, #tpu.memory_space<hbm>> -> memref<10240x64xf32, #tpu.memory_space<hbm>>
        %dma_start3A_225 = arith.constant 0 : i32
        %dma_start3A_226 = arith.constant 0 : i32
        %dma_start3A_227 = tpu.memref_slice %dma_start3A_224[%dma_start3A_225, %dma_start3A_226] : memref<10240x64xf32, #tpu.memory_space<hbm>> -> memref<10240x64xf32, #tpu.memory_space<hbm>>
        tpu.enqueue_indirect_dma source(%dma_start3A_227 : memref<10240x64xf32, #tpu.memory_space<hbm>>) target(%arg11 : memref<256x64xf32, #tpu.memory_space<vmem>>) offsets(%dma_start3A_220 : memref<256xi32, #tpu.memory_space<vmem>>) semaphore(%arg16 : memref<!tpu.dma_semaphore, #tpu.memory_space<semaphore_mem>>)
      } else {
      }
    }
    %scan3A_26 = arith.constant 10 : i32
    %dma_wait3A = arith.constant 38 : i32
    %dma_wait3A_27 = arith.constant 0 : i32
    %dma_wait3A_28 = tpu.memref_slice %arg9[%dma_wait3A, %dma_wait3A_27] : memref<40x256xi32, #tpu.memory_space<vmem>> -> memref<1x256xi32, #tpu.memory_space<vmem>>
    %dma_wait3A_29 = tpu.memref_squeeze %dma_wait3A_28 : memref<1x256xi32, #tpu.memory_space<vmem>> -> memref<256xi32, #tpu.memory_space<vmem>>
    %dma_wait3A_30 = arith.constant 0 : i32
    %dma_wait3A_31 = arith.constant 0 : i32
    %dma_wait3A_32 = tpu.memref_slice %arg14[%dma_wait3A_30, %dma_wait3A_31] : memref<10240x64xf32, #tpu.memory_space<vmem_shared>> -> memref<10240x64xf32, #tpu.memory_space<vmem_shared>>
    tpu.wait_indirect_dma semaphore(%arg21 : memref<!tpu.dma_semaphore, #tpu.memory_space<semaphore_mem>>) src(%arg12 : memref<256x64xf32, #tpu.memory_space<vmem>>) dst(%dma_wait3A_32 : memref<10240x64xf32, #tpu.memory_space<vmem_shared>>)
    %dma_wait3A_33 = arith.constant 39 : i32
    %dma_wait3A_34 = arith.constant 0 : i32
    %dma_wait3A_35 = tpu.memref_slice %arg9[%dma_wait3A_33, %dma_wait3A_34] : memref<40x256xi32, #tpu.memory_space<vmem>> -> memref<1x256xi32, #tpu.memory_space<vmem>>
    %dma_wait3A_36 = tpu.memref_squeeze %dma_wait3A_35 : memref<1x256xi32, #tpu.memory_space<vmem>> -> memref<256xi32, #tpu.memory_space<vmem>>
    %dma_wait3A_37 = arith.constant 0 : i32
    %dma_wait3A_38 = arith.constant 0 : i32
    %dma_wait3A_39 = tpu.memref_slice %arg14[%dma_wait3A_37, %dma_wait3A_38] : memref<10240x64xf32, #tpu.memory_space<vmem_shared>> -> memref<10240x64xf32, #tpu.memory_space<vmem_shared>>
    tpu.wait_indirect_dma semaphore(%arg22 : memref<!tpu.dma_semaphore, #tpu.memory_space<semaphore_mem>>) src(%arg13 : memref<256x64xf32, #tpu.memory_space<vmem>>) dst(%dma_wait3A_39 : memref<10240x64xf32, #tpu.memory_space<vmem_shared>>)
    "tpu.region"() ({
      %run_scoped3A = tpu.sem_alloc : memref<!tpu.dma_semaphore, #tpu.memory_space<semaphore_mem>>
      %dma_start3A_90 = arith.constant 40 : i32
      %dma_start3A_91 = arith.constant 0 : i32
      %dma_start3A_92 = tpu.memref_slice %arg3[%arg1, %dma_start3A_90, %dma_start3A_91] : memref<16x80x256xi32, #tpu.memory_space<hbm>> -> memref<1x40x256xi32, #tpu.memory_space<hbm>>
      %dma_start3A_93 = tpu.memref_squeeze %dma_start3A_92 : memref<1x40x256xi32, #tpu.memory_space<hbm>> -> memref<40x256xi32, #tpu.memory_space<hbm>>
      %dma_start3A_94 = arith.constant 40 : i32
      %dma_start3A_95 = arith.constant 0 : i32
      %dma_start3A_96 = tpu.memref_slice %arg3[%arg1, %dma_start3A_94, %dma_start3A_95] : memref<16x80x256xi32, #tpu.memory_space<hbm>> -> memref<1x40x256xi32, #tpu.memory_space<hbm>>
      %dma_start3A_97 = tpu.memref_squeeze %dma_start3A_96 : memref<1x40x256xi32, #tpu.memory_space<hbm>> -> memref<40x256xi32, #tpu.memory_space<hbm>>
      tpu.enqueue_dma source(%dma_start3A_97 : memref<40x256xi32, #tpu.memory_space<hbm>>) target(%arg8 : memref<40x256xi32, #tpu.memory_space<vmem>>) target_semaphore(%run_scoped3A : memref<!tpu.dma_semaphore, #tpu.memory_space<semaphore_mem>>)
      %dma_wait3A_98 = arith.constant 40 : i32
      %dma_wait3A_99 = arith.constant 0 : i32
      %dma_wait3A_100 = tpu.memref_slice %arg3[%arg1, %dma_wait3A_98, %dma_wait3A_99] : memref<16x80x256xi32, #tpu.memory_space<hbm>> -> memref<1x40x256xi32, #tpu.memory_space<hbm>>
      %dma_wait3A_101 = tpu.memref_squeeze %dma_wait3A_100 : memref<1x40x256xi32, #tpu.memory_space<hbm>> -> memref<40x256xi32, #tpu.memory_space<hbm>>
      %dma_wait3A_102 = arith.constant 40 : i32
      %dma_wait3A_103 = arith.constant 0 : i32
      %dma_wait3A_104 = tpu.memref_slice %arg3[%arg1, %dma_wait3A_102, %dma_wait3A_103] : memref<16x80x256xi32, #tpu.memory_space<hbm>> -> memref<1x40x256xi32, #tpu.memory_space<hbm>>
      %dma_wait3A_105 = tpu.memref_squeeze %dma_wait3A_104 : memref<1x40x256xi32, #tpu.memory_space<hbm>> -> memref<40x256xi32, #tpu.memory_space<hbm>>
      tpu.wait_dma2 semaphore(%run_scoped3A : memref<!tpu.dma_semaphore, #tpu.memory_space<semaphore_mem>>) src(%dma_wait3A_105 : memref<40x256xi32, #tpu.memory_space<hbm>>) dst(%arg8 : memref<40x256xi32, #tpu.memory_space<vmem>>)
      tpu.yield
    }) : () -> ()
    "tpu.region"() ({
      %run_scoped3A = tpu.sem_alloc : memref<!tpu.dma_semaphore, #tpu.memory_space<semaphore_mem>>
      %dma_start3A_90 = arith.constant 40 : i32
      %dma_start3A_91 = arith.constant 0 : i32
      %dma_start3A_92 = tpu.memref_slice %arg4[%arg1, %dma_start3A_90, %dma_start3A_91] : memref<16x80x256xi32, #tpu.memory_space<hbm>> -> memref<1x40x256xi32, #tpu.memory_space<hbm>>
      %dma_start3A_93 = tpu.memref_squeeze %dma_start3A_92 : memref<1x40x256xi32, #tpu.memory_space<hbm>> -> memref<40x256xi32, #tpu.memory_space<hbm>>
      %dma_start3A_94 = arith.constant 40 : i32
      %dma_start3A_95 = arith.constant 0 : i32
      %dma_start3A_96 = tpu.memref_slice %arg4[%arg1, %dma_start3A_94, %dma_start3A_95] : memref<16x80x256xi32, #tpu.memory_space<hbm>> -> memref<1x40x256xi32, #tpu.memory_space<hbm>>
      %dma_start3A_97 = tpu.memref_squeeze %dma_start3A_96 : memref<1x40x256xi32, #tpu.memory_space<hbm>> -> memref<40x256xi32, #tpu.memory_space<hbm>>
      tpu.enqueue_dma source(%dma_start3A_97 : memref<40x256xi32, #tpu.memory_space<hbm>>) target(%arg9 : memref<40x256xi32, #tpu.memory_space<vmem>>) target_semaphore(%run_scoped3A : memref<!tpu.dma_semaphore, #tpu.memory_space<semaphore_mem>>)
      %dma_wait3A_98 = arith.constant 40 : i32
      %dma_wait3A_99 = arith.constant 0 : i32
      %dma_wait3A_100 = tpu.memref_slice %arg4[%arg1, %dma_wait3A_98, %dma_wait3A_99] : memref<16x80x256xi32, #tpu.memory_space<hbm>> -> memref<1x40x256xi32, #tpu.memory_space<hbm>>
      %dma_wait3A_101 = tpu.memref_squeeze %dma_wait3A_100 : memref<1x40x256xi32, #tpu.memory_space<hbm>> -> memref<40x256xi32, #tpu.memory_space<hbm>>
      %dma_wait3A_102 = arith.constant 40 : i32
      %dma_wait3A_103 = arith.constant 0 : i32
      %dma_wait3A_104 = tpu.memref_slice %arg4[%arg1, %dma_wait3A_102, %dma_wait3A_103] : memref<16x80x256xi32, #tpu.memory_space<hbm>> -> memref<1x40x256xi32, #tpu.memory_space<hbm>>
      %dma_wait3A_105 = tpu.memref_squeeze %dma_wait3A_104 : memref<1x40x256xi32, #tpu.memory_space<hbm>> -> memref<40x256xi32, #tpu.memory_space<hbm>>
      tpu.wait_dma2 semaphore(%run_scoped3A : memref<!tpu.dma_semaphore, #tpu.memory_space<semaphore_mem>>) src(%dma_wait3A_105 : memref<40x256xi32, #tpu.memory_space<hbm>>) dst(%arg9 : memref<40x256xi32, #tpu.memory_space<vmem>>)
      tpu.yield
    }) : () -> ()
    %dma_start3A_40 = arith.constant 0 : i32
    %dma_start3A_41 = arith.constant 0 : i32
    %dma_start3A_42 = tpu.memref_slice %arg8[%dma_start3A_40, %dma_start3A_41] : memref<40x256xi32, #tpu.memory_space<vmem>> -> memref<1x256xi32, #tpu.memory_space<vmem>>
    %dma_start3A_43 = tpu.memref_squeeze %dma_start3A_42 : memref<1x256xi32, #tpu.memory_space<vmem>> -> memref<256xi32, #tpu.memory_space<vmem>>
    %dma_start3A_44 = arith.constant 0 : i32
    %dma_start3A_45 = arith.constant 0 : i32
    %dma_start3A_46 = tpu.memref_slice %arg2[%arg0, %dma_start3A_44, %dma_start3A_45] : memref<2x10240x64xf32, #tpu.memory_space<hbm>> -> memref<1x10240x64xf32, #tpu.memory_space<hbm>>
    %dma_start3A_47 = tpu.memref_squeeze %dma_start3A_46 : memref<1x10240x64xf32, #tpu.memory_space<hbm>> -> memref<10240x64xf32, #tpu.memory_space<hbm>>
    %dma_start3A_48 = arith.constant 0 : i32
    %dma_start3A_49 = arith.constant 0 : i32
    %dma_start3A_50 = tpu.memref_slice %dma_start3A_47[%dma_start3A_48, %dma_start3A_49] : memref<10240x64xf32, #tpu.memory_space<hbm>> -> memref<10240x64xf32, #tpu.memory_space<hbm>>
    tpu.enqueue_indirect_dma source(%dma_start3A_50 : memref<10240x64xf32, #tpu.memory_space<hbm>>) target(%arg10 : memref<256x64xf32, #tpu.memory_space<vmem>>) offsets(%dma_start3A_43 : memref<256xi32, #tpu.memory_space<vmem>>) semaphore(%arg15 : memref<!tpu.dma_semaphore, #tpu.memory_space<semaphore_mem>>)
    %dma_start3A_51 = arith.constant 1 : i32
    %dma_start3A_52 = arith.constant 0 : i32
    %dma_start3A_53 = tpu.memref_slice %arg8[%dma_start3A_51, %dma_start3A_52] : memref<40x256xi32, #tpu.memory_space<vmem>> -> memref<1x256xi32, #tpu.memory_space<vmem>>
    %dma_start3A_54 = tpu.memref_squeeze %dma_start3A_53 : memref<1x256xi32, #tpu.memory_space<vmem>> -> memref<256xi32, #tpu.memory_space<vmem>>
    %dma_start3A_55 = arith.constant 0 : i32
    %dma_start3A_56 = arith.constant 0 : i32
    %dma_start3A_57 = tpu.memref_slice %arg2[%arg0, %dma_start3A_55, %dma_start3A_56] : memref<2x10240x64xf32, #tpu.memory_space<hbm>> -> memref<1x10240x64xf32, #tpu.memory_space<hbm>>
    %dma_start3A_58 = tpu.memref_squeeze %dma_start3A_57 : memref<1x10240x64xf32, #tpu.memory_space<hbm>> -> memref<10240x64xf32, #tpu.memory_space<hbm>>
    %dma_start3A_59 = arith.constant 0 : i32
    %dma_start3A_60 = arith.constant 0 : i32
    %dma_start3A_61 = tpu.memref_slice %dma_start3A_58[%dma_start3A_59, %dma_start3A_60] : memref<10240x64xf32, #tpu.memory_space<hbm>> -> memref<10240x64xf32, #tpu.memory_space<hbm>>
    tpu.enqueue_indirect_dma source(%dma_start3A_61 : memref<10240x64xf32, #tpu.memory_space<hbm>>) target(%arg11 : memref<256x64xf32, #tpu.memory_space<vmem>>) offsets(%dma_start3A_54 : memref<256xi32, #tpu.memory_space<vmem>>) semaphore(%arg16 : memref<!tpu.dma_semaphore, #tpu.memory_space<semaphore_mem>>)
    %scan3A_62 = arith.constant 0 : i32
    %scan3A_63 = arith.constant 0 : i32
    %scan3A_64 = arith.constant 10 : i32
    %scan3A_65 = arith.addi %scan3A_63, %scan3A_64 : i32
    %scan3A_66 = arith.constant 1 : i32
    scf.for %scan3A_90 = %scan3A_63 to %scan3A_65 step %scan3A_66  : i32 {
      %mul3A_91 = arith.constant 4 : i32
      %mul3A_92 = arith.muli %mul3A_91, %scan3A_90 : i32
      %add3A = arith.constant 0 : i32
      %add3A_93 = arith.addi %mul3A_92, %add3A : i32
      %dma_wait3A_94 = arith.constant 0 : i32
      %dma_wait3A_95 = tpu.memref_slice %arg8[%add3A_93, %dma_wait3A_94] : memref<40x256xi32, #tpu.memory_space<vmem>> -> memref<1x256xi32, #tpu.memory_space<vmem>>
      %dma_wait3A_96 = tpu.memref_squeeze %dma_wait3A_95 : memref<1x256xi32, #tpu.memory_space<vmem>> -> memref<256xi32, #tpu.memory_space<vmem>>
      %dma_wait3A_97 = arith.constant 0 : i32
      %dma_wait3A_98 = arith.constant 0 : i32
      %dma_wait3A_99 = tpu.memref_slice %arg2[%arg0, %dma_wait3A_97, %dma_wait3A_98] : memref<2x10240x64xf32, #tpu.memory_space<hbm>> -> memref<1x10240x64xf32, #tpu.memory_space<hbm>>
      %dma_wait3A_100 = tpu.memref_squeeze %dma_wait3A_99 : memref<1x10240x64xf32, #tpu.memory_space<hbm>> -> memref<10240x64xf32, #tpu.memory_space<hbm>>
      %dma_wait3A_101 = arith.constant 0 : i32
      %dma_wait3A_102 = arith.constant 0 : i32
      %dma_wait3A_103 = tpu.memref_slice %dma_wait3A_100[%dma_wait3A_101, %dma_wait3A_102] : memref<10240x64xf32, #tpu.memory_space<hbm>> -> memref<10240x64xf32, #tpu.memory_space<hbm>>
      tpu.wait_indirect_dma semaphore(%arg15 : memref<!tpu.dma_semaphore, #tpu.memory_space<semaphore_mem>>) src(%dma_wait3A_103 : memref<10240x64xf32, #tpu.memory_space<hbm>>) dst(%arg10 : memref<256x64xf32, #tpu.memory_space<vmem>>)
      %dma_start3A_104 = arith.constant 0 : i32
      %dma_start3A_105 = tpu.memref_slice %arg9[%add3A_93, %dma_start3A_104] : memref<40x256xi32, #tpu.memory_space<vmem>> -> memref<1x256xi32, #tpu.memory_space<vmem>>
      %dma_start3A_106 = tpu.memref_squeeze %dma_start3A_105 : memref<1x256xi32, #tpu.memory_space<vmem>> -> memref<256xi32, #tpu.memory_space<vmem>>
      %dma_start3A_107 = arith.constant 0 : i32
      %dma_start3A_108 = arith.constant 0 : i32
      %dma_start3A_109 = tpu.memref_slice %arg14[%dma_start3A_107, %dma_start3A_108] : memref<10240x64xf32, #tpu.memory_space<vmem_shared>> -> memref<10240x64xf32, #tpu.memory_space<vmem_shared>>
      tpu.enqueue_indirect_dma source(%arg10 : memref<256x64xf32, #tpu.memory_space<vmem>>) target(%dma_start3A_109 : memref<10240x64xf32, #tpu.memory_space<vmem_shared>>) offsets(%dma_start3A_106 : memref<256xi32, #tpu.memory_space<vmem>>) semaphore(%arg19 : memref<!tpu.dma_semaphore, #tpu.memory_space<semaphore_mem>>) {add = true}
      %ge3A = arith.constant 2 : i32
      %ge3A_110 = arith.cmpi sge, %add3A_93, %ge3A : i32
      %convert_element_type3A_111 = arith.extui %ge3A_110 : i1 to i32
      %cond3A_112 = arith.constant 0 : i32
      %cond3A_113 = arith.cmpi ne, %convert_element_type3A_111, %cond3A_112 : i32
      scf.if %cond3A_113 {
        %sub3A = arith.constant 2 : i32
        %sub3A_216 = arith.subi %add3A_93, %sub3A : i32
        %dma_wait3A_217 = arith.constant 0 : i32
        %dma_wait3A_218 = tpu.memref_slice %arg9[%sub3A_216, %dma_wait3A_217] : memref<40x256xi32, #tpu.memory_space<vmem>> -> memref<1x256xi32, #tpu.memory_space<vmem>>
        %dma_wait3A_219 = tpu.memref_squeeze %dma_wait3A_218 : memref<1x256xi32, #tpu.memory_space<vmem>> -> memref<256xi32, #tpu.memory_space<vmem>>
        %dma_wait3A_220 = arith.constant 0 : i32
        %dma_wait3A_221 = arith.constant 0 : i32
        %dma_wait3A_222 = tpu.memref_slice %arg14[%dma_wait3A_220, %dma_wait3A_221] : memref<10240x64xf32, #tpu.memory_space<vmem_shared>> -> memref<10240x64xf32, #tpu.memory_space<vmem_shared>>
        tpu.wait_indirect_dma semaphore(%arg21 : memref<!tpu.dma_semaphore, #tpu.memory_space<semaphore_mem>>) src(%arg12 : memref<256x64xf32, #tpu.memory_space<vmem>>) dst(%dma_wait3A_222 : memref<10240x64xf32, #tpu.memory_space<vmem_shared>>)
      } else {
      }
      %add3A_114 = arith.constant 2 : i32
      %add3A_115 = arith.addi %add3A_93, %add3A_114 : i32
      %lt3A = arith.constant 40 : i32
      %lt3A_116 = arith.cmpi slt, %add3A_115, %lt3A : i32
      %convert_element_type3A_117 = arith.extui %lt3A_116 : i1 to i32
      %cond3A_118 = arith.constant 0 : i32
      %cond3A_119 = arith.cmpi ne, %convert_element_type3A_117, %cond3A_118 : i32
      scf.if %cond3A_119 {
        %add3A_216 = arith.constant 2 : i32
        %add3A_217 = arith.addi %add3A_93, %add3A_216 : i32
        %dma_start3A_218 = arith.constant 0 : i32
        %dma_start3A_219 = tpu.memref_slice %arg8[%add3A_217, %dma_start3A_218] : memref<40x256xi32, #tpu.memory_space<vmem>> -> memref<1x256xi32, #tpu.memory_space<vmem>>
        %dma_start3A_220 = tpu.memref_squeeze %dma_start3A_219 : memref<1x256xi32, #tpu.memory_space<vmem>> -> memref<256xi32, #tpu.memory_space<vmem>>
        %dma_start3A_221 = arith.constant 0 : i32
        %dma_start3A_222 = arith.constant 0 : i32
        %dma_start3A_223 = tpu.memref_slice %arg2[%arg0, %dma_start3A_221, %dma_start3A_222] : memref<2x10240x64xf32, #tpu.memory_space<hbm>> -> memref<1x10240x64xf32, #tpu.memory_space<hbm>>
        %dma_start3A_224 = tpu.memref_squeeze %dma_start3A_223 : memref<1x10240x64xf32, #tpu.memory_space<hbm>> -> memref<10240x64xf32, #tpu.memory_space<hbm>>
        %dma_start3A_225 = arith.constant 0 : i32
        %dma_start3A_226 = arith.constant 0 : i32
        %dma_start3A_227 = tpu.memref_slice %dma_start3A_224[%dma_start3A_225, %dma_start3A_226] : memref<10240x64xf32, #tpu.memory_space<hbm>> -> memref<10240x64xf32, #tpu.memory_space<hbm>>
        tpu.enqueue_indirect_dma source(%dma_start3A_227 : memref<10240x64xf32, #tpu.memory_space<hbm>>) target(%arg12 : memref<256x64xf32, #tpu.memory_space<vmem>>) offsets(%dma_start3A_220 : memref<256xi32, #tpu.memory_space<vmem>>) semaphore(%arg17 : memref<!tpu.dma_semaphore, #tpu.memory_space<semaphore_mem>>)
      } else {
      }
      %mul3A_120 = arith.constant 4 : i32
      %mul3A_121 = arith.muli %mul3A_120, %scan3A_90 : i32
      %add3A_122 = arith.constant 1 : i32
      %add3A_123 = arith.addi %mul3A_121, %add3A_122 : i32
      %dma_wait3A_124 = arith.constant 0 : i32
      %dma_wait3A_125 = tpu.memref_slice %arg8[%add3A_123, %dma_wait3A_124] : memref<40x256xi32, #tpu.memory_space<vmem>> -> memref<1x256xi32, #tpu.memory_space<vmem>>
      %dma_wait3A_126 = tpu.memref_squeeze %dma_wait3A_125 : memref<1x256xi32, #tpu.memory_space<vmem>> -> memref<256xi32, #tpu.memory_space<vmem>>
      %dma_wait3A_127 = arith.constant 0 : i32
      %dma_wait3A_128 = arith.constant 0 : i32
      %dma_wait3A_129 = tpu.memref_slice %arg2[%arg0, %dma_wait3A_127, %dma_wait3A_128] : memref<2x10240x64xf32, #tpu.memory_space<hbm>> -> memref<1x10240x64xf32, #tpu.memory_space<hbm>>
      %dma_wait3A_130 = tpu.memref_squeeze %dma_wait3A_129 : memref<1x10240x64xf32, #tpu.memory_space<hbm>> -> memref<10240x64xf32, #tpu.memory_space<hbm>>
      %dma_wait3A_131 = arith.constant 0 : i32
      %dma_wait3A_132 = arith.constant 0 : i32
      %dma_wait3A_133 = tpu.memref_slice %dma_wait3A_130[%dma_wait3A_131, %dma_wait3A_132] : memref<10240x64xf32, #tpu.memory_space<hbm>> -> memref<10240x64xf32, #tpu.memory_space<hbm>>
      tpu.wait_indirect_dma semaphore(%arg16 : memref<!tpu.dma_semaphore, #tpu.memory_space<semaphore_mem>>) src(%dma_wait3A_133 : memref<10240x64xf32, #tpu.memory_space<hbm>>) dst(%arg11 : memref<256x64xf32, #tpu.memory_space<vmem>>)
      %dma_start3A_134 = arith.constant 0 : i32
      %dma_start3A_135 = tpu.memref_slice %arg9[%add3A_123, %dma_start3A_134] : memref<40x256xi32, #tpu.memory_space<vmem>> -> memref<1x256xi32, #tpu.memory_space<vmem>>
      %dma_start3A_136 = tpu.memref_squeeze %dma_start3A_135 : memref<1x256xi32, #tpu.memory_space<vmem>> -> memref<256xi32, #tpu.memory_space<vmem>>
      %dma_start3A_137 = arith.constant 0 : i32
      %dma_start3A_138 = arith.constant 0 : i32
      %dma_start3A_139 = tpu.memref_slice %arg14[%dma_start3A_137, %dma_start3A_138] : memref<10240x64xf32, #tpu.memory_space<vmem_shared>> -> memref<10240x64xf32, #tpu.memory_space<vmem_shared>>
      tpu.enqueue_indirect_dma source(%arg11 : memref<256x64xf32, #tpu.memory_space<vmem>>) target(%dma_start3A_139 : memref<10240x64xf32, #tpu.memory_space<vmem_shared>>) offsets(%dma_start3A_136 : memref<256xi32, #tpu.memory_space<vmem>>) semaphore(%arg20 : memref<!tpu.dma_semaphore, #tpu.memory_space<semaphore_mem>>) {add = true}
      %ge3A_140 = arith.constant 2 : i32
      %ge3A_141 = arith.cmpi sge, %add3A_123, %ge3A_140 : i32
      %convert_element_type3A_142 = arith.extui %ge3A_141 : i1 to i32
      %cond3A_143 = arith.constant 0 : i32
      %cond3A_144 = arith.cmpi ne, %convert_element_type3A_142, %cond3A_143 : i32
      scf.if %cond3A_144 {
        %sub3A = arith.constant 2 : i32
        %sub3A_216 = arith.subi %add3A_123, %sub3A : i32
        %dma_wait3A_217 = arith.constant 0 : i32
        %dma_wait3A_218 = tpu.memref_slice %arg9[%sub3A_216, %dma_wait3A_217] : memref<40x256xi32, #tpu.memory_space<vmem>> -> memref<1x256xi32, #tpu.memory_space<vmem>>
        %dma_wait3A_219 = tpu.memref_squeeze %dma_wait3A_218 : memref<1x256xi32, #tpu.memory_space<vmem>> -> memref<256xi32, #tpu.memory_space<vmem>>
        %dma_wait3A_220 = arith.constant 0 : i32
        %dma_wait3A_221 = arith.constant 0 : i32
        %dma_wait3A_222 = tpu.memref_slice %arg14[%dma_wait3A_220, %dma_wait3A_221] : memref<10240x64xf32, #tpu.memory_space<vmem_shared>> -> memref<10240x64xf32, #tpu.memory_space<vmem_shared>>
        tpu.wait_indirect_dma semaphore(%arg22 : memref<!tpu.dma_semaphore, #tpu.memory_space<semaphore_mem>>) src(%arg13 : memref<256x64xf32, #tpu.memory_space<vmem>>) dst(%dma_wait3A_222 : memref<10240x64xf32, #tpu.memory_space<vmem_shared>>)
      } else {
      }
      %add3A_145 = arith.constant 2 : i32
      %add3A_146 = arith.addi %add3A_123, %add3A_145 : i32
      %lt3A_147 = arith.constant 40 : i32
      %lt3A_148 = arith.cmpi slt, %add3A_146, %lt3A_147 : i32
      %convert_element_type3A_149 = arith.extui %lt3A_148 : i1 to i32
      %cond3A_150 = arith.constant 0 : i32
      %cond3A_151 = arith.cmpi ne, %convert_element_type3A_149, %cond3A_150 : i32
      scf.if %cond3A_151 {
        %add3A_216 = arith.constant 2 : i32
        %add3A_217 = arith.addi %add3A_123, %add3A_216 : i32
        %dma_start3A_218 = arith.constant 0 : i32
        %dma_start3A_219 = tpu.memref_slice %arg8[%add3A_217, %dma_start3A_218] : memref<40x256xi32, #tpu.memory_space<vmem>> -> memref<1x256xi32, #tpu.memory_space<vmem>>
        %dma_start3A_220 = tpu.memref_squeeze %dma_start3A_219 : memref<1x256xi32, #tpu.memory_space<vmem>> -> memref<256xi32, #tpu.memory_space<vmem>>
        %dma_start3A_221 = arith.constant 0 : i32
        %dma_start3A_222 = arith.constant 0 : i32
        %dma_start3A_223 = tpu.memref_slice %arg2[%arg0, %dma_start3A_221, %dma_start3A_222] : memref<2x10240x64xf32, #tpu.memory_space<hbm>> -> memref<1x10240x64xf32, #tpu.memory_space<hbm>>
        %dma_start3A_224 = tpu.memref_squeeze %dma_start3A_223 : memref<1x10240x64xf32, #tpu.memory_space<hbm>> -> memref<10240x64xf32, #tpu.memory_space<hbm>>
        %dma_start3A_225 = arith.constant 0 : i32
        %dma_start3A_226 = arith.constant 0 : i32
        %dma_start3A_227 = tpu.memref_slice %dma_start3A_224[%dma_start3A_225, %dma_start3A_226] : memref<10240x64xf32, #tpu.memory_space<hbm>> -> memref<10240x64xf32, #tpu.memory_space<hbm>>
        tpu.enqueue_indirect_dma source(%dma_start3A_227 : memref<10240x64xf32, #tpu.memory_space<hbm>>) target(%arg13 : memref<256x64xf32, #tpu.memory_space<vmem>>) offsets(%dma_start3A_220 : memref<256xi32, #tpu.memory_space<vmem>>) semaphore(%arg18 : memref<!tpu.dma_semaphore, #tpu.memory_space<semaphore_mem>>)
      } else {
      }
      %mul3A_152 = arith.constant 4 : i32
      %mul3A_153 = arith.muli %mul3A_152, %scan3A_90 : i32
      %add3A_154 = arith.constant 2 : i32
      %add3A_155 = arith.addi %mul3A_153, %add3A_154 : i32
      %dma_wait3A_156 = arith.constant 0 : i32
      %dma_wait3A_157 = tpu.memref_slice %arg8[%add3A_155, %dma_wait3A_156] : memref<40x256xi32, #tpu.memory_space<vmem>> -> memref<1x256xi32, #tpu.memory_space<vmem>>
      %dma_wait3A_158 = tpu.memref_squeeze %dma_wait3A_157 : memref<1x256xi32, #tpu.memory_space<vmem>> -> memref<256xi32, #tpu.memory_space<vmem>>
      %dma_wait3A_159 = arith.constant 0 : i32
      %dma_wait3A_160 = arith.constant 0 : i32
      %dma_wait3A_161 = tpu.memref_slice %arg2[%arg0, %dma_wait3A_159, %dma_wait3A_160] : memref<2x10240x64xf32, #tpu.memory_space<hbm>> -> memref<1x10240x64xf32, #tpu.memory_space<hbm>>
      %dma_wait3A_162 = tpu.memref_squeeze %dma_wait3A_161 : memref<1x10240x64xf32, #tpu.memory_space<hbm>> -> memref<10240x64xf32, #tpu.memory_space<hbm>>
      %dma_wait3A_163 = arith.constant 0 : i32
      %dma_wait3A_164 = arith.constant 0 : i32
      %dma_wait3A_165 = tpu.memref_slice %dma_wait3A_162[%dma_wait3A_163, %dma_wait3A_164] : memref<10240x64xf32, #tpu.memory_space<hbm>> -> memref<10240x64xf32, #tpu.memory_space<hbm>>
      tpu.wait_indirect_dma semaphore(%arg17 : memref<!tpu.dma_semaphore, #tpu.memory_space<semaphore_mem>>) src(%dma_wait3A_165 : memref<10240x64xf32, #tpu.memory_space<hbm>>) dst(%arg12 : memref<256x64xf32, #tpu.memory_space<vmem>>)
      %dma_start3A_166 = arith.constant 0 : i32
      %dma_start3A_167 = tpu.memref_slice %arg9[%add3A_155, %dma_start3A_166] : memref<40x256xi32, #tpu.memory_space<vmem>> -> memref<1x256xi32, #tpu.memory_space<vmem>>
      %dma_start3A_168 = tpu.memref_squeeze %dma_start3A_167 : memref<1x256xi32, #tpu.memory_space<vmem>> -> memref<256xi32, #tpu.memory_space<vmem>>
      %dma_start3A_169 = arith.constant 0 : i32
      %dma_start3A_170 = arith.constant 0 : i32
      %dma_start3A_171 = tpu.memref_slice %arg14[%dma_start3A_169, %dma_start3A_170] : memref<10240x64xf32, #tpu.memory_space<vmem_shared>> -> memref<10240x64xf32, #tpu.memory_space<vmem_shared>>
      tpu.enqueue_indirect_dma source(%arg12 : memref<256x64xf32, #tpu.memory_space<vmem>>) target(%dma_start3A_171 : memref<10240x64xf32, #tpu.memory_space<vmem_shared>>) offsets(%dma_start3A_168 : memref<256xi32, #tpu.memory_space<vmem>>) semaphore(%arg21 : memref<!tpu.dma_semaphore, #tpu.memory_space<semaphore_mem>>) {add = true}
      %ge3A_172 = arith.constant 2 : i32
      %ge3A_173 = arith.cmpi sge, %add3A_155, %ge3A_172 : i32
      %convert_element_type3A_174 = arith.extui %ge3A_173 : i1 to i32
      %cond3A_175 = arith.constant 0 : i32
      %cond3A_176 = arith.cmpi ne, %convert_element_type3A_174, %cond3A_175 : i32
      scf.if %cond3A_176 {
        %sub3A = arith.constant 2 : i32
        %sub3A_216 = arith.subi %add3A_155, %sub3A : i32
        %dma_wait3A_217 = arith.constant 0 : i32
        %dma_wait3A_218 = tpu.memref_slice %arg9[%sub3A_216, %dma_wait3A_217] : memref<40x256xi32, #tpu.memory_space<vmem>> -> memref<1x256xi32, #tpu.memory_space<vmem>>
        %dma_wait3A_219 = tpu.memref_squeeze %dma_wait3A_218 : memref<1x256xi32, #tpu.memory_space<vmem>> -> memref<256xi32, #tpu.memory_space<vmem>>
        %dma_wait3A_220 = arith.constant 0 : i32
        %dma_wait3A_221 = arith.constant 0 : i32
        %dma_wait3A_222 = tpu.memref_slice %arg14[%dma_wait3A_220, %dma_wait3A_221] : memref<10240x64xf32, #tpu.memory_space<vmem_shared>> -> memref<10240x64xf32, #tpu.memory_space<vmem_shared>>
        tpu.wait_indirect_dma semaphore(%arg19 : memref<!tpu.dma_semaphore, #tpu.memory_space<semaphore_mem>>) src(%arg10 : memref<256x64xf32, #tpu.memory_space<vmem>>) dst(%dma_wait3A_222 : memref<10240x64xf32, #tpu.memory_space<vmem_shared>>)
      } else {
      }
      %add3A_177 = arith.constant 2 : i32
      %add3A_178 = arith.addi %add3A_155, %add3A_177 : i32
      %lt3A_179 = arith.constant 40 : i32
      %lt3A_180 = arith.cmpi slt, %add3A_178, %lt3A_179 : i32
      %convert_element_type3A_181 = arith.extui %lt3A_180 : i1 to i32
      %cond3A_182 = arith.constant 0 : i32
      %cond3A_183 = arith.cmpi ne, %convert_element_type3A_181, %cond3A_182 : i32
      scf.if %cond3A_183 {
        %add3A_216 = arith.constant 2 : i32
        %add3A_217 = arith.addi %add3A_155, %add3A_216 : i32
        %dma_start3A_218 = arith.constant 0 : i32
        %dma_start3A_219 = tpu.memref_slice %arg8[%add3A_217, %dma_start3A_218] : memref<40x256xi32, #tpu.memory_space<vmem>> -> memref<1x256xi32, #tpu.memory_space<vmem>>
        %dma_start3A_220 = tpu.memref_squeeze %dma_start3A_219 : memref<1x256xi32, #tpu.memory_space<vmem>> -> memref<256xi32, #tpu.memory_space<vmem>>
        %dma_start3A_221 = arith.constant 0 : i32
        %dma_start3A_222 = arith.constant 0 : i32
        %dma_start3A_223 = tpu.memref_slice %arg2[%arg0, %dma_start3A_221, %dma_start3A_222] : memref<2x10240x64xf32, #tpu.memory_space<hbm>> -> memref<1x10240x64xf32, #tpu.memory_space<hbm>>
        %dma_start3A_224 = tpu.memref_squeeze %dma_start3A_223 : memref<1x10240x64xf32, #tpu.memory_space<hbm>> -> memref<10240x64xf32, #tpu.memory_space<hbm>>
        %dma_start3A_225 = arith.constant 0 : i32
        %dma_start3A_226 = arith.constant 0 : i32
        %dma_start3A_227 = tpu.memref_slice %dma_start3A_224[%dma_start3A_225, %dma_start3A_226] : memref<10240x64xf32, #tpu.memory_space<hbm>> -> memref<10240x64xf32, #tpu.memory_space<hbm>>
        tpu.enqueue_indirect_dma source(%dma_start3A_227 : memref<10240x64xf32, #tpu.memory_space<hbm>>) target(%arg10 : memref<256x64xf32, #tpu.memory_space<vmem>>) offsets(%dma_start3A_220 : memref<256xi32, #tpu.memory_space<vmem>>) semaphore(%arg15 : memref<!tpu.dma_semaphore, #tpu.memory_space<semaphore_mem>>)
      } else {
      }
      %mul3A_184 = arith.constant 4 : i32
      %mul3A_185 = arith.muli %mul3A_184, %scan3A_90 : i32
      %add3A_186 = arith.constant 3 : i32
      %add3A_187 = arith.addi %mul3A_185, %add3A_186 : i32
      %dma_wait3A_188 = arith.constant 0 : i32
      %dma_wait3A_189 = tpu.memref_slice %arg8[%add3A_187, %dma_wait3A_188] : memref<40x256xi32, #tpu.memory_space<vmem>> -> memref<1x256xi32, #tpu.memory_space<vmem>>
      %dma_wait3A_190 = tpu.memref_squeeze %dma_wait3A_189 : memref<1x256xi32, #tpu.memory_space<vmem>> -> memref<256xi32, #tpu.memory_space<vmem>>
      %dma_wait3A_191 = arith.constant 0 : i32
      %dma_wait3A_192 = arith.constant 0 : i32
      %dma_wait3A_193 = tpu.memref_slice %arg2[%arg0, %dma_wait3A_191, %dma_wait3A_192] : memref<2x10240x64xf32, #tpu.memory_space<hbm>> -> memref<1x10240x64xf32, #tpu.memory_space<hbm>>
      %dma_wait3A_194 = tpu.memref_squeeze %dma_wait3A_193 : memref<1x10240x64xf32, #tpu.memory_space<hbm>> -> memref<10240x64xf32, #tpu.memory_space<hbm>>
      %dma_wait3A_195 = arith.constant 0 : i32
      %dma_wait3A_196 = arith.constant 0 : i32
      %dma_wait3A_197 = tpu.memref_slice %dma_wait3A_194[%dma_wait3A_195, %dma_wait3A_196] : memref<10240x64xf32, #tpu.memory_space<hbm>> -> memref<10240x64xf32, #tpu.memory_space<hbm>>
      tpu.wait_indirect_dma semaphore(%arg18 : memref<!tpu.dma_semaphore, #tpu.memory_space<semaphore_mem>>) src(%dma_wait3A_197 : memref<10240x64xf32, #tpu.memory_space<hbm>>) dst(%arg13 : memref<256x64xf32, #tpu.memory_space<vmem>>)
      %dma_start3A_198 = arith.constant 0 : i32
      %dma_start3A_199 = tpu.memref_slice %arg9[%add3A_187, %dma_start3A_198] : memref<40x256xi32, #tpu.memory_space<vmem>> -> memref<1x256xi32, #tpu.memory_space<vmem>>
      %dma_start3A_200 = tpu.memref_squeeze %dma_start3A_199 : memref<1x256xi32, #tpu.memory_space<vmem>> -> memref<256xi32, #tpu.memory_space<vmem>>
      %dma_start3A_201 = arith.constant 0 : i32
      %dma_start3A_202 = arith.constant 0 : i32
      %dma_start3A_203 = tpu.memref_slice %arg14[%dma_start3A_201, %dma_start3A_202] : memref<10240x64xf32, #tpu.memory_space<vmem_shared>> -> memref<10240x64xf32, #tpu.memory_space<vmem_shared>>
      tpu.enqueue_indirect_dma source(%arg13 : memref<256x64xf32, #tpu.memory_space<vmem>>) target(%dma_start3A_203 : memref<10240x64xf32, #tpu.memory_space<vmem_shared>>) offsets(%dma_start3A_200 : memref<256xi32, #tpu.memory_space<vmem>>) semaphore(%arg22 : memref<!tpu.dma_semaphore, #tpu.memory_space<semaphore_mem>>) {add = true}
      %ge3A_204 = arith.constant 2 : i32
      %ge3A_205 = arith.cmpi sge, %add3A_187, %ge3A_204 : i32
      %convert_element_type3A_206 = arith.extui %ge3A_205 : i1 to i32
      %cond3A_207 = arith.constant 0 : i32
      %cond3A_208 = arith.cmpi ne, %convert_element_type3A_206, %cond3A_207 : i32
      scf.if %cond3A_208 {
        %sub3A = arith.constant 2 : i32
        %sub3A_216 = arith.subi %add3A_187, %sub3A : i32
        %dma_wait3A_217 = arith.constant 0 : i32
        %dma_wait3A_218 = tpu.memref_slice %arg9[%sub3A_216, %dma_wait3A_217] : memref<40x256xi32, #tpu.memory_space<vmem>> -> memref<1x256xi32, #tpu.memory_space<vmem>>
        %dma_wait3A_219 = tpu.memref_squeeze %dma_wait3A_218 : memref<1x256xi32, #tpu.memory_space<vmem>> -> memref<256xi32, #tpu.memory_space<vmem>>
        %dma_wait3A_220 = arith.constant 0 : i32
        %dma_wait3A_221 = arith.constant 0 : i32
        %dma_wait3A_222 = tpu.memref_slice %arg14[%dma_wait3A_220, %dma_wait3A_221] : memref<10240x64xf32, #tpu.memory_space<vmem_shared>> -> memref<10240x64xf32, #tpu.memory_space<vmem_shared>>
        tpu.wait_indirect_dma semaphore(%arg20 : memref<!tpu.dma_semaphore, #tpu.memory_space<semaphore_mem>>) src(%arg11 : memref<256x64xf32, #tpu.memory_space<vmem>>) dst(%dma_wait3A_222 : memref<10240x64xf32, #tpu.memory_space<vmem_shared>>)
      } else {
      }
      %add3A_209 = arith.constant 2 : i32
      %add3A_210 = arith.addi %add3A_187, %add3A_209 : i32
      %lt3A_211 = arith.constant 40 : i32
      %lt3A_212 = arith.cmpi slt, %add3A_210, %lt3A_211 : i32
      %convert_element_type3A_213 = arith.extui %lt3A_212 : i1 to i32
      %cond3A_214 = arith.constant 0 : i32
      %cond3A_215 = arith.cmpi ne, %convert_element_type3A_213, %cond3A_214 : i32
      scf.if %cond3A_215 {
        %add3A_216 = arith.constant 2 : i32
        %add3A_217 = arith.addi %add3A_187, %add3A_216 : i32
        %dma_start3A_218 = arith.constant 0 : i32
        %dma_start3A_219 = tpu.memref_slice %arg8[%add3A_217, %dma_start3A_218] : memref<40x256xi32, #tpu.memory_space<vmem>> -> memref<1x256xi32, #tpu.memory_space<vmem>>
        %dma_start3A_220 = tpu.memref_squeeze %dma_start3A_219 : memref<1x256xi32, #tpu.memory_space<vmem>> -> memref<256xi32, #tpu.memory_space<vmem>>
        %dma_start3A_221 = arith.constant 0 : i32
        %dma_start3A_222 = arith.constant 0 : i32
        %dma_start3A_223 = tpu.memref_slice %arg2[%arg0, %dma_start3A_221, %dma_start3A_222] : memref<2x10240x64xf32, #tpu.memory_space<hbm>> -> memref<1x10240x64xf32, #tpu.memory_space<hbm>>
        %dma_start3A_224 = tpu.memref_squeeze %dma_start3A_223 : memref<1x10240x64xf32, #tpu.memory_space<hbm>> -> memref<10240x64xf32, #tpu.memory_space<hbm>>
        %dma_start3A_225 = arith.constant 0 : i32
        %dma_start3A_226 = arith.constant 0 : i32
        %dma_start3A_227 = tpu.memref_slice %dma_start3A_224[%dma_start3A_225, %dma_start3A_226] : memref<10240x64xf32, #tpu.memory_space<hbm>> -> memref<10240x64xf32, #tpu.memory_space<hbm>>
        tpu.enqueue_indirect_dma source(%dma_start3A_227 : memref<10240x64xf32, #tpu.memory_space<hbm>>) target(%arg11 : memref<256x64xf32, #tpu.memory_space<vmem>>) offsets(%dma_start3A_220 : memref<256xi32, #tpu.memory_space<vmem>>) semaphore(%arg16 : memref<!tpu.dma_semaphore, #tpu.memory_space<semaphore_mem>>)
      } else {
      }
    }
    %scan3A_67 = arith.constant 10 : i32
    %dma_wait3A_68 = arith.constant 38 : i32
    %dma_wait3A_69 = arith.constant 0 : i32
    %dma_wait3A_70 = tpu.memref_slice %arg9[%dma_wait3A_68, %dma_wait3A_69] : memref<40x256xi32, #tpu.memory_space<vmem>> -> memref<1x256xi32, #tpu.memory_space<vmem>>
    %dma_wait3A_71 = tpu.memref_squeeze %dma_wait3A_70 : memref<1x256xi32, #tpu.memory_space<vmem>> -> memref<256xi32, #tpu.memory_space<vmem>>
    %dma_wait3A_72 = arith.constant 0 : i32
    %dma_wait3A_73 = arith.constant 0 : i32
    %dma_wait3A_74 = tpu.memref_slice %arg14[%dma_wait3A_72, %dma_wait3A_73] : memref<10240x64xf32, #tpu.memory_space<vmem_shared>> -> memref<10240x64xf32, #tpu.memory_space<vmem_shared>>
    tpu.wait_indirect_dma semaphore(%arg21 : memref<!tpu.dma_semaphore, #tpu.memory_space<semaphore_mem>>) src(%arg12 : memref<256x64xf32, #tpu.memory_space<vmem>>) dst(%dma_wait3A_74 : memref<10240x64xf32, #tpu.memory_space<vmem_shared>>)
    %dma_wait3A_75 = arith.constant 39 : i32
    %dma_wait3A_76 = arith.constant 0 : i32
    %dma_wait3A_77 = tpu.memref_slice %arg9[%dma_wait3A_75, %dma_wait3A_76] : memref<40x256xi32, #tpu.memory_space<vmem>> -> memref<1x256xi32, #tpu.memory_space<vmem>>
    %dma_wait3A_78 = tpu.memref_squeeze %dma_wait3A_77 : memref<1x256xi32, #tpu.memory_space<vmem>> -> memref<256xi32, #tpu.memory_space<vmem>>
    %dma_wait3A_79 = arith.constant 0 : i32
    %dma_wait3A_80 = arith.constant 0 : i32
    %dma_wait3A_81 = tpu.memref_slice %arg14[%dma_wait3A_79, %dma_wait3A_80] : memref<10240x64xf32, #tpu.memory_space<vmem_shared>> -> memref<10240x64xf32, #tpu.memory_space<vmem_shared>>
    tpu.wait_indirect_dma semaphore(%arg22 : memref<!tpu.dma_semaphore, #tpu.memory_space<semaphore_mem>>) src(%arg13 : memref<256x64xf32, #tpu.memory_space<vmem>>) dst(%dma_wait3A_81 : memref<10240x64xf32, #tpu.memory_space<vmem_shared>>)
    %barrier3A_82 = arith.constant 0 : index
    tpu.barrier barrier_id(%barrier3A_82)
    %eq3A = arith.constant 0 : i32
    %eq3A_83 = arith.cmpi eq, %arg0, %eq3A : i32
    %convert_element_type3A = arith.extui %eq3A_83 : i1 to i32
    %cond3A = arith.constant 0 : i32
    %cond3A_84 = arith.cmpi ne, %convert_element_type3A, %cond3A : i32
    scf.if %cond3A_84 {
      %mul3A_90 = arith.constant 640 : i32
      %mul3A_91 = arith.muli %arg1, %mul3A_90 : i32
      %mul3A_92 = arith.constant 640 : i32
      %mul3A_93 = arith.muli %arg1, %mul3A_92 : i32
      "tpu.region"() ({
        %run_scoped3A = tpu.sem_alloc : memref<!tpu.dma_semaphore, #tpu.memory_space<semaphore_mem>>
        %dma_start3A_94 = arith.constant 0 : i32
        %dma_start3A_95 = tpu.memref_slice %arg6[%mul3A_93, %dma_start3A_94] : memref<10240x64xf32, #tpu.memory_space<hbm>> -> memref<640x64xf32, #tpu.memory_space<hbm>>
        %dma_start3A_96 = arith.constant 0 : i32
        %dma_start3A_97 = tpu.memref_slice %arg14[%mul3A_91, %dma_start3A_96] : memref<10240x64xf32, #tpu.memory_space<vmem_shared>> -> memref<640x64xf32, #tpu.memory_space<vmem_shared>>
        tpu.enqueue_dma source(%dma_start3A_97 : memref<640x64xf32, #tpu.memory_space<vmem_shared>>) target(%dma_start3A_95 : memref<640x64xf32, #tpu.memory_space<hbm>>) target_semaphore(%run_scoped3A : memref<!tpu.dma_semaphore, #tpu.memory_space<semaphore_mem>>)
        %dma_wait3A_98 = arith.constant 0 : i32
        %dma_wait3A_99 = tpu.memref_slice %arg6[%mul3A_93, %dma_wait3A_98] : memref<10240x64xf32, #tpu.memory_space<hbm>> -> memref<640x64xf32, #tpu.memory_space<hbm>>
        %dma_wait3A_100 = arith.constant 0 : i32
        %dma_wait3A_101 = tpu.memref_slice %arg14[%mul3A_91, %dma_wait3A_100] : memref<10240x64xf32, #tpu.memory_space<vmem_shared>> -> memref<640x64xf32, #tpu.memory_space<vmem_shared>>
        tpu.wait_dma2 semaphore(%run_scoped3A : memref<!tpu.dma_semaphore, #tpu.memory_space<semaphore_mem>>) src(%dma_wait3A_101 : memref<640x64xf32, #tpu.memory_space<vmem_shared>>) dst(%dma_wait3A_99 : memref<640x64xf32, #tpu.memory_space<hbm>>)
        tpu.yield
      }) : () -> ()
    } else {
    }
    %eq3A_85 = arith.constant 1 : i32
    %eq3A_86 = arith.cmpi eq, %arg0, %eq3A_85 : i32
    %convert_element_type3A_87 = arith.extui %eq3A_86 : i1 to i32
    %cond3A_88 = arith.constant 0 : i32
    %cond3A_89 = arith.cmpi ne, %convert_element_type3A_87, %cond3A_88 : i32
    scf.if %cond3A_89 {
      %mul3A_90 = arith.constant 640 : i32
      %mul3A_91 = arith.muli %arg1, %mul3A_90 : i32
      %mul3A_92 = arith.constant 640 : i32
      %mul3A_93 = arith.muli %arg1, %mul3A_92 : i32
      "tpu.region"() ({
        %run_scoped3A = tpu.sem_alloc : memref<!tpu.dma_semaphore, #tpu.memory_space<semaphore_mem>>
        %dma_start3A_94 = arith.constant 0 : i32
        %dma_start3A_95 = tpu.memref_slice %arg7[%mul3A_93, %dma_start3A_94] : memref<10240x64xf32, #tpu.memory_space<hbm>> -> memref<640x64xf32, #tpu.memory_space<hbm>>
        %dma_start3A_96 = arith.constant 0 : i32
        %dma_start3A_97 = tpu.memref_slice %arg14[%mul3A_91, %dma_start3A_96] : memref<10240x64xf32, #tpu.memory_space<vmem_shared>> -> memref<640x64xf32, #tpu.memory_space<vmem_shared>>
        tpu.enqueue_dma source(%dma_start3A_97 : memref<640x64xf32, #tpu.memory_space<vmem_shared>>) target(%dma_start3A_95 : memref<640x64xf32, #tpu.memory_space<hbm>>) target_semaphore(%run_scoped3A : memref<!tpu.dma_semaphore, #tpu.memory_space<semaphore_mem>>)
        %dma_wait3A_98 = arith.constant 0 : i32
        %dma_wait3A_99 = tpu.memref_slice %arg7[%mul3A_93, %dma_wait3A_98] : memref<10240x64xf32, #tpu.memory_space<hbm>> -> memref<640x64xf32, #tpu.memory_space<hbm>>
        %dma_wait3A_100 = arith.constant 0 : i32
        %dma_wait3A_101 = tpu.memref_slice %arg14[%mul3A_91, %dma_wait3A_100] : memref<10240x64xf32, #tpu.memory_space<vmem_shared>> -> memref<640x64xf32, #tpu.memory_space<vmem_shared>>
        tpu.wait_dma2 semaphore(%run_scoped3A : memref<!tpu.dma_semaphore, #tpu.memory_space<semaphore_mem>>) src(%dma_wait3A_101 : memref<640x64xf32, #tpu.memory_space<vmem_shared>>) dst(%dma_wait3A_99 : memref<640x64xf32, #tpu.memory_space<hbm>>)
        tpu.yield
      }) : () -> ()
    } else {
    }
    return
  }
}

#map = affine_map<(d0, d1) -> (0, 0, 0)>
#map1 = affine_map<(d0, d1) -> (0)>
#map2 = affine_map<(d0, d1) -> (0, 0)>
module attributes {stable_mosaic.version = 14 : i64} {
  func.func @_deg_body(%arg0: i32, %arg1: i32, %arg2: memref<32x40x256xi32, #tpu.memory_space<hbm>>, %arg3: memref<256xf32, #tpu.memory_space<hbm>>, %arg4: memref<640xf32, #tpu.memory_space<hbm>>, %arg5: memref<2x10240xf32, #tpu.memory_space<hbm>>, %arg6: memref<20x256xi32, #tpu.memory_space<vmem>>, %arg7: memref<256xf32, #tpu.memory_space<vmem>>, %arg8: memref<10240xf32, #tpu.memory_space<vmem_shared>>) attributes {dimension_semantics = [#tpu.dimension_semantics<core_parallel>, #tpu.dimension_semantics<subcore_parallel>], iteration_bounds = array<i64: 2, 16>, scalar_prefetch = 0 : i64, scratch_operands = 3 : i64, tpu.core_type = #tpu.core_type<sc_vector_subcore>, window_params = [{transform_indices = #map}, {transform_indices = #map1}, {transform_indices = #map1}, {transform_indices = #map2}]} {
    %mul3A = arith.constant 2 : i32
    %mul3A_0 = arith.muli %arg1, %mul3A : i32
    %add3A = arith.addi %mul3A_0, %arg0 : i32
    %mul3A_1 = arith.constant 640 : i32
    %mul3A_2 = arith.muli %arg1, %mul3A_1 : i32
    "tpu.region"() ({
      %run_scoped3A = tpu.sem_alloc : memref<!tpu.dma_semaphore, #tpu.memory_space<semaphore_mem>>
      %dma_start3A = tpu.memref_slice %arg8[%mul3A_2] : memref<10240xf32, #tpu.memory_space<vmem_shared>> -> memref<640xf32, #tpu.memory_space<vmem_shared>>
      tpu.enqueue_dma source(%arg4 : memref<640xf32, #tpu.memory_space<hbm>>) target(%dma_start3A : memref<640xf32, #tpu.memory_space<vmem_shared>>) target_semaphore(%run_scoped3A : memref<!tpu.dma_semaphore, #tpu.memory_space<semaphore_mem>>)
      %dma_wait3A = tpu.memref_slice %arg8[%mul3A_2] : memref<10240xf32, #tpu.memory_space<vmem_shared>> -> memref<640xf32, #tpu.memory_space<vmem_shared>>
      tpu.wait_dma2 semaphore(%run_scoped3A : memref<!tpu.dma_semaphore, #tpu.memory_space<semaphore_mem>>) src(%arg4 : memref<640xf32, #tpu.memory_space<hbm>>) dst(%dma_wait3A : memref<640xf32, #tpu.memory_space<vmem_shared>>)
      tpu.yield
    }) : () -> ()
    "tpu.region"() ({
      %run_scoped3A = tpu.sem_alloc : memref<!tpu.dma_semaphore, #tpu.memory_space<semaphore_mem>>
      tpu.enqueue_dma source(%arg3 : memref<256xf32, #tpu.memory_space<hbm>>) target(%arg7 : memref<256xf32, #tpu.memory_space<vmem>>) target_semaphore(%run_scoped3A : memref<!tpu.dma_semaphore, #tpu.memory_space<semaphore_mem>>)
      tpu.wait_dma2 semaphore(%run_scoped3A : memref<!tpu.dma_semaphore, #tpu.memory_space<semaphore_mem>>) src(%arg3 : memref<256xf32, #tpu.memory_space<hbm>>) dst(%arg7 : memref<256xf32, #tpu.memory_space<vmem>>)
      tpu.yield
    }) : () -> ()
    %barrier3A = arith.constant 0 : index
    tpu.barrier barrier_id(%barrier3A)
    "tpu.region"() ({
      %run_scoped3A = tpu.sem_alloc : memref<!tpu.dma_semaphore, #tpu.memory_space<semaphore_mem>>
      %dma_start3A = arith.constant 0 : i32
      %dma_start3A_19 = arith.constant 0 : i32
      %dma_start3A_20 = tpu.memref_slice %arg2[%add3A, %dma_start3A, %dma_start3A_19] : memref<32x40x256xi32, #tpu.memory_space<hbm>> -> memref<1x20x256xi32, #tpu.memory_space<hbm>>
      %dma_start3A_21 = tpu.memref_squeeze %dma_start3A_20 : memref<1x20x256xi32, #tpu.memory_space<hbm>> -> memref<20x256xi32, #tpu.memory_space<hbm>>
      %dma_start3A_22 = arith.constant 0 : i32
      %dma_start3A_23 = arith.constant 0 : i32
      %dma_start3A_24 = tpu.memref_slice %arg2[%add3A, %dma_start3A_22, %dma_start3A_23] : memref<32x40x256xi32, #tpu.memory_space<hbm>> -> memref<1x20x256xi32, #tpu.memory_space<hbm>>
      %dma_start3A_25 = tpu.memref_squeeze %dma_start3A_24 : memref<1x20x256xi32, #tpu.memory_space<hbm>> -> memref<20x256xi32, #tpu.memory_space<hbm>>
      tpu.enqueue_dma source(%dma_start3A_25 : memref<20x256xi32, #tpu.memory_space<hbm>>) target(%arg6 : memref<20x256xi32, #tpu.memory_space<vmem>>) target_semaphore(%run_scoped3A : memref<!tpu.dma_semaphore, #tpu.memory_space<semaphore_mem>>)
      %dma_wait3A = arith.constant 0 : i32
      %dma_wait3A_26 = arith.constant 0 : i32
      %dma_wait3A_27 = tpu.memref_slice %arg2[%add3A, %dma_wait3A, %dma_wait3A_26] : memref<32x40x256xi32, #tpu.memory_space<hbm>> -> memref<1x20x256xi32, #tpu.memory_space<hbm>>
      %dma_wait3A_28 = tpu.memref_squeeze %dma_wait3A_27 : memref<1x20x256xi32, #tpu.memory_space<hbm>> -> memref<20x256xi32, #tpu.memory_space<hbm>>
      %dma_wait3A_29 = arith.constant 0 : i32
      %dma_wait3A_30 = arith.constant 0 : i32
      %dma_wait3A_31 = tpu.memref_slice %arg2[%add3A, %dma_wait3A_29, %dma_wait3A_30] : memref<32x40x256xi32, #tpu.memory_space<hbm>> -> memref<1x20x256xi32, #tpu.memory_space<hbm>>
      %dma_wait3A_32 = tpu.memref_squeeze %dma_wait3A_31 : memref<1x20x256xi32, #tpu.memory_space<hbm>> -> memref<20x256xi32, #tpu.memory_space<hbm>>
      tpu.wait_dma2 semaphore(%run_scoped3A : memref<!tpu.dma_semaphore, #tpu.memory_space<semaphore_mem>>) src(%dma_wait3A_32 : memref<20x256xi32, #tpu.memory_space<hbm>>) dst(%arg6 : memref<20x256xi32, #tpu.memory_space<vmem>>)
      tpu.yield
    }) : () -> ()
    %scan3A = arith.constant 0 : i32
    %scan3A_3 = arith.constant 0 : i32
    %scan3A_4 = arith.constant 20 : i32
    %scan3A_5 = arith.addi %scan3A_3, %scan3A_4 : i32
    %scan3A_6 = arith.constant 1 : i32
    scf.for %scan3A_19 = %scan3A_3 to %scan3A_5 step %scan3A_6  : i32 {
      "tpu.region"() ({
        %run_scoped3A = tpu.sem_alloc : memref<!tpu.dma_semaphore, #tpu.memory_space<semaphore_mem>>
        %dma_start3A = arith.constant 0 : i32
        %dma_start3A_20 = tpu.memref_slice %arg6[%scan3A_19, %dma_start3A] : memref<20x256xi32, #tpu.memory_space<vmem>> -> memref<1x256xi32, #tpu.memory_space<vmem>>
        %dma_start3A_21 = tpu.memref_squeeze %dma_start3A_20 : memref<1x256xi32, #tpu.memory_space<vmem>> -> memref<256xi32, #tpu.memory_space<vmem>>
        %dma_start3A_22 = arith.constant 0 : i32
        %dma_start3A_23 = tpu.memref_slice %arg8[%dma_start3A_22] : memref<10240xf32, #tpu.memory_space<vmem_shared>> -> memref<10240xf32, #tpu.memory_space<vmem_shared>>
        tpu.enqueue_indirect_dma source(%arg7 : memref<256xf32, #tpu.memory_space<vmem>>) target(%dma_start3A_23 : memref<10240xf32, #tpu.memory_space<vmem_shared>>) offsets(%dma_start3A_21 : memref<256xi32, #tpu.memory_space<vmem>>) semaphore(%run_scoped3A : memref<!tpu.dma_semaphore, #tpu.memory_space<semaphore_mem>>) {add = true}
        %dma_wait3A = arith.constant 0 : i32
        %dma_wait3A_24 = tpu.memref_slice %arg6[%scan3A_19, %dma_wait3A] : memref<20x256xi32, #tpu.memory_space<vmem>> -> memref<1x256xi32, #tpu.memory_space<vmem>>
        %dma_wait3A_25 = tpu.memref_squeeze %dma_wait3A_24 : memref<1x256xi32, #tpu.memory_space<vmem>> -> memref<256xi32, #tpu.memory_space<vmem>>
        %dma_wait3A_26 = arith.constant 0 : i32
        %dma_wait3A_27 = tpu.memref_slice %arg8[%dma_wait3A_26] : memref<10240xf32, #tpu.memory_space<vmem_shared>> -> memref<10240xf32, #tpu.memory_space<vmem_shared>>
        tpu.wait_indirect_dma semaphore(%run_scoped3A : memref<!tpu.dma_semaphore, #tpu.memory_space<semaphore_mem>>) src(%arg7 : memref<256xf32, #tpu.memory_space<vmem>>) dst(%dma_wait3A_27 : memref<10240xf32, #tpu.memory_space<vmem_shared>>)
        tpu.yield
      }) : () -> ()
    }
    %scan3A_7 = arith.constant 20 : i32
    "tpu.region"() ({
      %run_scoped3A = tpu.sem_alloc : memref<!tpu.dma_semaphore, #tpu.memory_space<semaphore_mem>>
      %dma_start3A = arith.constant 20 : i32
      %dma_start3A_19 = arith.constant 0 : i32
      %dma_start3A_20 = tpu.memref_slice %arg2[%add3A, %dma_start3A, %dma_start3A_19] : memref<32x40x256xi32, #tpu.memory_space<hbm>> -> memref<1x20x256xi32, #tpu.memory_space<hbm>>
      %dma_start3A_21 = tpu.memref_squeeze %dma_start3A_20 : memref<1x20x256xi32, #tpu.memory_space<hbm>> -> memref<20x256xi32, #tpu.memory_space<hbm>>
      %dma_start3A_22 = arith.constant 20 : i32
      %dma_start3A_23 = arith.constant 0 : i32
      %dma_start3A_24 = tpu.memref_slice %arg2[%add3A, %dma_start3A_22, %dma_start3A_23] : memref<32x40x256xi32, #tpu.memory_space<hbm>> -> memref<1x20x256xi32, #tpu.memory_space<hbm>>
      %dma_start3A_25 = tpu.memref_squeeze %dma_start3A_24 : memref<1x20x256xi32, #tpu.memory_space<hbm>> -> memref<20x256xi32, #tpu.memory_space<hbm>>
      tpu.enqueue_dma source(%dma_start3A_25 : memref<20x256xi32, #tpu.memory_space<hbm>>) target(%arg6 : memref<20x256xi32, #tpu.memory_space<vmem>>) target_semaphore(%run_scoped3A : memref<!tpu.dma_semaphore, #tpu.memory_space<semaphore_mem>>)
      %dma_wait3A = arith.constant 20 : i32
      %dma_wait3A_26 = arith.constant 0 : i32
      %dma_wait3A_27 = tpu.memref_slice %arg2[%add3A, %dma_wait3A, %dma_wait3A_26] : memref<32x40x256xi32, #tpu.memory_space<hbm>> -> memref<1x20x256xi32, #tpu.memory_space<hbm>>
      %dma_wait3A_28 = tpu.memref_squeeze %dma_wait3A_27 : memref<1x20x256xi32, #tpu.memory_space<hbm>> -> memref<20x256xi32, #tpu.memory_space<hbm>>
      %dma_wait3A_29 = arith.constant 20 : i32
      %dma_wait3A_30 = arith.constant 0 : i32
      %dma_wait3A_31 = tpu.memref_slice %arg2[%add3A, %dma_wait3A_29, %dma_wait3A_30] : memref<32x40x256xi32, #tpu.memory_space<hbm>> -> memref<1x20x256xi32, #tpu.memory_space<hbm>>
      %dma_wait3A_32 = tpu.memref_squeeze %dma_wait3A_31 : memref<1x20x256xi32, #tpu.memory_space<hbm>> -> memref<20x256xi32, #tpu.memory_space<hbm>>
      tpu.wait_dma2 semaphore(%run_scoped3A : memref<!tpu.dma_semaphore, #tpu.memory_space<semaphore_mem>>) src(%dma_wait3A_32 : memref<20x256xi32, #tpu.memory_space<hbm>>) dst(%arg6 : memref<20x256xi32, #tpu.memory_space<vmem>>)
      tpu.yield
    }) : () -> ()
    %scan3A_8 = arith.constant 0 : i32
    %scan3A_9 = arith.constant 0 : i32
    %scan3A_10 = arith.constant 20 : i32
    %scan3A_11 = arith.addi %scan3A_9, %scan3A_10 : i32
    %scan3A_12 = arith.constant 1 : i32
    scf.for %scan3A_19 = %scan3A_9 to %scan3A_11 step %scan3A_12  : i32 {
      "tpu.region"() ({
        %run_scoped3A = tpu.sem_alloc : memref<!tpu.dma_semaphore, #tpu.memory_space<semaphore_mem>>
        %dma_start3A = arith.constant 0 : i32
        %dma_start3A_20 = tpu.memref_slice %arg6[%scan3A_19, %dma_start3A] : memref<20x256xi32, #tpu.memory_space<vmem>> -> memref<1x256xi32, #tpu.memory_space<vmem>>
        %dma_start3A_21 = tpu.memref_squeeze %dma_start3A_20 : memref<1x256xi32, #tpu.memory_space<vmem>> -> memref<256xi32, #tpu.memory_space<vmem>>
        %dma_start3A_22 = arith.constant 0 : i32
        %dma_start3A_23 = tpu.memref_slice %arg8[%dma_start3A_22] : memref<10240xf32, #tpu.memory_space<vmem_shared>> -> memref<10240xf32, #tpu.memory_space<vmem_shared>>
        tpu.enqueue_indirect_dma source(%arg7 : memref<256xf32, #tpu.memory_space<vmem>>) target(%dma_start3A_23 : memref<10240xf32, #tpu.memory_space<vmem_shared>>) offsets(%dma_start3A_21 : memref<256xi32, #tpu.memory_space<vmem>>) semaphore(%run_scoped3A : memref<!tpu.dma_semaphore, #tpu.memory_space<semaphore_mem>>) {add = true}
        %dma_wait3A = arith.constant 0 : i32
        %dma_wait3A_24 = tpu.memref_slice %arg6[%scan3A_19, %dma_wait3A] : memref<20x256xi32, #tpu.memory_space<vmem>> -> memref<1x256xi32, #tpu.memory_space<vmem>>
        %dma_wait3A_25 = tpu.memref_squeeze %dma_wait3A_24 : memref<1x256xi32, #tpu.memory_space<vmem>> -> memref<256xi32, #tpu.memory_space<vmem>>
        %dma_wait3A_26 = arith.constant 0 : i32
        %dma_wait3A_27 = tpu.memref_slice %arg8[%dma_wait3A_26] : memref<10240xf32, #tpu.memory_space<vmem_shared>> -> memref<10240xf32, #tpu.memory_space<vmem_shared>>
        tpu.wait_indirect_dma semaphore(%run_scoped3A : memref<!tpu.dma_semaphore, #tpu.memory_space<semaphore_mem>>) src(%arg7 : memref<256xf32, #tpu.memory_space<vmem>>) dst(%dma_wait3A_27 : memref<10240xf32, #tpu.memory_space<vmem_shared>>)
        tpu.yield
      }) : () -> ()
    }
    %scan3A_13 = arith.constant 20 : i32
    %barrier3A_14 = arith.constant 0 : index
    tpu.barrier barrier_id(%barrier3A_14)
    %mul3A_15 = arith.constant 640 : i32
    %mul3A_16 = arith.muli %arg1, %mul3A_15 : i32
    %mul3A_17 = arith.constant 640 : i32
    %mul3A_18 = arith.muli %arg1, %mul3A_17 : i32
    "tpu.region"() ({
      %run_scoped3A = tpu.sem_alloc : memref<!tpu.dma_semaphore, #tpu.memory_space<semaphore_mem>>
      %dma_start3A = tpu.memref_slice %arg5[%arg0, %mul3A_18] : memref<2x10240xf32, #tpu.memory_space<hbm>> -> memref<1x640xf32, #tpu.memory_space<hbm>>
      %dma_start3A_19 = tpu.memref_squeeze %dma_start3A : memref<1x640xf32, #tpu.memory_space<hbm>> -> memref<640xf32, #tpu.memory_space<hbm>>
      %dma_start3A_20 = tpu.memref_slice %arg8[%mul3A_16] : memref<10240xf32, #tpu.memory_space<vmem_shared>> -> memref<640xf32, #tpu.memory_space<vmem_shared>>
      tpu.enqueue_dma source(%dma_start3A_20 : memref<640xf32, #tpu.memory_space<vmem_shared>>) target(%dma_start3A_19 : memref<640xf32, #tpu.memory_space<hbm>>) target_semaphore(%run_scoped3A : memref<!tpu.dma_semaphore, #tpu.memory_space<semaphore_mem>>)
      %dma_wait3A = tpu.memref_slice %arg5[%arg0, %mul3A_18] : memref<2x10240xf32, #tpu.memory_space<hbm>> -> memref<1x640xf32, #tpu.memory_space<hbm>>
      %dma_wait3A_21 = tpu.memref_squeeze %dma_wait3A : memref<1x640xf32, #tpu.memory_space<hbm>> -> memref<640xf32, #tpu.memory_space<hbm>>
      %dma_wait3A_22 = tpu.memref_slice %arg8[%mul3A_16] : memref<10240xf32, #tpu.memory_space<vmem_shared>> -> memref<640xf32, #tpu.memory_space<vmem_shared>>
      tpu.wait_dma2 semaphore(%run_scoped3A : memref<!tpu.dma_semaphore, #tpu.memory_space<semaphore_mem>>) src(%dma_wait3A_22 : memref<640xf32, #tpu.memory_space<vmem_shared>>) dst(%dma_wait3A_21 : memref<640xf32, #tpu.memory_space<hbm>>)
      tpu.yield
    }) : () -> ()
    return
  }
}

module attributes {stable_mosaic.version = 14 : i64} {
  func.func @_tc1a_body(%arg0: memref<10240x128xf32, #tpu.memory_space<vmem>>, %arg1: memref<128x192xf32, #tpu.memory_space<vmem>>, %arg2: memref<10240x192xf32, #tpu.memory_space<vmem>>) attributes {dimension_semantics = [], scalar_prefetch = 0 : i64, scratch_operands = 0 : i64, tpu.core_type = #tpu.core_type<tc>} {
    %get3A = arith.constant 0 : index
    %get3A_0 = arith.constant 0 : index
    %get3A_1 = vector.load %arg0[%get3A, %get3A_0] : memref<10240x128xf32, #tpu.memory_space<vmem>>, vector<10240x128xf32>
    %get3A_2 = arith.constant 0 : index
    %get3A_3 = arith.constant 0 : index
    %get3A_4 = vector.load %arg1[%get3A_2, %get3A_3] : memref<128x192xf32, #tpu.memory_space<vmem>>, vector<128x192xf32>
    %dot_general3A = arith.constant dense<0.000000e+00> : vector<10240x192xf32>
    %dot_general3A_5 = tpu.matmul %get3A_1, %get3A_4, %dot_general3A {dimension_numbers = #tpu.dot_dimension_numbers<[1], [0], [0], [1], [0, 0, 1, 1], [], []>, transpose_lhs_hint = false} : vector<10240x128xf32>, vector<128x192xf32>, vector<10240x192xf32> -> vector<10240x192xf32>
    %swap3A = arith.constant 0 : index
    %swap3A_6 = arith.constant 0 : index
    %swap3A_7 = vector.load %arg2[%swap3A, %swap3A_6] : memref<10240x192xf32, #tpu.memory_space<vmem>>, vector<10240x192xf32>
    tpu.vector_store %arg2[%swap3A, %swap3A_6], %dot_general3A_5 {strides = array<i32>} : memref<10240x192xf32, #tpu.memory_space<vmem>>, vector<10240x192xf32>,
    return
  }
}

module attributes {stable_mosaic.version = 14 : i64} {
  func.func @_tc1b_body(%arg0: memref<10240x192xf32, #tpu.memory_space<vmem>>, %arg1: memref<2x10240x1xf32, #tpu.memory_space<vmem>>, %arg2: memref<2x10240x64xf32, #tpu.memory_space<vmem>>, %arg3: memref<10240x1xf32, #tpu.memory_space<vmem>>) attributes {dimension_semantics = [], scalar_prefetch = 0 : i64, scratch_operands = 0 : i64, tpu.core_type = #tpu.core_type<tc>} {
    %get3A = arith.constant 0 : index
    %get3A_0 = arith.constant 0 : index
    %get3A_1 = arith.constant 0 : index
    %get3A_2 = vector.load %arg1[%get3A, %get3A_0, %get3A_1] : memref<2x10240x1xf32, #tpu.memory_space<vmem>>, vector<1x10240x1xf32>
    %get3A_3 = vector.shape_cast %get3A_2 : vector<1x10240x1xf32> to vector<10240x1xf32>
    %get3A_4 = arith.constant 1 : index
    %get3A_5 = arith.constant 0 : index
    %get3A_6 = arith.constant 0 : index
    %get3A_7 = vector.load %arg1[%get3A_4, %get3A_5, %get3A_6] : memref<2x10240x1xf32, #tpu.memory_space<vmem>>, vector<1x10240x1xf32>
    %get3A_8 = vector.shape_cast %get3A_7 : vector<1x10240x1xf32> to vector<10240x1xf32>
    %add3A = arith.addf %get3A_3, %get3A_8 : vector<10240x1xf32>
    %add3A_9 = arith.constant 1.000000e+00 : f32
    %add3A_10 = vector.broadcast %add3A_9 : f32 to vector<10240x1xf32>
    %add3A_11 = arith.addf %add3A, %add3A_10 : vector<10240x1xf32>
    %rsqrt3A = math.rsqrt %add3A_11 : vector<10240x1xf32>
    %get3A_12 = arith.constant 0 : index
    %get3A_13 = arith.constant 64 : index
    %get3A_14 = vector.load %arg0[%get3A_12, %get3A_13] : memref<10240x192xf32, #tpu.memory_space<vmem>>, vector<10240x64xf32>
    %mul3A = vector.broadcast %rsqrt3A : vector<10240x1xf32> to vector<10240x64xf32>
    %mul3A_15 = arith.mulf %get3A_14, %mul3A : vector<10240x64xf32>
    %swap3A = arith.constant 0 : index
    %swap3A_16 = arith.constant 0 : index
    %swap3A_17 = arith.constant 0 : index
    %swap3A_18 = vector.load %arg2[%swap3A, %swap3A_16, %swap3A_17] : memref<2x10240x64xf32, #tpu.memory_space<vmem>>, vector<1x10240x64xf32>
    %swap3A_19 = vector.shape_cast %swap3A_18 : vector<1x10240x64xf32> to vector<10240x64xf32>
    %swap3A_20 = vector.shape_cast %mul3A_15 : vector<10240x64xf32> to vector<1x10240x64xf32>
    tpu.vector_store %arg2[%swap3A, %swap3A_16, %swap3A_17], %swap3A_20 {strides = array<i32>} : memref<2x10240x64xf32, #tpu.memory_space<vmem>>, vector<1x10240x64xf32>,
    %get3A_21 = arith.constant 0 : index
    %get3A_22 = arith.constant 128 : index
    %get3A_23 = vector.load %arg0[%get3A_21, %get3A_22] : memref<10240x192xf32, #tpu.memory_space<vmem>>, vector<10240x64xf32>
    %mul3A_24 = vector.broadcast %rsqrt3A : vector<10240x1xf32> to vector<10240x64xf32>
    %mul3A_25 = arith.mulf %get3A_23, %mul3A_24 : vector<10240x64xf32>
    %swap3A_26 = arith.constant 1 : index
    %swap3A_27 = arith.constant 0 : index
    %swap3A_28 = arith.constant 0 : index
    %swap3A_29 = vector.load %arg2[%swap3A_26, %swap3A_27, %swap3A_28] : memref<2x10240x64xf32, #tpu.memory_space<vmem>>, vector<1x10240x64xf32>
    %swap3A_30 = vector.shape_cast %swap3A_29 : vector<1x10240x64xf32> to vector<10240x64xf32>
    %swap3A_31 = vector.shape_cast %mul3A_25 : vector<10240x64xf32> to vector<1x10240x64xf32>
    tpu.vector_store %arg2[%swap3A_26, %swap3A_27, %swap3A_28], %swap3A_31 {strides = array<i32>} : memref<2x10240x64xf32, #tpu.memory_space<vmem>>, vector<1x10240x64xf32>,
    %swap3A_32 = arith.constant 0 : index
    %swap3A_33 = arith.constant 0 : index
    %swap3A_34 = vector.load %arg3[%swap3A_32, %swap3A_33] : memref<10240x1xf32, #tpu.memory_space<vmem>>, vector<10240x1xf32>
    tpu.vector_store %arg3[%swap3A_32, %swap3A_33], %rsqrt3A {strides = array<i32>} : memref<10240x1xf32, #tpu.memory_space<vmem>>, vector<10240x1xf32>,
    return
  }
}

module attributes {stable_mosaic.version = 14 : i64} {
  func.func @_tc2_body(%arg0: memref<10240x64xf32, #tpu.memory_space<vmem>>, %arg1: memref<2x10240x64xf32, #tpu.memory_space<vmem>>, %arg2: memref<10240x1xf32, #tpu.memory_space<vmem>>, %arg3: memref<2x10240x32xf32, #tpu.memory_space<vmem>>) attributes {dimension_semantics = [], scalar_prefetch = 0 : i64, scratch_operands = 0 : i64, tpu.core_type = #tpu.core_type<tc>} {
    %get3A = arith.constant 0 : index
    %get3A_0 = arith.constant 0 : index
    %get3A_1 = vector.load %arg2[%get3A, %get3A_0] : memref<10240x1xf32, #tpu.memory_space<vmem>>, vector<10240x1xf32>
    %get3A_2 = arith.constant 0 : index
    %get3A_3 = arith.constant 0 : index
    %get3A_4 = vector.load %arg0[%get3A_2, %get3A_3] : memref<10240x64xf32, #tpu.memory_space<vmem>>, vector<10240x64xf32>
    %get3A_5 = arith.constant 1 : index
    %get3A_6 = arith.constant 0 : index
    %get3A_7 = arith.constant 0 : index
    %get3A_8 = vector.load %arg1[%get3A_5, %get3A_6, %get3A_7] : memref<2x10240x64xf32, #tpu.memory_space<vmem>>, vector<1x10240x64xf32>
    %get3A_9 = vector.shape_cast %get3A_8 : vector<1x10240x64xf32> to vector<10240x64xf32>
    %add3A = arith.addf %get3A_4, %get3A_9 : vector<10240x64xf32>
    %mul3A = arith.mulf %get3A_1, %get3A_1 : vector<10240x1xf32>
    %mul3A_10 = vector.broadcast %mul3A : vector<10240x1xf32> to vector<10240x64xf32>
    %mul3A_11 = arith.mulf %add3A, %mul3A_10 : vector<10240x64xf32>
    %slice3A = vector.extract_strided_slice %mul3A_11 {offsets = [0, 0], sizes = [10240, 32], strides = [1, 1]} : vector<10240x64xf32> to vector<10240x32xf32>
    %swap3A = arith.constant 0 : index
    %swap3A_12 = arith.constant 0 : index
    %swap3A_13 = arith.constant 0 : index
    %swap3A_14 = vector.load %arg3[%swap3A, %swap3A_12, %swap3A_13] : memref<2x10240x32xf32, #tpu.memory_space<vmem>>, vector<1x10240x32xf32>
    %swap3A_15 = vector.shape_cast %swap3A_14 : vector<1x10240x32xf32> to vector<10240x32xf32>
    %swap3A_16 = vector.shape_cast %slice3A : vector<10240x32xf32> to vector<1x10240x32xf32>
    tpu.vector_store %arg3[%swap3A, %swap3A_12, %swap3A_13], %swap3A_16 {strides = array<i32>} : memref<2x10240x32xf32, #tpu.memory_space<vmem>>, vector<1x10240x32xf32>,
    %slice3A_17 = vector.extract_strided_slice %mul3A_11 {offsets = [0, 32], sizes = [10240, 32], strides = [1, 1]} : vector<10240x64xf32> to vector<10240x32xf32>
    %swap3A_18 = arith.constant 1 : index
    %swap3A_19 = arith.constant 0 : index
    %swap3A_20 = arith.constant 0 : index
    %swap3A_21 = vector.load %arg3[%swap3A_18, %swap3A_19, %swap3A_20] : memref<2x10240x32xf32, #tpu.memory_space<vmem>>, vector<1x10240x32xf32>
    %swap3A_22 = vector.shape_cast %swap3A_21 : vector<1x10240x32xf32> to vector<10240x32xf32>
    %swap3A_23 = vector.shape_cast %slice3A_17 : vector<10240x32xf32> to vector<1x10240x32xf32>
    tpu.vector_store %arg3[%swap3A_18, %swap3A_19, %swap3A_20], %swap3A_23 {strides = array<i32>} : memref<2x10240x32xf32, #tpu.memory_space<vmem>>, vector<1x10240x32xf32>,
    return
  }
}

module attributes {stable_mosaic.version = 14 : i64} {
  func.func @_tc3_body(%arg0: i32, %arg1: memref<1280x192xf32, #tpu.memory_space<vmem>>, %arg2: memref<1280x64xf32, #tpu.memory_space<vmem>>, %arg3: memref<1280x32xf32, #tpu.memory_space<vmem>>, %arg4: memref<1280x32xf32, #tpu.memory_space<vmem>>, %arg5: memref<2x1280x32xf32, #tpu.memory_space<vmem>>, %arg6: memref<2x1280x64xf32, #tpu.memory_space<vmem>>, %arg7: memref<1280x1xf32, #tpu.memory_space<vmem>>, %arg8: memref<1x64xf32, #tpu.memory_space<vmem>>, %arg9: memref<1x64xf32, #tpu.memory_space<vmem>>, %arg10: memref<1x64xf32, #tpu.memory_space<vmem>>, %arg11: memref<192x40xf32, #tpu.memory_space<vmem>>, %arg12: memref<1x40xf32, #tpu.memory_space<vmem>>, %arg13: memref<1280x40xf32, #tpu.memory_space<vmem>>) attributes {dimension_semantics = [#tpu.dimension_semantics<arbitrary>], iteration_bounds = array<i64: 8>, scalar_prefetch = 0 : i64, scratch_operands = 0 : i64, tpu.core_type = #tpu.core_type<tc>, window_params = [{transform_indices = @transform_0, window_bounds = array<i64: 1280, 192>}, {transform_indices = @transform_1, window_bounds = array<i64: 1280, 64>}, {transform_indices = @transform_2, window_bounds = array<i64: 1280, 32>}, {transform_indices = @transform_3, window_bounds = array<i64: 1280, 32>}, {transform_indices = @transform_4, window_bounds = array<i64: 2, 1280, 32>}, {transform_indices = @transform_5, window_bounds = array<i64: 2, 1280, 64>}, {transform_indices = @transform_6, window_bounds = array<i64: 1280, 1>}, {pipeline_mode = #tpu.pipeline_mode<synchronous>, transform_indices = @transform_7, window_bounds = array<i64: 1, 64>}, {pipeline_mode = #tpu.pipeline_mode<synchronous>, transform_indices = @transform_8, window_bounds = array<i64: 1, 64>}, {pipeline_mode = #tpu.pipeline_mode<synchronous>, transform_indices = @transform_9, window_bounds = array<i64: 1, 64>}, {pipeline_mode = #tpu.pipeline_mode<synchronous>, transform_indices = @transform_10, window_bounds = array<i64: 192, 40>}, {pipeline_mode = #tpu.pipeline_mode<synchronous>, transform_indices = @transform_11, window_bounds = array<i64: 1, 40>}, {transform_indices = @transform_12, window_bounds = array<i64: 1280, 40>}]} {
    %get3A = arith.constant 0 : index
    %get3A_0 = arith.constant 0 : index
    %get3A_1 = vector.load %arg7[%get3A, %get3A_0] : memref<1280x1xf32, #tpu.memory_space<vmem>>, vector<1280x1xf32>
    %get3A_2 = arith.constant 0 : index
    %get3A_3 = arith.constant 0 : index
    %get3A_4 = vector.load %arg1[%get3A_2, %get3A_3] : memref<1280x192xf32, #tpu.memory_space<vmem>>, vector<1280x64xf32>
    %get3A_5 = arith.constant 0 : index
    %get3A_6 = arith.constant 0 : index
    %get3A_7 = vector.load %arg8[%get3A_5, %get3A_6] : memref<1x64xf32, #tpu.memory_space<vmem>>, vector<1x64xf32>
    %add3A = vector.broadcast %get3A_7 : vector<1x64xf32> to vector<1280x64xf32>
    %add3A_8 = arith.addf %get3A_4, %add3A : vector<1280x64xf32>
    %get3A_9 = arith.constant 0 : index
    %get3A_10 = arith.constant 0 : index
    %get3A_11 = vector.load %arg2[%get3A_9, %get3A_10] : memref<1280x64xf32, #tpu.memory_space<vmem>>, vector<1280x64xf32>
    %get3A_12 = arith.constant 0 : index
    %get3A_13 = arith.constant 0 : index
    %get3A_14 = arith.constant 0 : index
    %get3A_15 = vector.load %arg6[%get3A_12, %get3A_13, %get3A_14] : memref<2x1280x64xf32, #tpu.memory_space<vmem>>, vector<1x1280x64xf32>
    %get3A_16 = vector.shape_cast %get3A_15 : vector<1x1280x64xf32> to vector<1280x64xf32>
    %add3A_17 = arith.addf %get3A_11, %get3A_16 : vector<1280x64xf32>
    %mul3A = vector.broadcast %get3A_1 : vector<1280x1xf32> to vector<1280x64xf32>
    %mul3A_18 = arith.mulf %add3A_17, %mul3A : vector<1280x64xf32>
    %get3A_19 = arith.constant 0 : index
    %get3A_20 = arith.constant 0 : index
    %get3A_21 = vector.load %arg9[%get3A_19, %get3A_20] : memref<1x64xf32, #tpu.memory_space<vmem>>, vector<1x64xf32>
    %add3A_22 = vector.broadcast %get3A_21 : vector<1x64xf32> to vector<1280x64xf32>
    %add3A_23 = arith.addf %mul3A_18, %add3A_22 : vector<1280x64xf32>
    %get3A_24 = arith.constant 0 : index
    %get3A_25 = arith.constant 0 : index
    %get3A_26 = vector.load %arg3[%get3A_24, %get3A_25] : memref<1280x32xf32, #tpu.memory_space<vmem>>, vector<1280x32xf32>
    %get3A_27 = arith.constant 0 : index
    %get3A_28 = arith.constant 0 : index
    %get3A_29 = vector.load %arg4[%get3A_27, %get3A_28] : memref<1280x32xf32, #tpu.memory_space<vmem>>, vector<1280x32xf32>
    %concatenate3A = tpu.concatenate %get3A_26, %get3A_29 in 1 : vector<1280x32xf32>, vector<1280x32xf32> -> vector<1280x64xf32>
    %get3A_30 = arith.constant 0 : index
    %get3A_31 = arith.constant 0 : index
    %get3A_32 = arith.constant 0 : index
    %get3A_33 = vector.load %arg5[%get3A_30, %get3A_31, %get3A_32] : memref<2x1280x32xf32, #tpu.memory_space<vmem>>, vector<1x1280x32xf32>
    %get3A_34 = vector.shape_cast %get3A_33 : vector<1x1280x32xf32> to vector<1280x32xf32>
    %get3A_35 = arith.constant 1 : index
    %get3A_36 = arith.constant 0 : index
    %get3A_37 = arith.constant 0 : index
    %get3A_38 = vector.load %arg5[%get3A_35, %get3A_36, %get3A_37] : memref<2x1280x32xf32, #tpu.memory_space<vmem>>, vector<1x1280x32xf32>
    %get3A_39 = vector.shape_cast %get3A_38 : vector<1x1280x32xf32> to vector<1280x32xf32>
    %concatenate3A_40 = tpu.concatenate %get3A_34, %get3A_39 in 1 : vector<1280x32xf32>, vector<1280x32xf32> -> vector<1280x64xf32>
    %add3A_41 = arith.addf %concatenate3A, %concatenate3A_40 : vector<1280x64xf32>
    %mul3A_42 = vector.broadcast %get3A_1 : vector<1280x1xf32> to vector<1280x64xf32>
    %mul3A_43 = arith.mulf %add3A_41, %mul3A_42 : vector<1280x64xf32>
    %get3A_44 = arith.constant 0 : index
    %get3A_45 = arith.constant 0 : index
    %get3A_46 = vector.load %arg10[%get3A_44, %get3A_45] : memref<1x64xf32, #tpu.memory_space<vmem>>, vector<1x64xf32>
    %add3A_47 = vector.broadcast %get3A_46 : vector<1x64xf32> to vector<1280x64xf32>
    %add3A_48 = arith.addf %mul3A_43, %add3A_47 : vector<1280x64xf32>
    %concatenate3A_49 = tpu.concatenate %add3A_8, %add3A_23, %add3A_48 in 1 : vector<1280x64xf32>, vector<1280x64xf32>, vector<1280x64xf32> -> vector<1280x192xf32>
    %max3A = arith.constant 0.000000e+00 : f32
    %max3A_50 = vector.broadcast %max3A : f32 to vector<1280x192xf32>
    %max3A_51 = arith.maximumf %concatenate3A_49, %max3A_50 : vector<1280x192xf32>
    %get3A_52 = arith.constant 0 : index
    %get3A_53 = arith.constant 0 : index
    %get3A_54 = vector.load %arg11[%get3A_52, %get3A_53] : memref<192x40xf32, #tpu.memory_space<vmem>>, vector<192x40xf32>
    %dot_general3A = arith.constant dense<0.000000e+00> : vector<1280x40xf32>
    %dot_general3A_55 = tpu.matmul %max3A_51, %get3A_54, %dot_general3A {dimension_numbers = #tpu.dot_dimension_numbers<[1], [0], [0], [1], [0, 0, 1, 1], [], []>, transpose_lhs_hint = false} : vector<1280x192xf32>, vector<192x40xf32>, vector<1280x40xf32> -> vector<1280x40xf32>
    %get3A_56 = arith.constant 0 : index
    %get3A_57 = arith.constant 0 : index
    %get3A_58 = vector.load %arg12[%get3A_56, %get3A_57] : memref<1x40xf32, #tpu.memory_space<vmem>>, vector<1x40xf32>
    %add3A_59 = vector.broadcast %get3A_58 : vector<1x40xf32> to vector<1280x40xf32>
    %add3A_60 = arith.addf %dot_general3A_55, %add3A_59 : vector<1280x40xf32>
    %swap3A = arith.constant 0 : index
    %swap3A_61 = arith.constant 0 : index
    %swap3A_62 = vector.load %arg13[%swap3A, %swap3A_61] : memref<1280x40xf32, #tpu.memory_space<vmem>>, vector<1280x40xf32>
    tpu.vector_store %arg13[%swap3A, %swap3A_61], %add3A_60 {strides = array<i32>} : memref<1280x40xf32, #tpu.memory_space<vmem>>, vector<1280x40xf32>,
    return
  }
  func.func @transform_0(%arg0: i32) -> (i32, i32) {
    %c0_i32 = arith.constant 0 : i32
    %c0_i32_0 = arith.constant 0 : i32
    return %arg0, %c0_i32 : i32, i32
  }
  func.func @transform_1(%arg0: i32) -> (i32, i32) {
    %c0_i32 = arith.constant 0 : i32
    %c0_i32_0 = arith.constant 0 : i32
    return %arg0, %c0_i32 : i32, i32
  }
  func.func @transform_2(%arg0: i32) -> (i32, i32) {
    %c0_i32 = arith.constant 0 : i32
    %c0_i32_0 = arith.constant 0 : i32
    return %arg0, %c0_i32 : i32, i32
  }
  func.func @transform_3(%arg0: i32) -> (i32, i32) {
    %c0_i32 = arith.constant 0 : i32
    %c0_i32_0 = arith.constant 0 : i32
    return %arg0, %c0_i32 : i32, i32
  }
  func.func @transform_4(%arg0: i32) -> (i32, i32, i32) {
    %c0_i32 = arith.constant 0 : i32
    %c0_i32_0 = arith.constant 0 : i32
    %c0_i32_1 = arith.constant 0 : i32
    return %c0_i32, %arg0, %c0_i32_0 : i32, i32, i32
  }
  func.func @transform_5(%arg0: i32) -> (i32, i32, i32) {
    %c0_i32 = arith.constant 0 : i32
    %c0_i32_0 = arith.constant 0 : i32
    %c0_i32_1 = arith.constant 0 : i32
    return %c0_i32, %arg0, %c0_i32_0 : i32, i32, i32
  }
  func.func @transform_6(%arg0: i32) -> (i32, i32) {
    %c0_i32 = arith.constant 0 : i32
    %c0_i32_0 = arith.constant 0 : i32
    return %arg0, %c0_i32 : i32, i32
  }
  func.func @transform_7(%arg0: i32) -> (i32, i32) {
    %c0_i32 = arith.constant 0 : i32
    %c0_i32_0 = arith.constant 0 : i32
    %c0_i32_1 = arith.constant 0 : i32
    return %c0_i32, %c0_i32_0 : i32, i32
  }
  func.func @transform_8(%arg0: i32) -> (i32, i32) {
    %c0_i32 = arith.constant 0 : i32
    %c0_i32_0 = arith.constant 0 : i32
    %c0_i32_1 = arith.constant 0 : i32
    return %c0_i32, %c0_i32_0 : i32, i32
  }
  func.func @transform_9(%arg0: i32) -> (i32, i32) {
    %c0_i32 = arith.constant 0 : i32
    %c0_i32_0 = arith.constant 0 : i32
    %c0_i32_1 = arith.constant 0 : i32
    return %c0_i32, %c0_i32_0 : i32, i32
  }
  func.func @transform_10(%arg0: i32) -> (i32, i32) {
    %c0_i32 = arith.constant 0 : i32
    %c0_i32_0 = arith.constant 0 : i32
    %c0_i32_1 = arith.constant 0 : i32
    return %c0_i32, %c0_i32_0 : i32, i32
  }
  func.func @transform_11(%arg0: i32) -> (i32, i32) {
    %c0_i32 = arith.constant 0 : i32
    %c0_i32_0 = arith.constant 0 : i32
    %c0_i32_1 = arith.constant 0 : i32
    return %c0_i32, %c0_i32_0 : i32, i32
  }
  func.func @transform_12(%arg0: i32) -> (i32, i32) {
    %c0_i32 = arith.constant 0 : i32
    %c0_i32_0 = arith.constant 0 : i32
    return %arg0, %c0_i32 : i32, i32
  }
}

</mosaic_0001>

<sc_bundles>
// kernel: kernel.12.cloned.1.call-start
scs
__scs_entry_jumppad:
0x0: {  	(pc) =	sbr.rel $0x88, $3  }
0x1: {  	(tag) =	ssettag $0x0;
	lr =	simm.s32 $0x1  }
0x2: {  	[smem:$0x3F97] =	sst lr;
	_ =	strace $0xD0000000  }
0x3: {  	_ = 	snop  }
0x4: {  	_ = 	snop  }
0x5: {  	_ = 	snop  }
0x6: {  	_ = 	snop  }
0x7: {  	_ = 	snop  }
__scs_overlays_trampoline_lowered:
0x8: {  	[smem:$0x3FA6] =	sst s0  }
0x9: {  	[smem:$0x3FA7] =	sst s1  }
0xa: {  	[smem:$0x3FA8] =	sst s2  }
0xb: {  	[smem:$0x3FA9] =	sst s3  }
0xc: {  	[smem:$0x3FAA] =	sst s4  }
0xd: {  	[smem:$0x3FAB] =	sst s5  }
0xe: {  	[smem:$0x3FAC] =	sst s6  }
0xf: {  	[smem:$0x3FAD] =	sst s7  }
0x10: {  	[smem:$0x3FAE] =	sst s8  }
0x11: {  	[smem:$0x3FAF] =	sst s9;
	s0 =	simm.s32 @!p0 $0x0  }
0x12: {  	s1 =	sld [smem:$0x3F95];
	s0 =	simm.s32 @p0 $0x1  }
0x13: {  	[smem:$0x3FB0] =	sst s0;
	s0 =	simm.s32 @!p1 $0x0  }
0x14: {  	s2 =	sld [smem:$0x3F94];
	s0 =	simm.s32 @p1 $0x1  }
0x15: {  	[smem:$0x3FB1] =	sst s0;
	s0 =	simm.s32 @!p2 $0x0  }
0x16: {  	s3 =	sld [smem:$0x3FDB];
	s0 =	simm.s32 @p2 $0x1  }
0x17: {  	s4 =	simm.s32 $0x1BF5;
	[smem:$0x3FB3] =	sst s0  }
0x18: {  	s0 =	sld [smem:$0x3F96];
	_ =	swait.ge [sflag:s4], $0x0  }
0x19: {  	s7 =	sld [smem:$0x3F97]  }
0x1a: {  	s8 =	sadd.s32 $0xFFFFE003, lr  }
0x1b: {  	s9 =	sadd.s32 $0xFFFFFEF7, lr;
	s5 =	simm.s32 $0xFFFFFFFF;
	p2 =	slt.u32 s8, $0xFFFFF086  }
0x1c: {  	p1 =	slt.u32 s9, $0xF7A;
	s5 =	simm.s32 @!p2 $0x0  }
0x1d: {  	s5 =	simm.s32 @p1 $0x1;
	p0 =	seq.s32 s7, s2  }
0x1e: {  	s7 =	smul.u32 @!p0 $0xF7A, s2;
	p2 =	seq.s32 @!p0 s5, $0x0  }
0x1f: {  	s9 =	smul.u32 $0xF7A, s1;
	s8 =	simm.s32 @!p0 $0x1BF5;
	p2 =	por !p2, p0  }
0x20: {  	[sflag:s8] =	ssyncset.s32 @!p0 $0xFFFFF086;
	s6 =	sadd.s32 @!p0 s3, s7;
	s7 =	simm.s32 @!p0 $0x108  }
0x21: {  	s3 =	sadd.s32 s3, s9;
	s6 =	sadd.s32 @!p0 $0x88, s6;
	s7 =	simm.s32 @p2 $0x1082  }
0x22: {  	[simem:s7], [sflag:s8] =	dma.local @!p0 [hbm:s6], $0xF7A  }
0x23: {  	s9 =	sor.u32 $0xD0000000, s2;
	s6 =	simm.s32 $0x108;
	_ =	swait.ge @!p0 [sflag:s8], $0x0  }
0x24: {  	s3 =	sadd.s32 $0x88, s3;
	s6 =	simm.s32 @!p1 $0x1082;
	[sflag:s4] =	ssyncset.s32 $0xFFFFF086  }
0x25: {  	[simem:s6], [sflag:s4] =	dma.local [hbm:s3], $0xF7A  }
0x26: {  	[smem:$0x3F97] =	sst s1;
	(tag) =	ssettag s2;
	_ =	strace s9  }
0x27: {  	s1 =	sld [smem:$0x3FA7]  }
0x28: {  	s2 =	sld [smem:$0x3FA8]  }
0x29: {  	s4 =	sld [smem:$0x3FAA]  }
0x2a: {  	p0 =	seq.s32 s5, $0x0;
	s5 =	sld [smem:$0x3FAB]  }
0x2b: {  	s6 =	sld [smem:$0x3FAC]  }
0x2c: {  	s7 =	sld [smem:$0x3FAD]  }
0x2d: {  	s3 =	simm.s32 $0x108;
	s8 =	sld [smem:$0x3FAE]  }
0x2e: {  	s3 =	simm.s32 @!p0 $0x1082;
	s9 =	sld [smem:$0x3FAF]  }
0x2f: {  	lr =	sadd.s32 s0, s3;
	s0 =	sld [smem:$0x3FA6]  }
0x30: {  	s3 =	sld [smem:$0x3FA9]  }
0x31: {  	[smem:$0x3FB2] =	sst s10  }
0x32: {  	s10 =	sld [smem:$0x3FB0];
	_ =	sdelay $0x3  }
0x33: {  	p0 =	seq.s32 s10, $0x1;
	s10 =	sld [smem:$0x3FB2];
	_ =	sdelay $0x3  }
0x34: {  	[smem:$0x3FB2] =	sst s10  }
0x35: {  	s10 =	sld [smem:$0x3FB1];
	_ =	sdelay $0x3  }
0x36: {  	p1 =	seq.s32 s10, $0x1;
	s10 =	sld [smem:$0x3FB2];
	_ =	sdelay $0x3  }
0x37: {  	[smem:$0x3FB2] =	sst s10  }
0x38: {  	s10 =	sld [smem:$0x3FB3]  }
0x39: {  	_ = 	snop;
	(pc) =	sbr.ind lr, $3  }
0x3a: {  	_ = 	snop  }
0x3b: {  	_ = 	snop  }
0x3c: {  	p2 =	seq.s32 s10, $0x1;
	s10 =	sld [smem:$0x3FB2]  }
0x3d: {  	_ =	shalt  }
0x3e: {  	_ =	shalt  }
0x3f: {  	_ =	shalt  }
0x40: {  	_ =	shalt  }
0x41: {  	_ =	shalt  }
0x42: {  	_ =	shalt  }
0x43: {  	_ =	shalt  }
0x44: {  	_ =	shalt  }
0x45: {  	_ =	shalt  }
0x46: {  	_ =	shalt  }
0x47: {  	_ =	shalt  }
0x48: {  	_ =	shalt  }
0x49: {  	_ =	shalt  }
0x4a: {  	_ =	shalt  }
0x4b: {  	_ =	shalt  }
0x4c: {  	_ =	shalt  }
0x4d: {  	_ =	shalt  }
0x4e: {  	_ =	shalt  }
0x4f: {  	_ =	shalt  }
0x50: {  	_ =	shalt  }
0x51: {  	_ =	shalt  }
0x52: {  	_ =	shalt  }
0x53: {  	_ =	shalt  }
0x54: {  	_ =	shalt  }
0x55: {  	_ =	shalt  }
0x56: {  	_ =	shalt  }
0x57: {  	_ =	shalt  }
0x58: {  	_ =	shalt  }
0x59: {  	_ =	shalt  }
0x5a: {  	_ =	shalt  }
0x5b: {  	_ =	shalt  }
0x5c: {  	_ =	shalt  }
0x5d: {  	_ =	shalt  }
0x5e: {  	_ =	shalt  }
0x5f: {  	_ =	shalt  }
0x60: {  	_ =	shalt  }
0x61: {  	_ =	shalt  }
0x62: {  	_ =	shalt  }
0x63: {  	_ =	shalt  }
0x64: {  	_ =	shalt  }
0x65: {  	_ =	shalt  }
0x66: {  	_ =	shalt  }
0x67: {  	_ =	shalt  }
0x68: {  	_ =	shalt  }
0x69: {  	_ =	shalt  }
0x6a: {  	_ =	shalt  }
0x6b: {  	_ =	shalt  }
0x6c: {  	_ =	shalt  }
0x6d: {  	_ =	shalt  }
0x6e: {  	_ =	shalt  }
0x6f: {  	_ =	shalt  }
0x70: {  	_ =	shalt  }
0x71: {  	_ =	shalt  }
0x72: {  	_ =	shalt  }
0x73: {  	_ =	shalt  }
0x74: {  	_ =	shalt  }
0x75: {  	_ =	shalt  }
0x76: {  	_ =	shalt  }
0x77: {  	_ =	shalt  }
0x78: {  	_ =	shalt  }
0x79: {  	_ =	shalt  }
0x7a: {  	_ =	shalt  }
0x7b: {  	_ =	shalt  }
0x7c: {  	_ =	shalt  }
0x7d: {  	_ =	shalt  }
0x7e: {  	_ =	shalt  }
0x7f: {  	_ =	shalt  }
0x80: {  	_ =	shalt  }
0x81: {  	_ =	shalt  }
0x82: {  	_ =	shalt  }
0x83: {  	_ =	shalt  }
0x84: {  	_ =	shalt  }
0x85: {  	_ =	shalt  }
0x86: {  	_ =	shalt  }
0x87: {  	_ =	shalt  }
.Lfunc_end0:
.L_simem_size_0:
called_computation.1_lowered:
.L_overlay_start_0:
0x88: {  	s2 =	sld [smem:$0x3FD9]  }
0x89: {  	s3 =	sld [smem:$0x3FFE];
	_ =	sdelay $0x1  }
0x8a: {  	s1 =	srdreg.scid  }
0x8b: {  	s0 =	sand.u32 $0x1, s1  }
0x8c: {  	s17 =	sshll.u32 s0, $0xA;
	s2 =	sadd.s32 s3, s2  }
0x8d: {  	s2 =	sadd.s32 s2, s17  }
0x8e: {  	[smem:$0x3FBE] =	sst s2  }
0x8f: {  	_ = 	snop  }
0x90: {  	s2 =	sld [smem:$0x3FD0];
	(tm) =	ssettm $0x1  }
0x91: {  	s18 =	sld [smem:$0x3FFB];
	_ =	sdelay $0x3  }
0x92: {  	_ =	strace s18  }
0x93: {  	s3 =	sld [smem:$0x3FFC];
	_ =	sdelay $0x3  }
0x94: {  	_ =	strace s3  }
0x95: {  	s3 =	sld [smem:$0x3FFD];
	_ =	sdelay $0x3  }
0x96: {  	_ =	strace s3  }
0x97: {  	_ =	strace $0x8FFFFFFF  }
0x98: {  	s19 =	sld [smem:$0x3FDB];
	_ =	sdelay $0x1  }
0x99: {  	s4 =	simm.s32 $_scs_section_size  }
0x9a: {  	s5 =	simm.s32 $_size__tile_overlayer_lowered;
	s6 =	simm.s32 $_tile_overlayer_lowered  }
0x9b: {  	s22 =	simm.s32 $0x1BFF;
	s21 =	sshll.u32 s6, $0x1;
	s3 =	sadd.s32 s4, s19  }
0x9c: {  	s7 =	simm.s32 $0x0;
	s20 =	sshll.u32 s5, $0x1;
	s5 =	sadd.s32 s21, s3  }
0x9d: {  	[timem:s7], [sflag:s22] =	dma.local [hbm:s5], s20  }
0x9e: {  	_ =	swait.ge [sflag:s22], s20  }
0x9f: {  	s4 =	ssub.s32 $0x0, s20;
	[sflag:s22] =	ssyncset.done $0x0  }
0xa0: {  	[sflag:s22] =	ssyncadd.s32 s4;
	_ =	sdelay $0x1  }
0xa1: {  	s23 =	simm.s32 $0x1B8B  }
0xa2: {  	_ =	swait.ge [sflag:s23], $0x1  }
0xa3: {  	[sflag:s23] =	ssyncset.done $0x0  }
0xa4: {  	s25 =	simm.s32 $0x1B8E;
	s24 =	sld [smem:$0x3FFE];
	[sflag:s23] =	ssyncadd.s32 $0xFFFFFFFF  }
0xa5: {  	s26 =	simm.s32 $execute0_lowered;
	[smem:$0x3FD2] =	sst s25  }
0xa6: {  	s5 =	sshll.u32 s26, $0x1;
	_ =	strace $0x80000049;
	[dreg:$0x1] =	wrdreg $0xFFFFFFFF  }
0xa7: {  	s28 =	simm.s32 $_size_execute0_lowered;
	s3 =	sadd.s32 s3, s5;
	[dreg:$0x0] =	wrdreg $0x0  }
0xa8: {  	s5 =	sshll.u32 s28, $0x1;
	[dreg:$0x2] =	wrdreg s3  }
0xa9: {  	[dreg:$0x3] =	wrdreg s5  }
0xaa: {  	[dreg:$0x4] =	wrdreg $0xC0  }
0xab: {  	_ =	task [dreg:s7], $0x5FFFF  }
0xac: {  	[dreg:$0x1] =	wrdreg $0xFFFFFFFF  }
0xad: {  	[dreg:$0x0] =	wrdreg $0x60  }
0xae: {  	[dreg:$0x2] =	wrdreg s24  }
0xaf: {  	[dreg:$0x3] =	wrdreg s2  }
0xb0: {  	[dreg:$0x4] =	wrdreg $0x150000  }
0xb1: {  	[dreg:$0x5] =	wrdreg $0x9  }
0xb2: {  	_ =	task.clear_ibuf [dreg:s7], $0x6FFFF;
	_ =	strace $0x90000049  }
0xb3: {  	s29 =	simm.s32 $0x9;
	_ =	strace $0x8000004B  }
0xb4: {  	_ =	swait.ge [sflag:s29], $0x1  }
0xb5: {  	[sflag:s29] =	ssyncadd.s32 $0xFFFFFFFF  }
0xb6: {  	_ =	strace $0x9000004B  }
0xb7: {  	_ =	sfence  }
0xb8: {  	s30 =	sld [smem:$0x0];
	_ =	sdelay $0x2  }
0xb9: {  	s31 =	sshll.u32 s1, $0xD;
	s1 =	sshrl.u32 s1, $0x2  }
0xba: {  	s3 =	sand.u32 $0x4000, s31;
	s1 =	sadd.s32 s1, s30  }
0xbb: {  	s0 =	sor.u32 s3, s0;
	s1 =	sshll.u32 s1, $0x11  }
0xbc: {  	s0 =	sor.u32 s1, s0  }
0xbd: {  	s0 =	sadd.s32 $0x8F2B, s0  }
0xbe: {  	[sflag:s0] =	ssyncadd.remote.s32 $0x1  }
0xbf: {  	_ =	sfence.sel $0xFFFF  }
0xc0: {  	[dreg:$0x0] =	wrdreg $0xFFFFFFFF;
	(pc) =	sbr.abs _section_cstart, $3  }
0xc1: {  	[dreg:$0x1] =	wrdreg $0xFFFFFFFF  }
0xc2: {  	_ =	task.clear_ibuf [dreg:s7], $0x2FFFF;
	_ =	strace $0x9FFFFFFF  }
0xc3: {  	(tm) =	ssettm $0x7FFFFFFF  }
tec
execute0_lowered:
.L_overlay_start_1:
0x0: {  	(tag) =	ssettag $0x1  }
0x1: {  	s0 =	rddreg [dreg:$0x0]  }
0x2: {  	s3 =	rddreg [dreg:$0x1];
	s2 =	srdreg.scid  }
0x3: {  	s1 =	rddreg [dreg:$0x2];
	s11 =	stileid.u32;
	s14 =	simm.s32 $0x9  }
0x4: {  	s15 =	simm.s32 $0x2800;
	s16 =	simm.s32 $0x100;
	s17 =	simm.s32 $0x5000  }
0x5: {  	s18 =	simm.s32 $0x9000;
	s28 =	simm.s32 $0x2A00;
	s29 =	simm.s32 $0x5  }
0x6: {  	s30 =	simm.s32 $0x400;
	s31 =	simm.s32 $0x4;
	s4 =	sand.u32 $0x1, s2  }
0x7: {  	s2 =	simm.s32 $0x0;
	s7 =	sadd.s32 $0x3400, s0;
	s8 =	smul.u32 $0x5000, s11  }
0x8: {  	s9 =	sadd.s32 $0xFE200, s0;
	s10 =	smul.u32 $0xA000, s11;
	s21 =	sshll.u32 s11, $0x6  }
0x9: {  	s5 =	smul.u32 $0x14000, s4;
	[smem:$0x7FF] =	sst s2;
	s19 =	ssub.s32 $0x2, s4  }
0xa: {  	p0 =	seq.s32 s4, $0x1;
	s4 =	simm.s32 $0xFF600;
	_ =	strace $0x8000004A  }
0xb: {  	[dreg:$0x4] =	wrdreg s9;
	s20 =	sshrl.u32 s19, $0x1;
	s22 =	sshrl.u32 s8, $0x3  }
0xc: {  	s12 =	sadd.s32 s10, s1;
	s4 =	simm.s32 @!p0 $0x113600;
	s25 =	sshrl.u32 s10, $0x3  }
0xd: {  	s6 =	sadd.s32 s5, s0;
	s9 =	ssub.s32 s19, s20;
	s5 =	sor.u32 $0x1C09, s21  }
0xe: {  	s8 =	sadd.s32 s7, s22;
	s23 =	sadd.s32 s3, s22;
	s24 =	sadd.s32 $0x500, s22  }
0xf: {  	s0 =	sadd.s32 s4, s0;
	s13 =	sshrl.u32 s12, $0x3;
	s19 =	simm.s32 $0x1  }
0x10: {  	s21 =	simm.s32 $0xD000;
	s22 =	simm.s32 $0x2;
	[dreg:$0x5] =	wrdreg s8  }
0x11: {  	s4 =	simm.s32 $0x500;
	[dreg:$0x6] =	wrdreg s23;
	s8 =	sadd.s32 $0xD6200, s6  }
0x12: {  	s7 =	sadd.s32 s7, s24;
	s3 =	sadd.s32 s3, s24;
	s26 =	smax.u32 s9, $0x1  }
.Ltmp0:
0x13: {  	s0 =	sadd.s32 s0, s25;
	[dreg:$0x7] =	wrdreg s7;
	(pc) =	sbr.rel .LBB2_1-.Ltmp0, $4  }
0x14: {  	s23 =	simm.s32 $0x2900;
	s24 =	simm.s32 $0x300;
	[dreg:$0x8] =	wrdreg s3  }
0x15: {  	s25 =	simm.s32 $0x11000;
	s6 =	simm.s32 $0x7;
	[dreg:$0x9] =	wrdreg s26  }
0x16: {  	s9 =	simm.s32 $0x0;
	[dreg:$0xa] =	wrdreg s0;
	s26 =	simm.s32 $0x3  }
0x17: {  	s0 =	simm.s32 $0x2B00;
	s3 =	simm.s32 $0x6;
	s7 =	simm.s32 $0x8  }
.LBB2_7:
0x18: {  	_ =	swait.ge [sflag:s31], $0x4000  }
0x19: {  	[sflag:s31] =	ssyncset.done $0x0  }
0x1a: {  	[sflag:s31] =	ssyncadd.s32 $0xFFFFC000  }
0x1b: {  	[spmem:s1] =	stream.indirect.scatter.add.f32 [tilespmem:s25], [sflag:$0x8], $0x40, s12, s16, $0xb8;
	[tilespmem:$0x1F000] =	vst v63  }
0x1c: {  	_ =	swait.ge [sflag:s3], $0x4000  }
0x1d: {  	[sflag:s3] =	ssyncset.done $0x0  }
0x1e: {  	[sflag:s3] =	ssyncadd.s32 $0xFFFFC000  }
0x1f: {  	_ =	swait.ge [sflag:s6], $0x4000  }
0x20: {  	[sflag:s6] =	ssyncset.done $0x0  }
0x21: {  	[sflag:s6] =	ssyncadd.s32 $0xFFFFC000  }
0x22: {  	_ =	swait.ge [sflag:s7], $0x4000  }
0x23: {  	[sflag:s7] =	ssyncset.done $0x0  }
0x24: {  	[sflag:s7] =	ssyncadd.s32 $0xFFFFC000  }
0x25: {  	[bflag:$0x0] =	sbarrier.arrive $0xFFFF  }
0x26: {  	s10 =	rddreg [dreg:$0xa]  }
0x27: {  	[hbm:s10], [sflag:s5] =	dma.local [spmem:s13], $0x1400  }
0x28: {  	_ =	swait.ge [sflag:s14], $0x1400  }
0x29: {  	s9 =	sadd.s32 $0x1, s9;
	s20 =	rddreg [dreg:$0x9]  }
0x2a: {  	p0 =	sne.s32 s9, s20  }
.Ltmp1:
0x2b: {  	_ = 	snop;
	(pc) =	sbr.rel @!p0 .LBB2_8-.Ltmp1, $3  }
0x2c: {  	_ =	sdelay $0x1  }
0x2d: {  	[sflag:s14] =	ssyncset.done $0x0  }
0x2e: {  	[sflag:s14] =	ssyncadd.s32 $0xFFFFEC00  }
.LBB2_1:
0x2f: {  	s10 =	rddreg [dreg:$0x4]  }
0x30: {  	[spmem:s13], [sflag:s5] =	dma.local [hbm:s10], $0x1400  }
0x31: {  	_ =	swait.ge [sflag:s14], $0x1400  }
0x32: {  	[sflag:s14] =	ssyncset.done $0x0  }
0x33: {  	[sflag:s14] =	ssyncadd.s32 $0xFFFFEC00  }
0x34: {  	[bflag:$0x0] =	sbarrier.arrive $0xFFFF  }
0x35: {  	s11 =	rddreg [dreg:$0x5]  }
0x36: {  	[tilespmem:s2], [sflag:$0x9] =	stream.linear.gather [hbm4b:s11+s2], $0x2800, $0x38;
	[tilespmem:$0x1F000] =	vst v63  }
0x37: {  	_ =	swait.ge [sflag:s14], $0x2800  }
0x38: {  	[sflag:s14] =	ssyncset.done $0x0  }
0x39: {  	s12 =	rddreg [dreg:$0x6];
	[sflag:s14] =	ssyncadd.s32 $0xFFFFD800  }
0x3a: {  	[tilespmem:s15], [sflag:$0x9] =	stream.linear.gather [hbm4b:s12+s2], $0x2800, $0x38;
	[tilespmem:$0x1F000] =	vst v63  }
0x3b: {  	_ =	swait.ge [sflag:s14], $0x2800  }
0x3c: {  	[sflag:s14] =	ssyncset.done $0x0  }
0x3d: {  	[sflag:s14] =	ssyncadd.s32 $0xFFFFD800  }
0x3e: {  	[tilespmem:s17], [sflag:$0x1] =	stream.indirect.gather [hbm4b:s8+s16], $0x40, s2, s16, $0xb8;
	[tilespmem:$0x1F000] =	vst v63  }
0x3f: {  	_ = 	snop  }
0x40: {  	[tilespmem:s18], [sflag:$0x2] =	stream.indirect.gather [hbm4b:s8+s16], $0x40, s16, s16, $0xb8;
	[tilespmem:$0x1F000] =	vst v63  }
0x41: {  	_ =	swait.ge [sflag:s19], $0x4000  }
0x42: {  	[sflag:s19] =	ssyncset.done $0x0  }
0x43: {  	[sflag:s19] =	ssyncadd.s32 $0xFFFFC000  }
0x44: {  	[spmem:s1] =	stream.indirect.scatter.add.f32 [tilespmem:s17], [sflag:$0x5], $0x40, s15, s16, $0xb8;
	[tilespmem:$0x1F000] =	vst v63  }
0x45: {  	s20 =	simm.s32 $0x200  }
0x46: {  	[tilespmem:s21], [sflag:$0x3] =	stream.indirect.gather [hbm4b:s8+s16], $0x40, s20, s16, $0xb8;
	[tilespmem:$0x1F000] =	vst v63  }
0x47: {  	_ =	swait.ge [sflag:s22], $0x4000  }
0x48: {  	[sflag:s22] =	ssyncset.done $0x0  }
0x49: {  	[sflag:s22] =	ssyncadd.s32 $0xFFFFC000  }
0x4a: {  	[spmem:s1] =	stream.indirect.scatter.add.f32 [tilespmem:s18], [sflag:$0x6], $0x40, s23, s16, $0xb8;
	[tilespmem:$0x1F000] =	vst v63  }
0x4b: {  	_ = 	snop  }
0x4c: {  	[tilespmem:s25], [sflag:$0x4] =	stream.indirect.gather [hbm4b:s8+s16], $0x40, s24, s16, $0xb8;
	[tilespmem:$0x1F000] =	vst v63  }
0x4d: {  	_ =	swait.ge [sflag:s26], $0x4000  }
0x4e: {  	[sflag:s26] =	ssyncset.done $0x0  }
0x4f: {  	[sflag:s26] =	ssyncadd.s32 $0xFFFFC000  }
0x50: {  	[spmem:s1] =	stream.indirect.scatter.add.f32 [tilespmem:s21], [sflag:$0x7], $0x40, s28, s16, $0xb8;
	[tilespmem:$0x1F000] =	vst v63  }
0x51: {  	_ =	swait.ge [sflag:s29], $0x4000  }
0x52: {  	[sflag:s29] =	ssyncset.done $0x0  }
0x53: {  	[sflag:s29] =	ssyncadd.s32 $0xFFFFC000  }
0x54: {  	[tilespmem:s17], [sflag:$0x1] =	stream.indirect.gather [hbm4b:s8+s16], $0x40, s30, s16, $0xb8;
	[tilespmem:$0x1F000] =	vst v63  }
0x55: {  	_ =	swait.ge [sflag:s31], $0x4000  }
0x56: {  	[sflag:s31] =	ssyncset.done $0x0  }
0x57: {  	[sflag:s31] =	ssyncadd.s32 $0xFFFFC000  }
0x58: {  	[spmem:s1] =	stream.indirect.scatter.add.f32 [tilespmem:s25], [sflag:$0x8], $0x40, s0, s16, $0xb8;
	[tilespmem:$0x1F000] =	vst v63  }
0x59: {  	_ =	swait.ge [sflag:s3], $0x4000  }
0x5a: {  	[sflag:s3] =	ssyncset.done $0x0  }
0x5b: {  	s10 =	simm.s32 $0x0;
	[sflag:s3] =	ssyncadd.s32 $0xFFFFC000  }
0x5c: {  	[tilespmem:s18], [sflag:$0x2] =	stream.indirect.gather [hbm4b:s8+s16], $0x40, s4, s16, $0xb8;
	[tilespmem:$0x1F000] =	vst v63  }
.LBB2_2:
0x5d: {  	_ =	swait.ge [sflag:s19], $0x4000  }
0x5e: {  	s11 =	sshra.s32 s10, $0x2;
	[sflag:s19] =	ssyncset.done $0x0  }
0x5f: {  	s12 =	sadd.s32 $0x2C00, s11;
	[sflag:s19] =	ssyncadd.s32 $0xFFFFC000  }
0x60: {  	[spmem:s1] =	stream.indirect.scatter.add.f32 [tilespmem:s17], [sflag:$0x5], $0x40, s12, s16, $0xb8;
	[tilespmem:$0x1F000] =	vst v63  }
0x61: {  	_ =	swait.ge [sflag:s6], $0x4000  }
0x62: {  	[sflag:s6] =	ssyncset.done $0x0  }
0x63: {  	s20 =	sadd.s32 $0x600, s11;
	[sflag:s6] =	ssyncadd.s32 $0xFFFFC000  }
0x64: {  	[tilespmem:s21], [sflag:$0x3] =	stream.indirect.gather [hbm4b:s8+s16], $0x40, s20, s16, $0xb8;
	[tilespmem:$0x1F000] =	vst v63  }
0x65: {  	_ =	swait.ge [sflag:s22], $0x4000  }
0x66: {  	[sflag:s22] =	ssyncset.done $0x0  }
0x67: {  	s20 =	sadd.s32 $0x2D00, s11;
	[sflag:s22] =	ssyncadd.s32 $0xFFFFC000  }
0x68: {  	[spmem:s1] =	stream.indirect.scatter.add.f32 [tilespmem:s18], [sflag:$0x6], $0x40, s20, s16, $0xb8;
	[tilespmem:$0x1F000] =	vst v63  }
0x69: {  	_ =	swait.ge [sflag:s7], $0x4000  }
0x6a: {  	[sflag:s7] =	ssyncset.done $0x0  }
0x6b: {  	s20 =	sadd.s32 $0x700, s11;
	[sflag:s7] =	ssyncadd.s32 $0xFFFFC000  }
0x6c: {  	[tilespmem:s25], [sflag:$0x4] =	stream.indirect.gather [hbm4b:s8+s16], $0x40, s20, s16, $0xb8;
	[tilespmem:$0x1F000] =	vst v63  }
0x6d: {  	_ =	swait.ge [sflag:s26], $0x4000  }
0x6e: {  	p0 =	seq.s32 s10, $0x8000;
	[sflag:s26] =	ssyncset.done $0x0  }
.Ltmp2:
0x6f: {  	s20 =	sadd.s32 $0x2E00, s11;
	[sflag:s26] =	ssyncadd.s32 $0xFFFFC000;
	(pc) =	sbr.rel @p0 .LBB2_4-.Ltmp2, $4  }
0x70: {  	[spmem:s1] =	stream.indirect.scatter.add.f32 [tilespmem:s21], [sflag:$0x7], $0x40, s20, s16, $0xb8;
	[tilespmem:$0x1F000] =	vst v63  }
0x71: {  	_ =	swait.ge [sflag:s29], $0x4000  }
0x72: {  	[sflag:s29] =	ssyncset.done $0x0  }
0x73: {  	s12 =	sadd.s32 $0x2F00, s11;
	[sflag:s29] =	ssyncadd.s32 $0xFFFFC000  }
0x74: {  	s20 =	sadd.s32 $0x800, s11  }
0x75: {  	[tilespmem:s17], [sflag:$0x1] =	stream.indirect.gather [hbm4b:s8+s16], $0x40, s20, s16, $0xb8;
	[tilespmem:$0x1F000] =	vst v63  }
0x76: {  	_ =	swait.ge [sflag:s31], $0x4000  }
0x77: {  	[sflag:s31] =	ssyncset.done $0x0  }
0x78: {  	[sflag:s31] =	ssyncadd.s32 $0xFFFFC000  }
0x79: {  	[spmem:s1] =	stream.indirect.scatter.add.f32 [tilespmem:s25], [sflag:$0x8], $0x40, s12, s16, $0xb8;
	[tilespmem:$0x1F000] =	vst v63  }
.Ltmp3:
0x7a: {  	_ = 	snop;
	(pc) =	sbr.rel .LBB2_2-.Ltmp3, $4  }
0x7b: {  	_ =	swait.ge [sflag:s3], $0x4000  }
0x7c: {  	[sflag:s3] =	ssyncset.done $0x0  }
0x7d: {  	s10 =	sadd.s32 $0x1000, s10;
	s20 =	sadd.s32 $0x900, s11;
	[sflag:s3] =	ssyncadd.s32 $0xFFFFC000  }
0x7e: {  	[tilespmem:s18], [sflag:$0x2] =	stream.indirect.gather [hbm4b:s8+s16], $0x40, s20, s16, $0xb8;
	[tilespmem:$0x1F000] =	vst v63  }
.LBB2_4:
0x7f: {  	_ =	swait.ge [sflag:s31], $0x4000  }
0x80: {  	[sflag:s31] =	ssyncset.done $0x0  }
0x81: {  	[sflag:s31] =	ssyncadd.s32 $0xFFFFC000  }
0x82: {  	[spmem:s1] =	stream.indirect.scatter.add.f32 [tilespmem:s25], [sflag:$0x8], $0x40, s12, s16, $0xb8;
	[tilespmem:$0x1F000] =	vst v63  }
0x83: {  	_ =	swait.ge [sflag:s3], $0x4000  }
0x84: {  	[sflag:s3] =	ssyncset.done $0x0  }
0x85: {  	[sflag:s3] =	ssyncadd.s32 $0xFFFFC000  }
0x86: {  	_ =	swait.ge [sflag:s6], $0x4000  }
0x87: {  	[sflag:s6] =	ssyncset.done $0x0  }
0x88: {  	[sflag:s6] =	ssyncadd.s32 $0xFFFFC000  }
0x89: {  	_ =	swait.ge [sflag:s7], $0x4000  }
0x8a: {  	[sflag:s7] =	ssyncset.done $0x0  }
0x8b: {  	s10 =	simm.s32 $0x0;
	s11 =	rddreg [dreg:$0x7];
	[sflag:s7] =	ssyncadd.s32 $0xFFFFC000  }
0x8c: {  	[tilespmem:s10], [sflag:$0x9] =	stream.linear.gather [hbm4b:s11+s10], $0x2800, $0x38;
	[tilespmem:$0x1F000] =	vst v63  }
0x8d: {  	_ =	swait.ge [sflag:s14], $0x2800  }
0x8e: {  	[sflag:s14] =	ssyncset.done $0x0  }
0x8f: {  	s12 =	rddreg [dreg:$0x8];
	[sflag:s14] =	ssyncadd.s32 $0xFFFFD800  }
0x90: {  	[tilespmem:s15], [sflag:$0x9] =	stream.linear.gather [hbm4b:s12+s10], $0x2800, $0x38;
	[tilespmem:$0x1F000] =	vst v63  }
0x91: {  	_ =	swait.ge [sflag:s14], $0x2800  }
0x92: {  	[sflag:s14] =	ssyncset.done $0x0  }
0x93: {  	[sflag:s14] =	ssyncadd.s32 $0xFFFFD800  }
0x94: {  	[tilespmem:s17], [sflag:$0x1] =	stream.indirect.gather [hbm4b:s8+s16], $0x40, s10, s16, $0xb8;
	[tilespmem:$0x1F000] =	vst v63  }
0x95: {  	_ = 	snop  }
0x96: {  	[tilespmem:s18], [sflag:$0x2] =	stream.indirect.gather [hbm4b:s8+s16], $0x40, s16, s16, $0xb8;
	[tilespmem:$0x1F000] =	vst v63  }
0x97: {  	_ =	swait.ge [sflag:s19], $0x4000  }
0x98: {  	[sflag:s19] =	ssyncset.done $0x0  }
0x99: {  	[sflag:s19] =	ssyncadd.s32 $0xFFFFC000  }
0x9a: {  	[spmem:s1] =	stream.indirect.scatter.add.f32 [tilespmem:s17], [sflag:$0x5], $0x40, s15, s16, $0xb8;
	[tilespmem:$0x1F000] =	vst v63  }
0x9b: {  	s20 =	simm.s32 $0x200  }
0x9c: {  	[tilespmem:s21], [sflag:$0x3] =	stream.indirect.gather [hbm4b:s8+s16], $0x40, s20, s16, $0xb8;
	[tilespmem:$0x1F000] =	vst v63  }
0x9d: {  	_ =	swait.ge [sflag:s22], $0x4000  }
0x9e: {  	[sflag:s22] =	ssyncset.done $0x0  }
0x9f: {  	[sflag:s22] =	ssyncadd.s32 $0xFFFFC000  }
0xa0: {  	[spmem:s1] =	stream.indirect.scatter.add.f32 [tilespmem:s18], [sflag:$0x6], $0x40, s23, s16, $0xb8;
	[tilespmem:$0x1F000] =	vst v63  }
0xa1: {  	_ = 	snop  }
0xa2: {  	[tilespmem:s25], [sflag:$0x4] =	stream.indirect.gather [hbm4b:s8+s16], $0x40, s24, s16, $0xb8;
	[tilespmem:$0x1F000] =	vst v63  }
0xa3: {  	_ =	swait.ge [sflag:s26], $0x4000  }
0xa4: {  	[sflag:s26] =	ssyncset.done $0x0  }
0xa5: {  	[sflag:s26] =	ssyncadd.s32 $0xFFFFC000  }
0xa6: {  	[spmem:s1] =	stream.indirect.scatter.add.f32 [tilespmem:s21], [sflag:$0x7], $0x40, s28, s16, $0xb8;
	[tilespmem:$0x1F000] =	vst v63  }
0xa7: {  	_ =	swait.ge [sflag:s29], $0x4000  }
0xa8: {  	[sflag:s29] =	ssyncset.done $0x0  }
0xa9: {  	[sflag:s29] =	ssyncadd.s32 $0xFFFFC000  }
0xaa: {  	[tilespmem:s17], [sflag:$0x1] =	stream.indirect.gather [hbm4b:s8+s16], $0x40, s30, s16, $0xb8;
	[tilespmem:$0x1F000] =	vst v63  }
0xab: {  	_ =	swait.ge [sflag:s31], $0x4000  }
0xac: {  	[sflag:s31] =	ssyncset.done $0x0  }
0xad: {  	[sflag:s31] =	ssyncadd.s32 $0xFFFFC000  }
0xae: {  	[spmem:s1] =	stream.indirect.scatter.add.f32 [tilespmem:s25], [sflag:$0x8], $0x40, s0, s16, $0xb8;
	[tilespmem:$0x1F000] =	vst v63  }
0xaf: {  	_ =	swait.ge [sflag:s3], $0x4000  }
0xb0: {  	[sflag:s3] =	ssyncset.done $0x0  }
0xb1: {  	[sflag:s3] =	ssyncadd.s32 $0xFFFFC000  }
0xb2: {  	[tilespmem:s18], [sflag:$0x2] =	stream.indirect.gather [hbm4b:s8+s16], $0x40, s4, s16, $0xb8;
	[tilespmem:$0x1F000] =	vst v63  }
.LBB2_5:
0xb3: {  	_ =	swait.ge [sflag:s19], $0x4000  }
0xb4: {  	s11 =	sshra.s32 s10, $0x2;
	[sflag:s19] =	ssyncset.done $0x0  }
0xb5: {  	s12 =	sadd.s32 $0x2C00, s11;
	[sflag:s19] =	ssyncadd.s32 $0xFFFFC000  }
0xb6: {  	[spmem:s1] =	stream.indirect.scatter.add.f32 [tilespmem:s17], [sflag:$0x5], $0x40, s12, s16, $0xb8;
	[tilespmem:$0x1F000] =	vst v63  }
0xb7: {  	_ =	swait.ge [sflag:s6], $0x4000  }
0xb8: {  	[sflag:s6] =	ssyncset.done $0x0  }
0xb9: {  	s20 =	sadd.s32 $0x600, s11;
	[sflag:s6] =	ssyncadd.s32 $0xFFFFC000  }
0xba: {  	[tilespmem:s21], [sflag:$0x3] =	stream.indirect.gather [hbm4b:s8+s16], $0x40, s20, s16, $0xb8;
	[tilespmem:$0x1F000] =	vst v63  }
0xbb: {  	_ =	swait.ge [sflag:s22], $0x4000  }
0xbc: {  	[sflag:s22] =	ssyncset.done $0x0  }
0xbd: {  	s20 =	sadd.s32 $0x2D00, s11;
	[sflag:s22] =	ssyncadd.s32 $0xFFFFC000  }
0xbe: {  	[spmem:s1] =	stream.indirect.scatter.add.f32 [tilespmem:s18], [sflag:$0x6], $0x40, s20, s16, $0xb8;
	[tilespmem:$0x1F000] =	vst v63  }
0xbf: {  	_ =	swait.ge [sflag:s7], $0x4000  }
0xc0: {  	[sflag:s7] =	ssyncset.done $0x0  }
0xc1: {  	s20 =	sadd.s32 $0x700, s11;
	[sflag:s7] =	ssyncadd.s32 $0xFFFFC000  }
0xc2: {  	[tilespmem:s25], [sflag:$0x4] =	stream.indirect.gather [hbm4b:s8+s16], $0x40, s20, s16, $0xb8;
	[tilespmem:$0x1F000] =	vst v63  }
0xc3: {  	_ =	swait.ge [sflag:s26], $0x4000  }
0xc4: {  	p0 =	seq.s32 s10, $0x8000;
	[sflag:s26] =	ssyncset.done $0x0  }
.Ltmp4:
0xc5: {  	s20 =	sadd.s32 $0x2E00, s11;
	[sflag:s26] =	ssyncadd.s32 $0xFFFFC000;
	(pc) =	sbr.rel @p0 .LBB2_7-.Ltmp4, $4  }
0xc6: {  	[spmem:s1] =	stream.indirect.scatter.add.f32 [tilespmem:s21], [sflag:$0x7], $0x40, s20, s16, $0xb8;
	[tilespmem:$0x1F000] =	vst v63  }
0xc7: {  	_ =	swait.ge [sflag:s29], $0x4000  }
0xc8: {  	[sflag:s29] =	ssyncset.done $0x0  }
0xc9: {  	s12 =	sadd.s32 $0x2F00, s11;
	[sflag:s29] =	ssyncadd.s32 $0xFFFFC000  }
0xca: {  	s20 =	sadd.s32 $0x800, s11  }
0xcb: {  	[tilespmem:s17], [sflag:$0x1] =	stream.indirect.gather [hbm4b:s8+s16], $0x40, s20, s16, $0xb8;
	[tilespmem:$0x1F000] =	vst v63  }
0xcc: {  	_ =	swait.ge [sflag:s31], $0x4000  }
0xcd: {  	[sflag:s31] =	ssyncset.done $0x0  }
0xce: {  	[sflag:s31] =	ssyncadd.s32 $0xFFFFC000  }
0xcf: {  	[spmem:s1] =	stream.indirect.scatter.add.f32 [tilespmem:s25], [sflag:$0x8], $0x40, s12, s16, $0xb8;
	[tilespmem:$0x1F000] =	vst v63  }
.Ltmp5:
0xd0: {  	_ = 	snop;
	(pc) =	sbr.rel .LBB2_5-.Ltmp5, $4  }
0xd1: {  	_ =	swait.ge [sflag:s3], $0x4000  }
0xd2: {  	[sflag:s3] =	ssyncset.done $0x0  }
0xd3: {  	s10 =	sadd.s32 $0x1000, s10;
	s20 =	sadd.s32 $0x900, s11;
	[sflag:s3] =	ssyncadd.s32 $0xFFFFC000  }
0xd4: {  	[tilespmem:s18], [sflag:$0x2] =	stream.indirect.gather [hbm4b:s8+s16], $0x40, s20, s16, $0xb8;
	[tilespmem:$0x1F000] =	vst v63  }
.LBB2_8:
0xd5: {  	_ =	sfence.sel $0x180000  }
0xd6: {  	[bflag:$0x0] =	sbarrier.arrive $0xFFFF  }
0xd7: {  	_ =	strace $0x9000004A  }
0xd8: {  	s0 =	stileid.u32;
	[bflag:$0x2] =	sbarrier.arrive $0xFFFF  }
0xd9: {  	p0 =	sne.s32 s0, $0x0;
	s0 =	rddreg [dreg:$0x3]  }
0xda: {  	s0 =	sadd.s32 @!p0 $0x100000, s0  }
0xdb: {  	[sflag:s0] =	ssyncadd.tile.s32 @!p0 $0x1;
	_ =	shalt  }
.Lfunc_end2:
_tile_overlayer_lowered:
.L_overlay_start_2:
0xdc: {  	(tag) =	ssettag $0x2  }
0xdd: {  	s0 =	rddreg [dreg:$0x0];
	s2 =	stileid.u32  }
0xde: {  	s1 =	rddreg [dreg:$0x1];
	p0 =	sne.s32 s2, $0x0  }
0xdf: {  	s3 =	rddreg [dreg:$0x2];
	[bflag:$0x3] =	sbarrier.arrive $0xFFFF;
	s2 =	simm.s32 @!p0 $0x1C09  }
0xe0: {  	[timem:s3], [sflag:s2] =	dma.local @!p0 [hbm:s0], s1  }
0xe1: {  	s0 =	simm.s32 @!p0 $0x9  }
0xe2: {  	_ =	swait.ge @!p0 [sflag:s0], s1  }
0xe3: {  	s1 =	ssub.s32 @!p0 $0x0, s1;
	[sflag:s0] =	ssyncset.done @!p0 $0x0  }
0xe4: {  	[sflag:s0] =	ssyncadd.s32 @!p0 s1  }
0xe5: {  	[bflag:$0x3] =	sbarrier.arrive $0xFFFF  }
0xe6: {  	_ =	shalt  }

// kernel: kernel.15.cloned.1.call-start
scs
__scs_entry_jumppad:
0x0: {  	(pc) =	sbr.rel $0x88, $3  }
0x1: {  	(tag) =	ssettag $0x0;
	lr =	simm.s32 $0x1  }
0x2: {  	[smem:$0x3F97] =	sst lr;
	_ =	strace $0xD0000000  }
0x3: {  	_ = 	snop  }
0x4: {  	_ = 	snop  }
0x5: {  	_ = 	snop  }
0x6: {  	_ = 	snop  }
0x7: {  	_ = 	snop  }
__scs_overlays_trampoline_lowered:
0x8: {  	[smem:$0x3FA6] =	sst s0  }
0x9: {  	[smem:$0x3FA7] =	sst s1  }
0xa: {  	[smem:$0x3FA8] =	sst s2  }
0xb: {  	[smem:$0x3FA9] =	sst s3  }
0xc: {  	[smem:$0x3FAA] =	sst s4  }
0xd: {  	[smem:$0x3FAB] =	sst s5  }
0xe: {  	[smem:$0x3FAC] =	sst s6  }
0xf: {  	[smem:$0x3FAD] =	sst s7  }
0x10: {  	[smem:$0x3FAE] =	sst s8  }
0x11: {  	[smem:$0x3FAF] =	sst s9;
	s0 =	simm.s32 @!p0 $0x0  }
0x12: {  	s1 =	sld [smem:$0x3F95];
	s0 =	simm.s32 @p0 $0x1  }
0x13: {  	[smem:$0x3FB0] =	sst s0;
	s0 =	simm.s32 @!p1 $0x0  }
0x14: {  	s2 =	sld [smem:$0x3F94];
	s0 =	simm.s32 @p1 $0x1  }
0x15: {  	[smem:$0x3FB1] =	sst s0;
	s0 =	simm.s32 @!p2 $0x0  }
0x16: {  	s3 =	sld [smem:$0x3FDB];
	s0 =	simm.s32 @p2 $0x1  }
0x17: {  	s4 =	simm.s32 $0x1BF5;
	[smem:$0x3FB3] =	sst s0  }
0x18: {  	s0 =	sld [smem:$0x3F96];
	_ =	swait.ge [sflag:s4], $0x0  }
0x19: {  	s7 =	sld [smem:$0x3F97]  }
0x1a: {  	s8 =	sadd.s32 $0xFFFFE003, lr  }
0x1b: {  	s9 =	sadd.s32 $0xFFFFFEF7, lr;
	s5 =	simm.s32 $0xFFFFFFFF;
	p2 =	slt.u32 s8, $0xFFFFF086  }
0x1c: {  	p1 =	slt.u32 s9, $0xF7A;
	s5 =	simm.s32 @!p2 $0x0  }
0x1d: {  	s5 =	simm.s32 @p1 $0x1;
	p0 =	seq.s32 s7, s2  }
0x1e: {  	s7 =	smul.u32 @!p0 $0xF7A, s2;
	p2 =	seq.s32 @!p0 s5, $0x0  }
0x1f: {  	s9 =	smul.u32 $0xF7A, s1;
	s8 =	simm.s32 @!p0 $0x1BF5;
	p2 =	por !p2, p0  }
0x20: {  	[sflag:s8] =	ssyncset.s32 @!p0 $0xFFFFF086;
	s6 =	sadd.s32 @!p0 s3, s7;
	s7 =	simm.s32 @!p0 $0x108  }
0x21: {  	s3 =	sadd.s32 s3, s9;
	s6 =	sadd.s32 @!p0 $0x88, s6;
	s7 =	simm.s32 @p2 $0x1082  }
0x22: {  	[simem:s7], [sflag:s8] =	dma.local @!p0 [hbm:s6], $0xF7A  }
0x23: {  	s9 =	sor.u32 $0xD0000000, s2;
	s6 =	simm.s32 $0x108;
	_ =	swait.ge @!p0 [sflag:s8], $0x0  }
0x24: {  	s3 =	sadd.s32 $0x88, s3;
	s6 =	simm.s32 @!p1 $0x1082;
	[sflag:s4] =	ssyncset.s32 $0xFFFFF086  }
0x25: {  	[simem:s6], [sflag:s4] =	dma.local [hbm:s3], $0xF7A  }
0x26: {  	[smem:$0x3F97] =	sst s1;
	(tag) =	ssettag s2;
	_ =	strace s9  }
0x27: {  	s1 =	sld [smem:$0x3FA7]  }
0x28: {  	s2 =	sld [smem:$0x3FA8]  }
0x29: {  	s4 =	sld [smem:$0x3FAA]  }
0x2a: {  	p0 =	seq.s32 s5, $0x0;
	s5 =	sld [smem:$0x3FAB]  }
0x2b: {  	s6 =	sld [smem:$0x3FAC]  }
0x2c: {  	s7 =	sld [smem:$0x3FAD]  }
0x2d: {  	s3 =	simm.s32 $0x108;
	s8 =	sld [smem:$0x3FAE]  }
0x2e: {  	s3 =	simm.s32 @!p0 $0x1082;
	s9 =	sld [smem:$0x3FAF]  }
0x2f: {  	lr =	sadd.s32 s0, s3;
	s0 =	sld [smem:$0x3FA6]  }
0x30: {  	s3 =	sld [smem:$0x3FA9]  }
0x31: {  	[smem:$0x3FB2] =	sst s10  }
0x32: {  	s10 =	sld [smem:$0x3FB0];
	_ =	sdelay $0x3  }
0x33: {  	p0 =	seq.s32 s10, $0x1;
	s10 =	sld [smem:$0x3FB2];
	_ =	sdelay $0x3  }
0x34: {  	[smem:$0x3FB2] =	sst s10  }
0x35: {  	s10 =	sld [smem:$0x3FB1];
	_ =	sdelay $0x3  }
0x36: {  	p1 =	seq.s32 s10, $0x1;
	s10 =	sld [smem:$0x3FB2];
	_ =	sdelay $0x3  }
0x37: {  	[smem:$0x3FB2] =	sst s10  }
0x38: {  	s10 =	sld [smem:$0x3FB3]  }
0x39: {  	_ = 	snop;
	(pc) =	sbr.ind lr, $3  }
0x3a: {  	_ = 	snop  }
0x3b: {  	_ = 	snop  }
0x3c: {  	p2 =	seq.s32 s10, $0x1;
	s10 =	sld [smem:$0x3FB2]  }
0x3d: {  	_ =	shalt  }
0x3e: {  	_ =	shalt  }
0x3f: {  	_ =	shalt  }
0x40: {  	_ =	shalt  }
0x41: {  	_ =	shalt  }
0x42: {  	_ =	shalt  }
0x43: {  	_ =	shalt  }
0x44: {  	_ =	shalt  }
0x45: {  	_ =	shalt  }
0x46: {  	_ =	shalt  }
0x47: {  	_ =	shalt  }
0x48: {  	_ =	shalt  }
0x49: {  	_ =	shalt  }
0x4a: {  	_ =	shalt  }
0x4b: {  	_ =	shalt  }
0x4c: {  	_ =	shalt  }
0x4d: {  	_ =	shalt  }
0x4e: {  	_ =	shalt  }
0x4f: {  	_ =	shalt  }
0x50: {  	_ =	shalt  }
0x51: {  	_ =	shalt  }
0x52: {  	_ =	shalt  }
0x53: {  	_ =	shalt  }
0x54: {  	_ =	shalt  }
0x55: {  	_ =	shalt  }
0x56: {  	_ =	shalt  }
0x57: {  	_ =	shalt  }
0x58: {  	_ =	shalt  }
0x59: {  	_ =	shalt  }
0x5a: {  	_ =	shalt  }
0x5b: {  	_ =	shalt  }
0x5c: {  	_ =	shalt  }
0x5d: {  	_ =	shalt  }
0x5e: {  	_ =	shalt  }
0x5f: {  	_ =	shalt  }
0x60: {  	_ =	shalt  }
0x61: {  	_ =	shalt  }
0x62: {  	_ =	shalt  }
0x63: {  	_ =	shalt  }
0x64: {  	_ =	shalt  }
0x65: {  	_ =	shalt  }
0x66: {  	_ =	shalt  }
0x67: {  	_ =	shalt  }
0x68: {  	_ =	shalt  }
0x69: {  	_ =	shalt  }
0x6a: {  	_ =	shalt  }
0x6b: {  	_ =	shalt  }
0x6c: {  	_ =	shalt  }
0x6d: {  	_ =	shalt  }
0x6e: {  	_ =	shalt  }
0x6f: {  	_ =	shalt  }
0x70: {  	_ =	shalt  }
0x71: {  	_ =	shalt  }
0x72: {  	_ =	shalt  }
0x73: {  	_ =	shalt  }
0x74: {  	_ =	shalt  }
0x75: {  	_ =	shalt  }
0x76: {  	_ =	shalt  }
0x77: {  	_ =	shalt  }
0x78: {  	_ =	shalt  }
0x79: {  	_ =	shalt  }
0x7a: {  	_ =	shalt  }
0x7b: {  	_ =	shalt  }
0x7c: {  	_ =	shalt  }
0x7d: {  	_ =	shalt  }
0x7e: {  	_ =	shalt  }
0x7f: {  	_ =	shalt  }
0x80: {  	_ =	shalt  }
0x81: {  	_ =	shalt  }
0x82: {  	_ =	shalt  }
0x83: {  	_ =	shalt  }
0x84: {  	_ =	shalt  }
0x85: {  	_ =	shalt  }
0x86: {  	_ =	shalt  }
0x87: {  	_ =	shalt  }
.Lfunc_end0:
.L_simem_size_0:
called_computation.2_lowered:
.L_overlay_start_0:
0x88: {  	s2 =	sld [smem:$0x3FD9]  }
0x89: {  	s3 =	sld [smem:$0x3FFE];
	_ =	sdelay $0x1  }
0x8a: {  	s1 =	srdreg.scid  }
0x8b: {  	s0 =	sand.u32 $0x1, s1  }
0x8c: {  	s17 =	sshll.u32 s0, $0xA;
	s2 =	sadd.s32 s3, s2  }
0x8d: {  	s2 =	sadd.s32 s2, s17  }
0x8e: {  	[smem:$0x3FBE] =	sst s2  }
0x8f: {  	_ = 	snop  }
0x90: {  	s2 =	sld [smem:$0x3FD0];
	(tm) =	ssettm $0x1  }
0x91: {  	s18 =	sld [smem:$0x3FFB];
	_ =	sdelay $0x3  }
0x92: {  	_ =	strace s18  }
0x93: {  	s3 =	sld [smem:$0x3FFC];
	_ =	sdelay $0x3  }
0x94: {  	_ =	strace s3  }
0x95: {  	s3 =	sld [smem:$0x3FFD];
	_ =	sdelay $0x3  }
0x96: {  	_ =	strace s3  }
0x97: {  	_ =	strace $0x8FFFFFFF  }
0x98: {  	s19 =	sld [smem:$0x3FDB];
	_ =	sdelay $0x1  }
0x99: {  	s4 =	simm.s32 $_scs_section_size  }
0x9a: {  	s5 =	simm.s32 $_size__tile_overlayer_lowered;
	s6 =	simm.s32 $_tile_overlayer_lowered  }
0x9b: {  	s22 =	simm.s32 $0x1BFF;
	s21 =	sshll.u32 s6, $0x1;
	s3 =	sadd.s32 s4, s19  }
0x9c: {  	s7 =	simm.s32 $0x0;
	s20 =	sshll.u32 s5, $0x1;
	s5 =	sadd.s32 s21, s3  }
0x9d: {  	[timem:s7], [sflag:s22] =	dma.local [hbm:s5], s20  }
0x9e: {  	_ =	swait.ge [sflag:s22], s20  }
0x9f: {  	s4 =	ssub.s32 $0x0, s20;
	[sflag:s22] =	ssyncset.done $0x0  }
0xa0: {  	[sflag:s22] =	ssyncadd.s32 s4;
	_ =	sdelay $0x1  }
0xa1: {  	s23 =	simm.s32 $0x1B8B  }
0xa2: {  	_ =	swait.ge [sflag:s23], $0x1  }
0xa3: {  	[sflag:s23] =	ssyncset.done $0x0  }
0xa4: {  	s25 =	simm.s32 $0x1B8E;
	s24 =	sld [smem:$0x3FFE];
	[sflag:s23] =	ssyncadd.s32 $0xFFFFFFFF  }
0xa5: {  	s26 =	simm.s32 $execute0_lowered;
	[smem:$0x3FD2] =	sst s25  }
0xa6: {  	s5 =	sshll.u32 s26, $0x1;
	_ =	strace $0x8000004C;
	[dreg:$0x1] =	wrdreg $0xFFFFFFFF  }
0xa7: {  	s28 =	simm.s32 $_size_execute0_lowered;
	s3 =	sadd.s32 s3, s5;
	[dreg:$0x0] =	wrdreg $0x0  }
0xa8: {  	s5 =	sshll.u32 s28, $0x1;
	[dreg:$0x2] =	wrdreg s3  }
0xa9: {  	[dreg:$0x3] =	wrdreg s5  }
0xaa: {  	[dreg:$0x4] =	wrdreg $0xC0  }
0xab: {  	_ =	task [dreg:s7], $0x5FFFF  }
0xac: {  	[dreg:$0x1] =	wrdreg $0xFFFFFFFF  }
0xad: {  	[dreg:$0x0] =	wrdreg $0x60  }
0xae: {  	[dreg:$0x2] =	wrdreg s24  }
0xaf: {  	[dreg:$0x3] =	wrdreg s2  }
0xb0: {  	[dreg:$0x4] =	wrdreg $0xD0000  }
0xb1: {  	[dreg:$0x5] =	wrdreg $0x9  }
0xb2: {  	_ =	task.clear_ibuf [dreg:s7], $0x6FFFF;
	_ =	strace $0x9000004C  }
0xb3: {  	s29 =	simm.s32 $0x9;
	_ =	strace $0x8000004E  }
0xb4: {  	_ =	swait.ge [sflag:s29], $0x1  }
0xb5: {  	[sflag:s29] =	ssyncadd.s32 $0xFFFFFFFF  }
0xb6: {  	_ =	strace $0x9000004E  }
0xb7: {  	_ =	sfence  }
0xb8: {  	s30 =	sld [smem:$0x0];
	_ =	sdelay $0x2  }
0xb9: {  	s31 =	sshll.u32 s1, $0xD;
	s1 =	sshrl.u32 s1, $0x2  }
0xba: {  	s3 =	sand.u32 $0x4000, s31;
	s1 =	sadd.s32 s1, s30  }
0xbb: {  	s0 =	sor.u32 s3, s0;
	s1 =	sshll.u32 s1, $0x11  }
0xbc: {  	s0 =	sor.u32 s1, s0  }
0xbd: {  	s0 =	sadd.s32 $0x8F2B, s0  }
0xbe: {  	[sflag:s0] =	ssyncadd.remote.s32 $0x1  }
0xbf: {  	_ =	sfence.sel $0xFFFF  }
0xc0: {  	[dreg:$0x0] =	wrdreg $0xFFFFFFFF;
	(pc) =	sbr.abs _section_cstart, $3  }
0xc1: {  	[dreg:$0x1] =	wrdreg $0xFFFFFFFF  }
0xc2: {  	_ =	task.clear_ibuf [dreg:s7], $0x2FFFF;
	_ =	strace $0x9FFFFFFF  }
0xc3: {  	(tm) =	ssettm $0x7FFFFFFF  }
tec
execute0_lowered:
.L_overlay_start_1:
0x0: {  	(tag) =	ssettag $0x1  }
0x1: {  	s0 =	rddreg [dreg:$0x0]  }
0x2: {  	s3 =	rddreg [dreg:$0x1]  }
0x3: {  	s1 =	rddreg [dreg:$0x2];
	s4 =	srdreg.scid  }
0x4: {  	s2 =	simm.s32 $0x0;
	s11 =	stileid.u32;
	s14 =	simm.s32 $0x9  }
0x5: {  	s15 =	simm.s32 $0x2800;
	s16 =	simm.s32 $0x100;
	s17 =	simm.s32 $0x5000  }
0x6: {  	s18 =	simm.s32 $0x7000;
	s28 =	simm.s32 $0x2A00;
	s29 =	simm.s32 $0x5  }
0x7: {  	s30 =	simm.s32 $0x400;
	s31 =	simm.s32 $0x4;
	s4 =	sand.u32 $0x1, s4  }
0x8: {  	[smem:$0x7FF] =	sst s2;
	s7 =	sadd.s32 $0x3400, s0;
	s9 =	smul.u32 $0x5000, s11  }
0x9: {  	s10 =	sadd.s32 $0xD400, s0;
	s21 =	sshll.u32 s11, $0x6;
	s5 =	smul.u32 $0xA000, s4  }
0xa: {  	_ =	strace $0x8000004D;
	s19 =	ssub.s32 $0x2, s4;
	[dreg:$0x4] =	wrdreg s10  }
0xb: {  	p0 =	seq.s32 s4, $0x1;
	s4 =	simm.s32 $0xEA200;
	s8 =	sshrl.u32 s19, $0x1  }
0xc: {  	s22 =	sadd.s32 s9, s1;
	s9 =	sshrl.u32 s9, $0x3;
	s4 =	simm.s32 @!p0 $0xF4200  }
0xd: {  	s6 =	sadd.s32 s5, s0;
	s20 =	ssub.s32 s19, s8;
	s5 =	sor.u32 $0x1C09, s21  }
0xe: {  	s23 =	sadd.s32 s7, s9;
	s24 =	sadd.s32 s3, s9;
	s12 =	sadd.s32 $0x500, s9  }
0xf: {  	s0 =	sadd.s32 s4, s0;
	s13 =	sshrl.u32 s22, $0x3;
	s19 =	simm.s32 $0x1  }
0x10: {  	s21 =	simm.s32 $0x9000;
	s22 =	simm.s32 $0x2;
	[dreg:$0x5] =	wrdreg s23  }
0x11: {  	s4 =	simm.s32 $0x500;
	[dreg:$0x6] =	wrdreg s24;
	s8 =	sadd.s32 $0xD6200, s6  }
0x12: {  	s25 =	sadd.s32 s7, s12;
	s3 =	sadd.s32 s3, s12;
	s26 =	smax.u32 s20, $0x1  }
.Ltmp0:
0x13: {  	s0 =	sadd.s32 s0, s9;
	[dreg:$0x7] =	wrdreg s25;
	(pc) =	sbr.rel .LBB2_1-.Ltmp0, $4  }
0x14: {  	s23 =	simm.s32 $0x2900;
	s24 =	simm.s32 $0x300;
	[dreg:$0x8] =	wrdreg s3  }
0x15: {  	s6 =	simm.s32 $0x7;
	s7 =	simm.s32 $0x8;
	[dreg:$0x9] =	wrdreg s26  }
0x16: {  	s9 =	simm.s32 $0x0;
	[dreg:$0xa] =	wrdreg s0;
	s25 =	simm.s32 $0xB000  }
0x17: {  	s26 =	simm.s32 $0x3;
	s0 =	simm.s32 $0x2B00;
	s3 =	simm.s32 $0x6  }
.LBB2_7:
0x18: {  	_ =	swait.ge [sflag:s31], $0x2000  }
0x19: {  	[sflag:s31] =	ssyncset.done $0x0  }
0x1a: {  	[sflag:s31] =	ssyncadd.s32 $0xFFFFE000  }
0x1b: {  	[spmem:s1] =	stream.indirect.scatter.add.f32 [tilespmem:s25], [sflag:$0x8], $0x20, s12, s16, $0xb8;
	[tilespmem:$0x12000] =	vst v63  }
0x1c: {  	_ =	swait.ge [sflag:s3], $0x2000  }
0x1d: {  	[sflag:s3] =	ssyncset.done $0x0  }
0x1e: {  	[sflag:s3] =	ssyncadd.s32 $0xFFFFE000  }
0x1f: {  	_ =	swait.ge [sflag:s6], $0x2000  }
0x20: {  	[sflag:s6] =	ssyncset.done $0x0  }
0x21: {  	[sflag:s6] =	ssyncadd.s32 $0xFFFFE000  }
0x22: {  	_ =	swait.ge [sflag:s7], $0x2000  }
0x23: {  	[sflag:s7] =	ssyncset.done $0x0  }
0x24: {  	[sflag:s7] =	ssyncadd.s32 $0xFFFFE000  }
0x25: {  	[bflag:$0x0] =	sbarrier.arrive $0xFFFF  }
0x26: {  	s10 =	rddreg [dreg:$0xa]  }
0x27: {  	[hbm:s10], [sflag:s5] =	dma.local [spmem:s13], $0xA00  }
0x28: {  	_ =	swait.ge [sflag:s14], $0xA00  }
0x29: {  	s9 =	sadd.s32 $0x1, s9;
	s20 =	rddreg [dreg:$0x9]  }
0x2a: {  	p0 =	sne.s32 s9, s20  }
.Ltmp1:
0x2b: {  	_ = 	snop;
	(pc) =	sbr.rel @!p0 .LBB2_8-.Ltmp1, $3  }
0x2c: {  	_ =	sdelay $0x1  }
0x2d: {  	[sflag:s14] =	ssyncset.done $0x0  }
0x2e: {  	[sflag:s14] =	ssyncadd.s32 $0xFFFFF600  }
.LBB2_1:
0x2f: {  	s10 =	rddreg [dreg:$0x4]  }
0x30: {  	[spmem:s13], [sflag:s5] =	dma.local [hbm:s10], $0xA00  }
0x31: {  	_ =	swait.ge [sflag:s14], $0xA00  }
0x32: {  	[sflag:s14] =	ssyncset.done $0x0  }
0x33: {  	[sflag:s14] =	ssyncadd.s32 $0xFFFFF600  }
0x34: {  	[bflag:$0x0] =	sbarrier.arrive $0xFFFF  }
0x35: {  	s11 =	rddreg [dreg:$0x5]  }
0x36: {  	[tilespmem:s2], [sflag:$0x9] =	stream.linear.gather [hbm4b:s11+s2], $0x2800, $0x38;
	[tilespmem:$0x12000] =	vst v63  }
0x37: {  	_ =	swait.ge [sflag:s14], $0x2800  }
0x38: {  	[sflag:s14] =	ssyncset.done $0x0  }
0x39: {  	s12 =	rddreg [dreg:$0x6];
	[sflag:s14] =	ssyncadd.s32 $0xFFFFD800  }
0x3a: {  	[tilespmem:s15], [sflag:$0x9] =	stream.linear.gather [hbm4b:s12+s2], $0x2800, $0x38;
	[tilespmem:$0x12000] =	vst v63  }
0x3b: {  	_ =	swait.ge [sflag:s14], $0x2800  }
0x3c: {  	[sflag:s14] =	ssyncset.done $0x0  }
0x3d: {  	[sflag:s14] =	ssyncadd.s32 $0xFFFFD800  }
0x3e: {  	[tilespmem:s17], [sflag:$0x1] =	stream.indirect.gather [hbm4b:s8+s16], $0x20, s2, s16, $0xb8;
	[tilespmem:$0x12000] =	vst v63  }
0x3f: {  	_ = 	snop  }
0x40: {  	[tilespmem:s18], [sflag:$0x2] =	stream.indirect.gather [hbm4b:s8+s16], $0x20, s16, s16, $0xb8;
	[tilespmem:$0x12000] =	vst v63  }
0x41: {  	_ =	swait.ge [sflag:s19], $0x2000  }
0x42: {  	[sflag:s19] =	ssyncset.done $0x0  }
0x43: {  	[sflag:s19] =	ssyncadd.s32 $0xFFFFE000  }
0x44: {  	[spmem:s1] =	stream.indirect.scatter.add.f32 [tilespmem:s17], [sflag:$0x5], $0x20, s15, s16, $0xb8;
	[tilespmem:$0x12000] =	vst v63  }
0x45: {  	s20 =	simm.s32 $0x200  }
0x46: {  	[tilespmem:s21], [sflag:$0x3] =	stream.indirect.gather [hbm4b:s8+s16], $0x20, s20, s16, $0xb8;
	[tilespmem:$0x12000] =	vst v63  }
0x47: {  	_ =	swait.ge [sflag:s22], $0x2000  }
0x48: {  	[sflag:s22] =	ssyncset.done $0x0  }
0x49: {  	[sflag:s22] =	ssyncadd.s32 $0xFFFFE000  }
0x4a: {  	[spmem:s1] =	stream.indirect.scatter.add.f32 [tilespmem:s18], [sflag:$0x6], $0x20, s23, s16, $0xb8;
	[tilespmem:$0x12000] =	vst v63  }
0x4b: {  	_ = 	snop  }
0x4c: {  	[tilespmem:s25], [sflag:$0x4] =	stream.indirect.gather [hbm4b:s8+s16], $0x20, s24, s16, $0xb8;
	[tilespmem:$0x12000] =	vst v63  }
0x4d: {  	_ =	swait.ge [sflag:s26], $0x2000  }
0x4e: {  	[sflag:s26] =	ssyncset.done $0x0  }
0x4f: {  	[sflag:s26] =	ssyncadd.s32 $0xFFFFE000  }
0x50: {  	[spmem:s1] =	stream.indirect.scatter.add.f32 [tilespmem:s21], [sflag:$0x7], $0x20, s28, s16, $0xb8;
	[tilespmem:$0x12000] =	vst v63  }
0x51: {  	_ =	swait.ge [sflag:s29], $0x2000  }
0x52: {  	[sflag:s29] =	ssyncset.done $0x0  }
0x53: {  	[sflag:s29] =	ssyncadd.s32 $0xFFFFE000  }
0x54: {  	[tilespmem:s17], [sflag:$0x1] =	stream.indirect.gather [hbm4b:s8+s16], $0x20, s30, s16, $0xb8;
	[tilespmem:$0x12000] =	vst v63  }
0x55: {  	_ =	swait.ge [sflag:s31], $0x2000  }
0x56: {  	[sflag:s31] =	ssyncset.done $0x0  }
0x57: {  	[sflag:s31] =	ssyncadd.s32 $0xFFFFE000  }
0x58: {  	[spmem:s1] =	stream.indirect.scatter.add.f32 [tilespmem:s25], [sflag:$0x8], $0x20, s0, s16, $0xb8;
	[tilespmem:$0x12000] =	vst v63  }
0x59: {  	_ =	swait.ge [sflag:s3], $0x2000  }
0x5a: {  	[sflag:s3] =	ssyncset.done $0x0  }
0x5b: {  	s10 =	simm.s32 $0x0;
	[sflag:s3] =	ssyncadd.s32 $0xFFFFE000  }
0x5c: {  	[tilespmem:s18], [sflag:$0x2] =	stream.indirect.gather [hbm4b:s8+s16], $0x20, s4, s16, $0xb8;
	[tilespmem:$0x12000] =	vst v63  }
.LBB2_2:
0x5d: {  	_ =	swait.ge [sflag:s19], $0x2000  }
0x5e: {  	s11 =	sshra.s32 s10, $0x2;
	[sflag:s19] =	ssyncset.done $0x0  }
0x5f: {  	s12 =	sadd.s32 $0x2C00, s11;
	[sflag:s19] =	ssyncadd.s32 $0xFFFFE000  }
0x60: {  	[spmem:s1] =	stream.indirect.scatter.add.f32 [tilespmem:s17], [sflag:$0x5], $0x20, s12, s16, $0xb8;
	[tilespmem:$0x12000] =	vst v63  }
0x61: {  	_ =	swait.ge [sflag:s6], $0x2000  }
0x62: {  	[sflag:s6] =	ssyncset.done $0x0  }
0x63: {  	s20 =	sadd.s32 $0x600, s11;
	[sflag:s6] =	ssyncadd.s32 $0xFFFFE000  }
0x64: {  	[tilespmem:s21], [sflag:$0x3] =	stream.indirect.gather [hbm4b:s8+s16], $0x20, s20, s16, $0xb8;
	[tilespmem:$0x12000] =	vst v63  }
0x65: {  	_ =	swait.ge [sflag:s22], $0x2000  }
0x66: {  	[sflag:s22] =	ssyncset.done $0x0  }
0x67: {  	s20 =	sadd.s32 $0x2D00, s11;
	[sflag:s22] =	ssyncadd.s32 $0xFFFFE000  }
0x68: {  	[spmem:s1] =	stream.indirect.scatter.add.f32 [tilespmem:s18], [sflag:$0x6], $0x20, s20, s16, $0xb8;
	[tilespmem:$0x12000] =	vst v63  }
0x69: {  	_ =	swait.ge [sflag:s7], $0x2000  }
0x6a: {  	[sflag:s7] =	ssyncset.done $0x0  }
0x6b: {  	s20 =	sadd.s32 $0x700, s11;
	[sflag:s7] =	ssyncadd.s32 $0xFFFFE000  }
0x6c: {  	[tilespmem:s25], [sflag:$0x4] =	stream.indirect.gather [hbm4b:s8+s16], $0x20, s20, s16, $0xb8;
	[tilespmem:$0x12000] =	vst v63  }
0x6d: {  	_ =	swait.ge [sflag:s26], $0x2000  }
0x6e: {  	p0 =	seq.s32 s10, $0x8000;
	[sflag:s26] =	ssyncset.done $0x0  }
.Ltmp2:
0x6f: {  	s20 =	sadd.s32 $0x2E00, s11;
	[sflag:s26] =	ssyncadd.s32 $0xFFFFE000;
	(pc) =	sbr.rel @p0 .LBB2_4-.Ltmp2, $4  }
0x70: {  	[spmem:s1] =	stream.indirect.scatter.add.f32 [tilespmem:s21], [sflag:$0x7], $0x20, s20, s16, $0xb8;
	[tilespmem:$0x12000] =	vst v63  }
0x71: {  	_ =	swait.ge [sflag:s29], $0x2000  }
0x72: {  	[sflag:s29] =	ssyncset.done $0x0  }
0x73: {  	s12 =	sadd.s32 $0x2F00, s11;
	[sflag:s29] =	ssyncadd.s32 $0xFFFFE000  }
0x74: {  	s20 =	sadd.s32 $0x800, s11  }
0x75: {  	[tilespmem:s17], [sflag:$0x1] =	stream.indirect.gather [hbm4b:s8+s16], $0x20, s20, s16, $0xb8;
	[tilespmem:$0x12000] =	vst v63  }
0x76: {  	_ =	swait.ge [sflag:s31], $0x2000  }
0x77: {  	[sflag:s31] =	ssyncset.done $0x0  }
0x78: {  	[sflag:s31] =	ssyncadd.s32 $0xFFFFE000  }
0x79: {  	[spmem:s1] =	stream.indirect.scatter.add.f32 [tilespmem:s25], [sflag:$0x8], $0x20, s12, s16, $0xb8;
	[tilespmem:$0x12000] =	vst v63  }
.Ltmp3:
0x7a: {  	_ = 	snop;
	(pc) =	sbr.rel .LBB2_2-.Ltmp3, $4  }
0x7b: {  	_ =	swait.ge [sflag:s3], $0x2000  }
0x7c: {  	[sflag:s3] =	ssyncset.done $0x0  }
0x7d: {  	s10 =	sadd.s32 $0x1000, s10;
	s20 =	sadd.s32 $0x900, s11;
	[sflag:s3] =	ssyncadd.s32 $0xFFFFE000  }
0x7e: {  	[tilespmem:s18], [sflag:$0x2] =	stream.indirect.gather [hbm4b:s8+s16], $0x20, s20, s16, $0xb8;
	[tilespmem:$0x12000] =	vst v63  }
.LBB2_4:
0x7f: {  	_ =	swait.ge [sflag:s31], $0x2000  }
0x80: {  	[sflag:s31] =	ssyncset.done $0x0  }
0x81: {  	[sflag:s31] =	ssyncadd.s32 $0xFFFFE000  }
0x82: {  	[spmem:s1] =	stream.indirect.scatter.add.f32 [tilespmem:s25], [sflag:$0x8], $0x20, s12, s16, $0xb8;
	[tilespmem:$0x12000] =	vst v63  }
0x83: {  	_ =	swait.ge [sflag:s3], $0x2000  }
0x84: {  	[sflag:s3] =	ssyncset.done $0x0  }
0x85: {  	[sflag:s3] =	ssyncadd.s32 $0xFFFFE000  }
0x86: {  	_ =	swait.ge [sflag:s6], $0x2000  }
0x87: {  	[sflag:s6] =	ssyncset.done $0x0  }
0x88: {  	[sflag:s6] =	ssyncadd.s32 $0xFFFFE000  }
0x89: {  	_ =	swait.ge [sflag:s7], $0x2000  }
0x8a: {  	[sflag:s7] =	ssyncset.done $0x0  }
0x8b: {  	s10 =	simm.s32 $0x0;
	s11 =	rddreg [dreg:$0x7];
	[sflag:s7] =	ssyncadd.s32 $0xFFFFE000  }
0x8c: {  	[tilespmem:s10], [sflag:$0x9] =	stream.linear.gather [hbm4b:s11+s10], $0x2800, $0x38;
	[tilespmem:$0x12000] =	vst v63  }
0x8d: {  	_ =	swait.ge [sflag:s14], $0x2800  }
0x8e: {  	[sflag:s14] =	ssyncset.done $0x0  }
0x8f: {  	s12 =	rddreg [dreg:$0x8];
	[sflag:s14] =	ssyncadd.s32 $0xFFFFD800  }
0x90: {  	[tilespmem:s15], [sflag:$0x9] =	stream.linear.gather [hbm4b:s12+s10], $0x2800, $0x38;
	[tilespmem:$0x12000] =	vst v63  }
0x91: {  	_ =	swait.ge [sflag:s14], $0x2800  }
0x92: {  	[sflag:s14] =	ssyncset.done $0x0  }
0x93: {  	[sflag:s14] =	ssyncadd.s32 $0xFFFFD800  }
0x94: {  	[tilespmem:s17], [sflag:$0x1] =	stream.indirect.gather [hbm4b:s8+s16], $0x20, s10, s16, $0xb8;
	[tilespmem:$0x12000] =	vst v63  }
0x95: {  	_ = 	snop  }
0x96: {  	[tilespmem:s18], [sflag:$0x2] =	stream.indirect.gather [hbm4b:s8+s16], $0x20, s16, s16, $0xb8;
	[tilespmem:$0x12000] =	vst v63  }
0x97: {  	_ =	swait.ge [sflag:s19], $0x2000  }
0x98: {  	[sflag:s19] =	ssyncset.done $0x0  }
0x99: {  	[sflag:s19] =	ssyncadd.s32 $0xFFFFE000  }
0x9a: {  	[spmem:s1] =	stream.indirect.scatter.add.f32 [tilespmem:s17], [sflag:$0x5], $0x20, s15, s16, $0xb8;
	[tilespmem:$0x12000] =	vst v63  }
0x9b: {  	s20 =	simm.s32 $0x200  }
0x9c: {  	[tilespmem:s21], [sflag:$0x3] =	stream.indirect.gather [hbm4b:s8+s16], $0x20, s20, s16, $0xb8;
	[tilespmem:$0x12000] =	vst v63  }
0x9d: {  	_ =	swait.ge [sflag:s22], $0x2000  }
0x9e: {  	[sflag:s22] =	ssyncset.done $0x0  }
0x9f: {  	[sflag:s22] =	ssyncadd.s32 $0xFFFFE000  }
0xa0: {  	[spmem:s1] =	stream.indirect.scatter.add.f32 [tilespmem:s18], [sflag:$0x6], $0x20, s23, s16, $0xb8;
	[tilespmem:$0x12000] =	vst v63  }
0xa1: {  	_ = 	snop  }
0xa2: {  	[tilespmem:s25], [sflag:$0x4] =	stream.indirect.gather [hbm4b:s8+s16], $0x20, s24, s16, $0xb8;
	[tilespmem:$0x12000] =	vst v63  }
0xa3: {  	_ =	swait.ge [sflag:s26], $0x2000  }
0xa4: {  	[sflag:s26] =	ssyncset.done $0x0  }
0xa5: {  	[sflag:s26] =	ssyncadd.s32 $0xFFFFE000  }
0xa6: {  	[spmem:s1] =	stream.indirect.scatter.add.f32 [tilespmem:s21], [sflag:$0x7], $0x20, s28, s16, $0xb8;
	[tilespmem:$0x12000] =	vst v63  }
0xa7: {  	_ =	swait.ge [sflag:s29], $0x2000  }
0xa8: {  	[sflag:s29] =	ssyncset.done $0x0  }
0xa9: {  	[sflag:s29] =	ssyncadd.s32 $0xFFFFE000  }
0xaa: {  	[tilespmem:s17], [sflag:$0x1] =	stream.indirect.gather [hbm4b:s8+s16], $0x20, s30, s16, $0xb8;
	[tilespmem:$0x12000] =	vst v63  }
0xab: {  	_ =	swait.ge [sflag:s31], $0x2000  }
0xac: {  	[sflag:s31] =	ssyncset.done $0x0  }
0xad: {  	[sflag:s31] =	ssyncadd.s32 $0xFFFFE000  }
0xae: {  	[spmem:s1] =	stream.indirect.scatter.add.f32 [tilespmem:s25], [sflag:$0x8], $0x20, s0, s16, $0xb8;
	[tilespmem:$0x12000] =	vst v63  }
0xaf: {  	_ =	swait.ge [sflag:s3], $0x2000  }
0xb0: {  	[sflag:s3] =	ssyncset.done $0x0  }
0xb1: {  	[sflag:s3] =	ssyncadd.s32 $0xFFFFE000  }
0xb2: {  	[tilespmem:s18], [sflag:$0x2] =	stream.indirect.gather [hbm4b:s8+s16], $0x20, s4, s16, $0xb8;
	[tilespmem:$0x12000] =	vst v63  }
.LBB2_5:
0xb3: {  	_ =	swait.ge [sflag:s19], $0x2000  }
0xb4: {  	s11 =	sshra.s32 s10, $0x2;
	[sflag:s19] =	ssyncset.done $0x0  }
0xb5: {  	s12 =	sadd.s32 $0x2C00, s11;
	[sflag:s19] =	ssyncadd.s32 $0xFFFFE000  }
0xb6: {  	[spmem:s1] =	stream.indirect.scatter.add.f32 [tilespmem:s17], [sflag:$0x5], $0x20, s12, s16, $0xb8;
	[tilespmem:$0x12000] =	vst v63  }
0xb7: {  	_ =	swait.ge [sflag:s6], $0x2000  }
0xb8: {  	[sflag:s6] =	ssyncset.done $0x0  }
0xb9: {  	s20 =	sadd.s32 $0x600, s11;
	[sflag:s6] =	ssyncadd.s32 $0xFFFFE000  }
0xba: {  	[tilespmem:s21], [sflag:$0x3] =	stream.indirect.gather [hbm4b:s8+s16], $0x20, s20, s16, $0xb8;
	[tilespmem:$0x12000] =	vst v63  }
0xbb: {  	_ =	swait.ge [sflag:s22], $0x2000  }
0xbc: {  	[sflag:s22] =	ssyncset.done $0x0  }
0xbd: {  	s20 =	sadd.s32 $0x2D00, s11;
	[sflag:s22] =	ssyncadd.s32 $0xFFFFE000  }
0xbe: {  	[spmem:s1] =	stream.indirect.scatter.add.f32 [tilespmem:s18], [sflag:$0x6], $0x20, s20, s16, $0xb8;
	[tilespmem:$0x12000] =	vst v63  }
0xbf: {  	_ =	swait.ge [sflag:s7], $0x2000  }
0xc0: {  	[sflag:s7] =	ssyncset.done $0x0  }
0xc1: {  	s20 =	sadd.s32 $0x700, s11;
	[sflag:s7] =	ssyncadd.s32 $0xFFFFE000  }
0xc2: {  	[tilespmem:s25], [sflag:$0x4] =	stream.indirect.gather [hbm4b:s8+s16], $0x20, s20, s16, $0xb8;
	[tilespmem:$0x12000] =	vst v63  }
0xc3: {  	_ =	swait.ge [sflag:s26], $0x2000  }
0xc4: {  	p0 =	seq.s32 s10, $0x8000;
	[sflag:s26] =	ssyncset.done $0x0  }
.Ltmp4:
0xc5: {  	s20 =	sadd.s32 $0x2E00, s11;
	[sflag:s26] =	ssyncadd.s32 $0xFFFFE000;
	(pc) =	sbr.rel @p0 .LBB2_7-.Ltmp4, $4  }
0xc6: {  	[spmem:s1] =	stream.indirect.scatter.add.f32 [tilespmem:s21], [sflag:$0x7], $0x20, s20, s16, $0xb8;
	[tilespmem:$0x12000] =	vst v63  }
0xc7: {  	_ =	swait.ge [sflag:s29], $0x2000  }
0xc8: {  	[sflag:s29] =	ssyncset.done $0x0  }
0xc9: {  	s12 =	sadd.s32 $0x2F00, s11;
	[sflag:s29] =	ssyncadd.s32 $0xFFFFE000  }
0xca: {  	s20 =	sadd.s32 $0x800, s11  }
0xcb: {  	[tilespmem:s17], [sflag:$0x1] =	stream.indirect.gather [hbm4b:s8+s16], $0x20, s20, s16, $0xb8;
	[tilespmem:$0x12000] =	vst v63  }
0xcc: {  	_ =	swait.ge [sflag:s31], $0x2000  }
0xcd: {  	[sflag:s31] =	ssyncset.done $0x0  }
0xce: {  	[sflag:s31] =	ssyncadd.s32 $0xFFFFE000  }
0xcf: {  	[spmem:s1] =	stream.indirect.scatter.add.f32 [tilespmem:s25], [sflag:$0x8], $0x20, s12, s16, $0xb8;
	[tilespmem:$0x12000] =	vst v63  }
.Ltmp5:
0xd0: {  	_ = 	snop;
	(pc) =	sbr.rel .LBB2_5-.Ltmp5, $4  }
0xd1: {  	_ =	swait.ge [sflag:s3], $0x2000  }
0xd2: {  	[sflag:s3] =	ssyncset.done $0x0  }
0xd3: {  	s10 =	sadd.s32 $0x1000, s10;
	s20 =	sadd.s32 $0x900, s11;
	[sflag:s3] =	ssyncadd.s32 $0xFFFFE000  }
0xd4: {  	[tilespmem:s18], [sflag:$0x2] =	stream.indirect.gather [hbm4b:s8+s16], $0x20, s20, s16, $0xb8;
	[tilespmem:$0x12000] =	vst v63  }
.LBB2_8:
0xd5: {  	_ =	sfence.sel $0x180000  }
0xd6: {  	[bflag:$0x0] =	sbarrier.arrive $0xFFFF  }
0xd7: {  	_ =	strace $0x9000004D  }
0xd8: {  	s0 =	stileid.u32;
	[bflag:$0x2] =	sbarrier.arrive $0xFFFF  }
0xd9: {  	p0 =	sne.s32 s0, $0x0;
	s0 =	rddreg [dreg:$0x3]  }
0xda: {  	s0 =	sadd.s32 @!p0 $0x100000, s0  }
0xdb: {  	[sflag:s0] =	ssyncadd.tile.s32 @!p0 $0x1;
	_ =	shalt  }
.Lfunc_end2:
_tile_overlayer_lowered:
.L_overlay_start_2:
0xdc: {  	(tag) =	ssettag $0x2  }
0xdd: {  	s0 =	rddreg [dreg:$0x0];
	s2 =	stileid.u32  }
0xde: {  	s1 =	rddreg [dreg:$0x1];
	p0 =	sne.s32 s2, $0x0  }
0xdf: {  	s3 =	rddreg [dreg:$0x2];
	[bflag:$0x3] =	sbarrier.arrive $0xFFFF;
	s2 =	simm.s32 @!p0 $0x1C09  }
0xe0: {  	[timem:s3], [sflag:s2] =	dma.local @!p0 [hbm:s0], s1  }
0xe1: {  	s0 =	simm.s32 @!p0 $0x9  }
0xe2: {  	_ =	swait.ge @!p0 [sflag:s0], s1  }
0xe3: {  	s1 =	ssub.s32 @!p0 $0x0, s1;
	[sflag:s0] =	ssyncset.done @!p0 $0x0  }
0xe4: {  	[sflag:s0] =	ssyncadd.s32 @!p0 s1  }
0xe5: {  	[bflag:$0x3] =	sbarrier.arrive $0xFFFF  }
0xe6: {  	_ =	shalt  }

// kernel: kernel.9.cloned.1.call-start
scs
__scs_entry_jumppad:
0x0: {  	(pc) =	sbr.rel $0x88, $3  }
0x1: {  	(tag) =	ssettag $0x0;
	lr =	simm.s32 $0x1  }
0x2: {  	[smem:$0x3F97] =	sst lr;
	_ =	strace $0xD0000000  }
0x3: {  	_ = 	snop  }
0x4: {  	_ = 	snop  }
0x5: {  	_ = 	snop  }
0x6: {  	_ = 	snop  }
0x7: {  	_ = 	snop  }
__scs_overlays_trampoline_lowered:
0x8: {  	[smem:$0x3FA6] =	sst s0  }
0x9: {  	[smem:$0x3FA7] =	sst s1  }
0xa: {  	[smem:$0x3FA8] =	sst s2  }
0xb: {  	[smem:$0x3FA9] =	sst s3  }
0xc: {  	[smem:$0x3FAA] =	sst s4  }
0xd: {  	[smem:$0x3FAB] =	sst s5  }
0xe: {  	[smem:$0x3FAC] =	sst s6  }
0xf: {  	[smem:$0x3FAD] =	sst s7  }
0x10: {  	[smem:$0x3FAE] =	sst s8  }
0x11: {  	[smem:$0x3FAF] =	sst s9;
	s0 =	simm.s32 @!p0 $0x0  }
0x12: {  	s1 =	sld [smem:$0x3F95];
	s0 =	simm.s32 @p0 $0x1  }
0x13: {  	[smem:$0x3FB0] =	sst s0;
	s0 =	simm.s32 @!p1 $0x0  }
0x14: {  	s2 =	sld [smem:$0x3F94];
	s0 =	simm.s32 @p1 $0x1  }
0x15: {  	[smem:$0x3FB1] =	sst s0;
	s0 =	simm.s32 @!p2 $0x0  }
0x16: {  	s3 =	sld [smem:$0x3FDB];
	s0 =	simm.s32 @p2 $0x1  }
0x17: {  	s4 =	simm.s32 $0x1BF5;
	[smem:$0x3FB3] =	sst s0  }
0x18: {  	s0 =	sld [smem:$0x3F96];
	_ =	swait.ge [sflag:s4], $0x0  }
0x19: {  	s7 =	sld [smem:$0x3F97]  }
0x1a: {  	s8 =	sadd.s32 $0xFFFFE003, lr  }
0x1b: {  	s9 =	sadd.s32 $0xFFFFFEF7, lr;
	s5 =	simm.s32 $0xFFFFFFFF;
	p2 =	slt.u32 s8, $0xFFFFF086  }
0x1c: {  	p1 =	slt.u32 s9, $0xF7A;
	s5 =	simm.s32 @!p2 $0x0  }
0x1d: {  	s5 =	simm.s32 @p1 $0x1;
	p0 =	seq.s32 s7, s2  }
0x1e: {  	s7 =	smul.u32 @!p0 $0xF7A, s2;
	p2 =	seq.s32 @!p0 s5, $0x0  }
0x1f: {  	s9 =	smul.u32 $0xF7A, s1;
	s8 =	simm.s32 @!p0 $0x1BF5;
	p2 =	por !p2, p0  }
0x20: {  	[sflag:s8] =	ssyncset.s32 @!p0 $0xFFFFF086;
	s6 =	sadd.s32 @!p0 s3, s7;
	s7 =	simm.s32 @!p0 $0x108  }
0x21: {  	s3 =	sadd.s32 s3, s9;
	s6 =	sadd.s32 @!p0 $0x88, s6;
	s7 =	simm.s32 @p2 $0x1082  }
0x22: {  	[simem:s7], [sflag:s8] =	dma.local @!p0 [hbm:s6], $0xF7A  }
0x23: {  	s9 =	sor.u32 $0xD0000000, s2;
	s6 =	simm.s32 $0x108;
	_ =	swait.ge @!p0 [sflag:s8], $0x0  }
0x24: {  	s3 =	sadd.s32 $0x88, s3;
	s6 =	simm.s32 @!p1 $0x1082;
	[sflag:s4] =	ssyncset.s32 $0xFFFFF086  }
0x25: {  	[simem:s6], [sflag:s4] =	dma.local [hbm:s3], $0xF7A  }
0x26: {  	[smem:$0x3F97] =	sst s1;
	(tag) =	ssettag s2;
	_ =	strace s9  }
0x27: {  	s1 =	sld [smem:$0x3FA7]  }
0x28: {  	s2 =	sld [smem:$0x3FA8]  }
0x29: {  	s4 =	sld [smem:$0x3FAA]  }
0x2a: {  	p0 =	seq.s32 s5, $0x0;
	s5 =	sld [smem:$0x3FAB]  }
0x2b: {  	s6 =	sld [smem:$0x3FAC]  }
0x2c: {  	s7 =	sld [smem:$0x3FAD]  }
0x2d: {  	s3 =	simm.s32 $0x108;
	s8 =	sld [smem:$0x3FAE]  }
0x2e: {  	s3 =	simm.s32 @!p0 $0x1082;
	s9 =	sld [smem:$0x3FAF]  }
0x2f: {  	lr =	sadd.s32 s0, s3;
	s0 =	sld [smem:$0x3FA6]  }
0x30: {  	s3 =	sld [smem:$0x3FA9]  }
0x31: {  	[smem:$0x3FB2] =	sst s10  }
0x32: {  	s10 =	sld [smem:$0x3FB0];
	_ =	sdelay $0x3  }
0x33: {  	p0 =	seq.s32 s10, $0x1;
	s10 =	sld [smem:$0x3FB2];
	_ =	sdelay $0x3  }
0x34: {  	[smem:$0x3FB2] =	sst s10  }
0x35: {  	s10 =	sld [smem:$0x3FB1];
	_ =	sdelay $0x3  }
0x36: {  	p1 =	seq.s32 s10, $0x1;
	s10 =	sld [smem:$0x3FB2];
	_ =	sdelay $0x3  }
0x37: {  	[smem:$0x3FB2] =	sst s10  }
0x38: {  	s10 =	sld [smem:$0x3FB3]  }
0x39: {  	_ = 	snop;
	(pc) =	sbr.ind lr, $3  }
0x3a: {  	_ = 	snop  }
0x3b: {  	_ = 	snop  }
0x3c: {  	p2 =	seq.s32 s10, $0x1;
	s10 =	sld [smem:$0x3FB2]  }
0x3d: {  	_ =	shalt  }
0x3e: {  	_ =	shalt  }
0x3f: {  	_ =	shalt  }
0x40: {  	_ =	shalt  }
0x41: {  	_ =	shalt  }
0x42: {  	_ =	shalt  }
0x43: {  	_ =	shalt  }
0x44: {  	_ =	shalt  }
0x45: {  	_ =	shalt  }
0x46: {  	_ =	shalt  }
0x47: {  	_ =	shalt  }
0x48: {  	_ =	shalt  }
0x49: {  	_ =	shalt  }
0x4a: {  	_ =	shalt  }
0x4b: {  	_ =	shalt  }
0x4c: {  	_ =	shalt  }
0x4d: {  	_ =	shalt  }
0x4e: {  	_ =	shalt  }
0x4f: {  	_ =	shalt  }
0x50: {  	_ =	shalt  }
0x51: {  	_ =	shalt  }
0x52: {  	_ =	shalt  }
0x53: {  	_ =	shalt  }
0x54: {  	_ =	shalt  }
0x55: {  	_ =	shalt  }
0x56: {  	_ =	shalt  }
0x57: {  	_ =	shalt  }
0x58: {  	_ =	shalt  }
0x59: {  	_ =	shalt  }
0x5a: {  	_ =	shalt  }
0x5b: {  	_ =	shalt  }
0x5c: {  	_ =	shalt  }
0x5d: {  	_ =	shalt  }
0x5e: {  	_ =	shalt  }
0x5f: {  	_ =	shalt  }
0x60: {  	_ =	shalt  }
0x61: {  	_ =	shalt  }
0x62: {  	_ =	shalt  }
0x63: {  	_ =	shalt  }
0x64: {  	_ =	shalt  }
0x65: {  	_ =	shalt  }
0x66: {  	_ =	shalt  }
0x67: {  	_ =	shalt  }
0x68: {  	_ =	shalt  }
0x69: {  	_ =	shalt  }
0x6a: {  	_ =	shalt  }
0x6b: {  	_ =	shalt  }
0x6c: {  	_ =	shalt  }
0x6d: {  	_ =	shalt  }
0x6e: {  	_ =	shalt  }
0x6f: {  	_ =	shalt  }
0x70: {  	_ =	shalt  }
0x71: {  	_ =	shalt  }
0x72: {  	_ =	shalt  }
0x73: {  	_ =	shalt  }
0x74: {  	_ =	shalt  }
0x75: {  	_ =	shalt  }
0x76: {  	_ =	shalt  }
0x77: {  	_ =	shalt  }
0x78: {  	_ =	shalt  }
0x79: {  	_ =	shalt  }
0x7a: {  	_ =	shalt  }
0x7b: {  	_ =	shalt  }
0x7c: {  	_ =	shalt  }
0x7d: {  	_ =	shalt  }
0x7e: {  	_ =	shalt  }
0x7f: {  	_ =	shalt  }
0x80: {  	_ =	shalt  }
0x81: {  	_ =	shalt  }
0x82: {  	_ =	shalt  }
0x83: {  	_ =	shalt  }
0x84: {  	_ =	shalt  }
0x85: {  	_ =	shalt  }
0x86: {  	_ =	shalt  }
0x87: {  	_ =	shalt  }
.Lfunc_end0:
.L_simem_size_0:
called_computation_lowered:
.L_overlay_start_0:
0x88: {  	s2 =	sld [smem:$0x3FD9]  }
0x89: {  	s3 =	sld [smem:$0x3FFE];
	_ =	sdelay $0x1  }
0x8a: {  	s1 =	srdreg.scid  }
0x8b: {  	s0 =	sand.u32 $0x1, s1  }
0x8c: {  	s17 =	sshll.u32 s0, $0xA;
	s2 =	sadd.s32 s3, s2  }
0x8d: {  	s2 =	sadd.s32 s2, s17  }
0x8e: {  	[smem:$0x3FBE] =	sst s2  }
0x8f: {  	_ = 	snop  }
0x90: {  	s2 =	sld [smem:$0x3FD0];
	(tm) =	ssettm $0x1  }
0x91: {  	s18 =	sld [smem:$0x3FFB];
	_ =	sdelay $0x3  }
0x92: {  	_ =	strace s18  }
0x93: {  	s3 =	sld [smem:$0x3FFC];
	_ =	sdelay $0x3  }
0x94: {  	_ =	strace s3  }
0x95: {  	s3 =	sld [smem:$0x3FFD];
	_ =	sdelay $0x3  }
0x96: {  	_ =	strace s3  }
0x97: {  	_ =	strace $0x8FFFFFFF  }
0x98: {  	s19 =	sld [smem:$0x3FDB];
	_ =	sdelay $0x1  }
0x99: {  	s4 =	simm.s32 $_scs_section_size  }
0x9a: {  	s5 =	simm.s32 $_size__tile_overlayer_lowered;
	s6 =	simm.s32 $_tile_overlayer_lowered  }
0x9b: {  	s22 =	simm.s32 $0x1BFF;
	s21 =	sshll.u32 s6, $0x1;
	s3 =	sadd.s32 s4, s19  }
0x9c: {  	s7 =	simm.s32 $0x0;
	s20 =	sshll.u32 s5, $0x1;
	s5 =	sadd.s32 s21, s3  }
0x9d: {  	[timem:s7], [sflag:s22] =	dma.local [hbm:s5], s20  }
0x9e: {  	_ =	swait.ge [sflag:s22], s20  }
0x9f: {  	s4 =	ssub.s32 $0x0, s20;
	[sflag:s22] =	ssyncset.done $0x0  }
0xa0: {  	[sflag:s22] =	ssyncadd.s32 s4;
	_ =	sdelay $0x1  }
0xa1: {  	s23 =	simm.s32 $0x1B8B  }
0xa2: {  	_ =	swait.ge [sflag:s23], $0x1  }
0xa3: {  	[sflag:s23] =	ssyncset.done $0x0  }
0xa4: {  	s25 =	simm.s32 $0x1B8E;
	s24 =	sld [smem:$0x3FFE];
	[sflag:s23] =	ssyncadd.s32 $0xFFFFFFFF  }
0xa5: {  	s26 =	simm.s32 $execute0_lowered;
	[smem:$0x3FD2] =	sst s25  }
0xa6: {  	s5 =	sshll.u32 s26, $0x1;
	_ =	strace $0x80000046;
	[dreg:$0x1] =	wrdreg $0xFFFFFFFF  }
0xa7: {  	s28 =	simm.s32 $_size_execute0_lowered;
	s3 =	sadd.s32 s3, s5;
	[dreg:$0x0] =	wrdreg $0x0  }
0xa8: {  	s5 =	sshll.u32 s28, $0x1;
	[dreg:$0x2] =	wrdreg s3  }
0xa9: {  	[dreg:$0x3] =	wrdreg s5  }
0xaa: {  	[dreg:$0x4] =	wrdreg $0xC0  }
0xab: {  	_ =	task [dreg:s7], $0x5FFFF  }
0xac: {  	[dreg:$0x1] =	wrdreg $0xFFFFFFFF  }
0xad: {  	[dreg:$0x0] =	wrdreg $0x60  }
0xae: {  	[dreg:$0x2] =	wrdreg s2  }
0xaf: {  	[dreg:$0x3] =	wrdreg s24  }
0xb0: {  	[dreg:$0x4] =	wrdreg $0x15000  }
0xb1: {  	[dreg:$0x5] =	wrdreg $0x9  }
0xb2: {  	_ =	task.clear_ibuf [dreg:s7], $0x6FFFF;
	_ =	strace $0x90000046  }
0xb3: {  	s29 =	simm.s32 $0x9;
	_ =	strace $0x80000048  }
0xb4: {  	_ =	swait.ge [sflag:s29], $0x1  }
0xb5: {  	[sflag:s29] =	ssyncadd.s32 $0xFFFFFFFF  }
0xb6: {  	_ =	strace $0x90000048  }
0xb7: {  	_ =	sfence  }
0xb8: {  	s30 =	sld [smem:$0x0];
	_ =	sdelay $0x2  }
0xb9: {  	s31 =	sshll.u32 s1, $0xD;
	s1 =	sshrl.u32 s1, $0x2  }
0xba: {  	s3 =	sand.u32 $0x4000, s31;
	s1 =	sadd.s32 s1, s30  }
0xbb: {  	s0 =	sor.u32 s3, s0;
	s1 =	sshll.u32 s1, $0x11  }
0xbc: {  	s0 =	sor.u32 s1, s0  }
0xbd: {  	s0 =	sadd.s32 $0x8F2B, s0  }
0xbe: {  	[sflag:s0] =	ssyncadd.remote.s32 $0x1  }
0xbf: {  	_ =	sfence.sel $0xFFFF  }
0xc0: {  	[dreg:$0x0] =	wrdreg $0xFFFFFFFF;
	(pc) =	sbr.abs _section_cstart, $3  }
0xc1: {  	[dreg:$0x1] =	wrdreg $0xFFFFFFFF  }
0xc2: {  	_ =	task.clear_ibuf [dreg:s7], $0x2FFFF;
	_ =	strace $0x9FFFFFFF  }
0xc3: {  	(tm) =	ssettm $0x7FFFFFFF  }
tec
execute0_lowered:
.L_overlay_start_1:
0x0: {  	(tag) =	ssettag $0x1  }
0x1: {  	s9 =	rddreg [dreg:$0x0]  }
0x2: {  	s4 =	rddreg [dreg:$0x1]  }
0x3: {  	s2 =	rddreg [dreg:$0x2];
	s3 =	simm.s32 $0x0;
	s0 =	stileid.u32  }
0x4: {  	s6 =	simm.s32 $0x1;
	s26 =	srdreg.scid;
	s31 =	smul.u32 $0x280, s0  }
0x5: {  	[smem:$0x7FF] =	sst s3;
	s1 =	sadd.s32 $0xD400, s4;
	s4 =	sadd.s32 $0xD600, s4  }
0x6: {  	s5 =	sshll.u32 s0, $0x6;
	_ =	strace $0x80000047;
	s25 =	sadd.s32 s31, s2  }
0x7: {  	[dreg:$0x4] =	wrdreg s1;
	s5 =	sor.u32 $0x1C01, s5;
	s7 =	sshrl.u32 s25, $0x3  }
0x8: {  	[spmem:s7], [sflag:s5] =	dma.local [hbm:s4], $0x50  }
0x9: {  	s8 =	sshll.u32 s0, $0x1;
	s1 =	sand.u32 $0x1, s26;
	_ =	swait.ge [sflag:s6], $0x50  }
0xa: {  	s11 =	sor.u32 s1, s8;
	[sflag:s6] =	ssyncset.done $0x0  }
0xb: {  	s8 =	simm.s32 $0x1400;
	s10 =	rddreg [dreg:$0x4];
	[sflag:s6] =	ssyncadd.s32 $0xFFFFFFB0  }
0xc: {  	[tilespmem:s8], [sflag:$0x1] =	stream.linear.gather [hbm4b:s10+s3], $0x100, $0x38;
	[tilespmem:$0x1780] =	vst v63  }
0xd: {  	s0 =	smul.u32 $0x2800, s11;
	_ =	swait.ge [sflag:s6], $0x100  }
0xe: {  	[sflag:s6] =	ssyncset.done $0x0  }
0xf: {  	s10 =	sshrl.u32 s0, $0x3;
	[sflag:s6] =	ssyncadd.s32 $0xFFFFFF00  }
0x10: {  	s9 =	sadd.s32 s9, s10;
	[bflag:$0x0] =	sbarrier.arrive $0xFFFF  }
0x11: {  	[tilespmem:s3], [sflag:$0x1] =	stream.linear.gather [hbm4b:s9+s3], $0x1400, $0x38;
	[tilespmem:$0x1780] =	vst v63  }
0x12: {  	_ =	swait.ge [sflag:s6], $0x1400  }
0x13: {  	[sflag:s6] =	ssyncset.done $0x0  }
0x14: {  	s10 =	simm.s32 $0x100;
	[sflag:s6] =	ssyncadd.s32 $0xFFFFEC00  }
0x15: {  	[spmem:s2] =	stream.indirect.scatter.add.f32 [tilespmem:s8], [sflag:$0x1], $0x1, s3, s10, $0xb8;
	[tilespmem:$0x1780] =	vst v63  }
0x16: {  	_ =	swait.ge [sflag:s6], $0x100  }
0x17: {  	[sflag:s6] =	ssyncset.done $0x0  }
0x18: {  	[sflag:s6] =	ssyncadd.s32 $0xFFFFFF00  }
0x19: {  	[spmem:s2] =	stream.indirect.scatter.add.f32 [tilespmem:s8], [sflag:$0x1], $0x1, s10, s10, $0xb8;
	[tilespmem:$0x1780] =	vst v63  }
0x1a: {  	_ =	swait.ge [sflag:s6], $0x100  }
0x1b: {  	[sflag:s6] =	ssyncset.done $0x0  }
0x1c: {  	s11 =	simm.s32 $0x200;
	[sflag:s6] =	ssyncadd.s32 $0xFFFFFF00  }
0x1d: {  	[spmem:s2] =	stream.indirect.scatter.add.f32 [tilespmem:s8], [sflag:$0x1], $0x1, s11, s10, $0xb8;
	[tilespmem:$0x1780] =	vst v63  }
0x1e: {  	_ =	swait.ge [sflag:s6], $0x100  }
0x1f: {  	[sflag:s6] =	ssyncset.done $0x0  }
0x20: {  	s12 =	simm.s32 $0x300;
	[sflag:s6] =	ssyncadd.s32 $0xFFFFFF00  }
0x21: {  	[spmem:s2] =	stream.indirect.scatter.add.f32 [tilespmem:s8], [sflag:$0x1], $0x1, s12, s10, $0xb8;
	[tilespmem:$0x1780] =	vst v63  }
0x22: {  	_ =	swait.ge [sflag:s6], $0x100  }
0x23: {  	[sflag:s6] =	ssyncset.done $0x0  }
0x24: {  	s13 =	simm.s32 $0x400;
	[sflag:s6] =	ssyncadd.s32 $0xFFFFFF00  }
0x25: {  	[spmem:s2] =	stream.indirect.scatter.add.f32 [tilespmem:s8], [sflag:$0x1], $0x1, s13, s10, $0xb8;
	[tilespmem:$0x1780] =	vst v63  }
0x26: {  	_ =	swait.ge [sflag:s6], $0x100  }
0x27: {  	[sflag:s6] =	ssyncset.done $0x0  }
0x28: {  	s14 =	simm.s32 $0x500;
	[sflag:s6] =	ssyncadd.s32 $0xFFFFFF00  }
0x29: {  	[spmem:s2] =	stream.indirect.scatter.add.f32 [tilespmem:s8], [sflag:$0x1], $0x1, s14, s10, $0xb8;
	[tilespmem:$0x1780] =	vst v63  }
0x2a: {  	_ =	swait.ge [sflag:s6], $0x100  }
0x2b: {  	[sflag:s6] =	ssyncset.done $0x0  }
0x2c: {  	s15 =	simm.s32 $0x600;
	[sflag:s6] =	ssyncadd.s32 $0xFFFFFF00  }
0x2d: {  	[spmem:s2] =	stream.indirect.scatter.add.f32 [tilespmem:s8], [sflag:$0x1], $0x1, s15, s10, $0xb8;
	[tilespmem:$0x1780] =	vst v63  }
0x2e: {  	_ =	swait.ge [sflag:s6], $0x100  }
0x2f: {  	[sflag:s6] =	ssyncset.done $0x0  }
0x30: {  	s16 =	simm.s32 $0x700;
	[sflag:s6] =	ssyncadd.s32 $0xFFFFFF00  }
0x31: {  	[spmem:s2] =	stream.indirect.scatter.add.f32 [tilespmem:s8], [sflag:$0x1], $0x1, s16, s10, $0xb8;
	[tilespmem:$0x1780] =	vst v63  }
0x32: {  	_ =	swait.ge [sflag:s6], $0x100  }
0x33: {  	[sflag:s6] =	ssyncset.done $0x0  }
0x34: {  	s17 =	simm.s32 $0x800;
	[sflag:s6] =	ssyncadd.s32 $0xFFFFFF00  }
0x35: {  	[spmem:s2] =	stream.indirect.scatter.add.f32 [tilespmem:s8], [sflag:$0x1], $0x1, s17, s10, $0xb8;
	[tilespmem:$0x1780] =	vst v63  }
0x36: {  	_ =	swait.ge [sflag:s6], $0x100  }
0x37: {  	[sflag:s6] =	ssyncset.done $0x0  }
0x38: {  	s18 =	simm.s32 $0x900;
	[sflag:s6] =	ssyncadd.s32 $0xFFFFFF00  }
0x39: {  	[spmem:s2] =	stream.indirect.scatter.add.f32 [tilespmem:s8], [sflag:$0x1], $0x1, s18, s10, $0xb8;
	[tilespmem:$0x1780] =	vst v63  }
0x3a: {  	_ =	swait.ge [sflag:s6], $0x100  }
0x3b: {  	[sflag:s6] =	ssyncset.done $0x0  }
0x3c: {  	s19 =	simm.s32 $0xA00;
	[sflag:s6] =	ssyncadd.s32 $0xFFFFFF00  }
0x3d: {  	[spmem:s2] =	stream.indirect.scatter.add.f32 [tilespmem:s8], [sflag:$0x1], $0x1, s19, s10, $0xb8;
	[tilespmem:$0x1780] =	vst v63  }
0x3e: {  	_ =	swait.ge [sflag:s6], $0x100  }
0x3f: {  	[sflag:s6] =	ssyncset.done $0x0  }
0x40: {  	s20 =	simm.s32 $0xB00;
	[sflag:s6] =	ssyncadd.s32 $0xFFFFFF00  }
0x41: {  	[spmem:s2] =	stream.indirect.scatter.add.f32 [tilespmem:s8], [sflag:$0x1], $0x1, s20, s10, $0xb8;
	[tilespmem:$0x1780] =	vst v63  }
0x42: {  	_ =	swait.ge [sflag:s6], $0x100  }
0x43: {  	[sflag:s6] =	ssyncset.done $0x0  }
0x44: {  	s21 =	simm.s32 $0xC00;
	[sflag:s6] =	ssyncadd.s32 $0xFFFFFF00  }
0x45: {  	[spmem:s2] =	stream.indirect.scatter.add.f32 [tilespmem:s8], [sflag:$0x1], $0x1, s21, s10, $0xb8;
	[tilespmem:$0x1780] =	vst v63  }
0x46: {  	_ =	swait.ge [sflag:s6], $0x100  }
0x47: {  	[sflag:s6] =	ssyncset.done $0x0  }
0x48: {  	s22 =	simm.s32 $0xD00;
	[sflag:s6] =	ssyncadd.s32 $0xFFFFFF00  }
0x49: {  	[spmem:s2] =	stream.indirect.scatter.add.f32 [tilespmem:s8], [sflag:$0x1], $0x1, s22, s10, $0xb8;
	[tilespmem:$0x1780] =	vst v63  }
0x4a: {  	_ =	swait.ge [sflag:s6], $0x100  }
0x4b: {  	[sflag:s6] =	ssyncset.done $0x0  }
0x4c: {  	s23 =	simm.s32 $0xE00;
	[sflag:s6] =	ssyncadd.s32 $0xFFFFFF00  }
0x4d: {  	[spmem:s2] =	stream.indirect.scatter.add.f32 [tilespmem:s8], [sflag:$0x1], $0x1, s23, s10, $0xb8;
	[tilespmem:$0x1780] =	vst v63  }
0x4e: {  	_ =	swait.ge [sflag:s6], $0x100  }
0x4f: {  	[sflag:s6] =	ssyncset.done $0x0  }
0x50: {  	s24 =	simm.s32 $0xF00;
	[sflag:s6] =	ssyncadd.s32 $0xFFFFFF00  }
0x51: {  	[spmem:s2] =	stream.indirect.scatter.add.f32 [tilespmem:s8], [sflag:$0x1], $0x1, s24, s10, $0xb8;
	[tilespmem:$0x1780] =	vst v63  }
0x52: {  	_ =	swait.ge [sflag:s6], $0x100  }
0x53: {  	[sflag:s6] =	ssyncset.done $0x0  }
0x54: {  	s25 =	simm.s32 $0x1000;
	[sflag:s6] =	ssyncadd.s32 $0xFFFFFF00  }
0x55: {  	[spmem:s2] =	stream.indirect.scatter.add.f32 [tilespmem:s8], [sflag:$0x1], $0x1, s25, s10, $0xb8;
	[tilespmem:$0x1780] =	vst v63  }
0x56: {  	_ =	swait.ge [sflag:s6], $0x100  }
0x57: {  	[sflag:s6] =	ssyncset.done $0x0  }
0x58: {  	s26 =	simm.s32 $0x1100;
	[sflag:s6] =	ssyncadd.s32 $0xFFFFFF00  }
0x59: {  	[spmem:s2] =	stream.indirect.scatter.add.f32 [tilespmem:s8], [sflag:$0x1], $0x1, s26, s10, $0xb8;
	[tilespmem:$0x1780] =	vst v63  }
0x5a: {  	_ =	swait.ge [sflag:s6], $0x100  }
0x5b: {  	[sflag:s6] =	ssyncset.done $0x0  }
0x5c: {  	s28 =	simm.s32 $0x1200;
	[sflag:s6] =	ssyncadd.s32 $0xFFFFFF00  }
0x5d: {  	[spmem:s2] =	stream.indirect.scatter.add.f32 [tilespmem:s8], [sflag:$0x1], $0x1, s28, s10, $0xb8;
	[tilespmem:$0x1780] =	vst v63  }
0x5e: {  	_ =	swait.ge [sflag:s6], $0x100  }
0x5f: {  	[sflag:s6] =	ssyncset.done $0x0  }
0x60: {  	s29 =	simm.s32 $0x1300;
	[sflag:s6] =	ssyncadd.s32 $0xFFFFFF00  }
0x61: {  	[spmem:s2] =	stream.indirect.scatter.add.f32 [tilespmem:s8], [sflag:$0x1], $0x1, s29, s10, $0xb8;
	[tilespmem:$0x1780] =	vst v63  }
0x62: {  	_ =	swait.ge [sflag:s6], $0x100  }
0x63: {  	[sflag:s6] =	ssyncset.done $0x0  }
0x64: {  	s30 =	sadd.s32 $0x280, s9;
	[sflag:s6] =	ssyncadd.s32 $0xFFFFFF00  }
0x65: {  	[tilespmem:s3], [sflag:$0x1] =	stream.linear.gather [hbm4b:s30+s3], $0x1400, $0x38;
	[tilespmem:$0x1780] =	vst v63  }
0x66: {  	_ =	swait.ge [sflag:s6], $0x1400  }
0x67: {  	[sflag:s6] =	ssyncset.done $0x0  }
0x68: {  	[sflag:s6] =	ssyncadd.s32 $0xFFFFEC00  }
0x69: {  	[spmem:s2] =	stream.indirect.scatter.add.f32 [tilespmem:s8], [sflag:$0x1], $0x1, s3, s10, $0xb8;
	[tilespmem:$0x1780] =	vst v63  }
0x6a: {  	_ =	swait.ge [sflag:s6], $0x100  }
0x6b: {  	[sflag:s6] =	ssyncset.done $0x0  }
0x6c: {  	[sflag:s6] =	ssyncadd.s32 $0xFFFFFF00  }
0x6d: {  	[spmem:s2] =	stream.indirect.scatter.add.f32 [tilespmem:s8], [sflag:$0x1], $0x1, s10, s10, $0xb8;
	[tilespmem:$0x1780] =	vst v63  }
0x6e: {  	_ =	swait.ge [sflag:s6], $0x100  }
0x6f: {  	[sflag:s6] =	ssyncset.done $0x0  }
0x70: {  	[sflag:s6] =	ssyncadd.s32 $0xFFFFFF00  }
0x71: {  	[spmem:s2] =	stream.indirect.scatter.add.f32 [tilespmem:s8], [sflag:$0x1], $0x1, s11, s10, $0xb8;
	[tilespmem:$0x1780] =	vst v63  }
0x72: {  	_ =	swait.ge [sflag:s6], $0x100  }
0x73: {  	[sflag:s6] =	ssyncset.done $0x0  }
0x74: {  	[sflag:s6] =	ssyncadd.s32 $0xFFFFFF00  }
0x75: {  	[spmem:s2] =	stream.indirect.scatter.add.f32 [tilespmem:s8], [sflag:$0x1], $0x1, s12, s10, $0xb8;
	[tilespmem:$0x1780] =	vst v63  }
0x76: {  	_ =	swait.ge [sflag:s6], $0x100  }
0x77: {  	[sflag:s6] =	ssyncset.done $0x0  }
0x78: {  	[sflag:s6] =	ssyncadd.s32 $0xFFFFFF00  }
0x79: {  	[spmem:s2] =	stream.indirect.scatter.add.f32 [tilespmem:s8], [sflag:$0x1], $0x1, s13, s10, $0xb8;
	[tilespmem:$0x1780] =	vst v63  }
0x7a: {  	_ =	swait.ge [sflag:s6], $0x100  }
0x7b: {  	[sflag:s6] =	ssyncset.done $0x0  }
0x7c: {  	[sflag:s6] =	ssyncadd.s32 $0xFFFFFF00  }
0x7d: {  	[spmem:s2] =	stream.indirect.scatter.add.f32 [tilespmem:s8], [sflag:$0x1], $0x1, s14, s10, $0xb8;
	[tilespmem:$0x1780] =	vst v63  }
0x7e: {  	_ =	swait.ge [sflag:s6], $0x100  }
0x7f: {  	[sflag:s6] =	ssyncset.done $0x0  }
0x80: {  	[sflag:s6] =	ssyncadd.s32 $0xFFFFFF00  }
0x81: {  	[spmem:s2] =	stream.indirect.scatter.add.f32 [tilespmem:s8], [sflag:$0x1], $0x1, s15, s10, $0xb8;
	[tilespmem:$0x1780] =	vst v63  }
0x82: {  	_ =	swait.ge [sflag:s6], $0x100  }
0x83: {  	[sflag:s6] =	ssyncset.done $0x0  }
0x84: {  	[sflag:s6] =	ssyncadd.s32 $0xFFFFFF00  }
0x85: {  	[spmem:s2] =	stream.indirect.scatter.add.f32 [tilespmem:s8], [sflag:$0x1], $0x1, s16, s10, $0xb8;
	[tilespmem:$0x1780] =	vst v63  }
0x86: {  	_ =	swait.ge [sflag:s6], $0x100  }
0x87: {  	[sflag:s6] =	ssyncset.done $0x0  }
0x88: {  	[sflag:s6] =	ssyncadd.s32 $0xFFFFFF00  }
0x89: {  	[spmem:s2] =	stream.indirect.scatter.add.f32 [tilespmem:s8], [sflag:$0x1], $0x1, s17, s10, $0xb8;
	[tilespmem:$0x1780] =	vst v63  }
0x8a: {  	_ =	swait.ge [sflag:s6], $0x100  }
0x8b: {  	[sflag:s6] =	ssyncset.done $0x0  }
0x8c: {  	[sflag:s6] =	ssyncadd.s32 $0xFFFFFF00  }
0x8d: {  	[spmem:s2] =	stream.indirect.scatter.add.f32 [tilespmem:s8], [sflag:$0x1], $0x1, s18, s10, $0xb8;
	[tilespmem:$0x1780] =	vst v63  }
0x8e: {  	_ =	swait.ge [sflag:s6], $0x100  }
0x8f: {  	[sflag:s6] =	ssyncset.done $0x0  }
0x90: {  	[sflag:s6] =	ssyncadd.s32 $0xFFFFFF00  }
0x91: {  	[spmem:s2] =	stream.indirect.scatter.add.f32 [tilespmem:s8], [sflag:$0x1], $0x1, s19, s10, $0xb8;
	[tilespmem:$0x1780] =	vst v63  }
0x92: {  	_ =	swait.ge [sflag:s6], $0x100  }
0x93: {  	[sflag:s6] =	ssyncset.done $0x0  }
0x94: {  	[sflag:s6] =	ssyncadd.s32 $0xFFFFFF00  }
0x95: {  	[spmem:s2] =	stream.indirect.scatter.add.f32 [tilespmem:s8], [sflag:$0x1], $0x1, s20, s10, $0xb8;
	[tilespmem:$0x1780] =	vst v63  }
0x96: {  	_ =	swait.ge [sflag:s6], $0x100  }
0x97: {  	[sflag:s6] =	ssyncset.done $0x0  }
0x98: {  	[sflag:s6] =	ssyncadd.s32 $0xFFFFFF00  }
0x99: {  	[spmem:s2] =	stream.indirect.scatter.add.f32 [tilespmem:s8], [sflag:$0x1], $0x1, s21, s10, $0xb8;
	[tilespmem:$0x1780] =	vst v63  }
0x9a: {  	_ =	swait.ge [sflag:s6], $0x100  }
0x9b: {  	[sflag:s6] =	ssyncset.done $0x0  }
0x9c: {  	[sflag:s6] =	ssyncadd.s32 $0xFFFFFF00  }
0x9d: {  	[spmem:s2] =	stream.indirect.scatter.add.f32 [tilespmem:s8], [sflag:$0x1], $0x1, s22, s10, $0xb8;
	[tilespmem:$0x1780] =	vst v63  }
0x9e: {  	_ =	swait.ge [sflag:s6], $0x100  }
0x9f: {  	[sflag:s6] =	ssyncset.done $0x0  }
0xa0: {  	[sflag:s6] =	ssyncadd.s32 $0xFFFFFF00  }
0xa1: {  	[spmem:s2] =	stream.indirect.scatter.add.f32 [tilespmem:s8], [sflag:$0x1], $0x1, s23, s10, $0xb8;
	[tilespmem:$0x1780] =	vst v63  }
0xa2: {  	_ =	swait.ge [sflag:s6], $0x100  }
0xa3: {  	[sflag:s6] =	ssyncset.done $0x0  }
0xa4: {  	[sflag:s6] =	ssyncadd.s32 $0xFFFFFF00  }
0xa5: {  	[spmem:s2] =	stream.indirect.scatter.add.f32 [tilespmem:s8], [sflag:$0x1], $0x1, s24, s10, $0xb8;
	[tilespmem:$0x1780] =	vst v63  }
0xa6: {  	_ =	swait.ge [sflag:s6], $0x100  }
0xa7: {  	[sflag:s6] =	ssyncset.done $0x0  }
0xa8: {  	[sflag:s6] =	ssyncadd.s32 $0xFFFFFF00  }
0xa9: {  	[spmem:s2] =	stream.indirect.scatter.add.f32 [tilespmem:s8], [sflag:$0x1], $0x1, s25, s10, $0xb8;
	[tilespmem:$0x1780] =	vst v63  }
0xaa: {  	_ =	swait.ge [sflag:s6], $0x100  }
0xab: {  	[sflag:s6] =	ssyncset.done $0x0  }
0xac: {  	[sflag:s6] =	ssyncadd.s32 $0xFFFFFF00  }
0xad: {  	[spmem:s2] =	stream.indirect.scatter.add.f32 [tilespmem:s8], [sflag:$0x1], $0x1, s26, s10, $0xb8;
	[tilespmem:$0x1780] =	vst v63  }
0xae: {  	_ =	swait.ge [sflag:s6], $0x100  }
0xaf: {  	[sflag:s6] =	ssyncset.done $0x0  }
0xb0: {  	s0 =	smul.u32 $0x2800, s1;
	[sflag:s6] =	ssyncadd.s32 $0xFFFFFF00  }
0xb1: {  	[spmem:s2] =	stream.indirect.scatter.add.f32 [tilespmem:s8], [sflag:$0x1], $0x1, s28, s10, $0xb8;
	[tilespmem:$0x1780] =	vst v63  }
0xb2: {  	_ =	swait.ge [sflag:s6], $0x100  }
0xb3: {  	s0 =	sadd.s32 s31, s0;
	[sflag:s6] =	ssyncset.done $0x0  }
0xb4: {  	s1 =	ssub.s32 $0x2, s1;
	s0 =	sshrl.u32 s0, $0x3;
	[sflag:s6] =	ssyncadd.s32 $0xFFFFFF00  }
0xb5: {  	[spmem:s2] =	stream.indirect.scatter.add.f32 [tilespmem:s8], [sflag:$0x1], $0x1, s29, s10, $0xb8;
	[tilespmem:$0x1780] =	vst v63  }
0xb6: {  	_ =	swait.ge [sflag:s6], $0x100;
	[dreg:$0x5] =	wrdreg s0;
	s0 =	sshrl.u32 s1, $0x1  }
0xb7: {  	[dreg:$0x6] =	wrdreg s0  }
0xb8: {  	[sflag:s6] =	ssyncset.done $0x0;
	s31 =	rddreg [dreg:$0x5]  }
0xb9: {  	s0 =	rddreg [dreg:$0x1]  }
0xba: {  	s0 =	sadd.s32 s31, s0;
	s31 =	rddreg [dreg:$0x6]  }
0xbb: {  	s1 =	ssub.s32 s1, s31  }
0xbc: {  	s1 =	smax.u32 s1, $0x1  }
0xbd: {  	p0 =	sne.s32 s1, $0x1  }
.Ltmp0:
0xbe: {  	[sflag:s6] =	ssyncadd.s32 $0xFFFFFF00;
	(pc) =	sbr.rel @!p0 .LBB2_2-.Ltmp0, $4  }
0xbf: {  	[bflag:$0x0] =	sbarrier.arrive $0xFFFF;
	s31 =	sadd.s32 $0xD800, s0  }
0xc0: {  	[hbm:s31], [sflag:s5] =	dma.local [spmem:s7], $0x50  }
0xc1: {  	_ =	swait.ge [sflag:s6], $0x50  }
0xc2: {  	s0 =	sadd.s32 $0xFFFFFFFF, s1;
	[sflag:s6] =	ssyncset.done $0x0  }
.LBB2_1:
0xc3: {  	[sflag:s6] =	ssyncadd.s32 $0xFFFFFFB0  }
0xc4: {  	[spmem:s7], [sflag:s5] =	dma.local [hbm:s4], $0x50  }
0xc5: {  	_ =	swait.ge [sflag:s6], $0x50  }
0xc6: {  	[sflag:s6] =	ssyncset.done $0x0  }
0xc7: {  	s1 =	rddreg [dreg:$0x4];
	[sflag:s6] =	ssyncadd.s32 $0xFFFFFFB0  }
0xc8: {  	[tilespmem:s8], [sflag:$0x1] =	stream.linear.gather [hbm4b:s1+s3], $0x100, $0x38;
	[tilespmem:$0x1780] =	vst v63  }
0xc9: {  	_ =	swait.ge [sflag:s6], $0x100  }
0xca: {  	[sflag:s6] =	ssyncset.done $0x0  }
0xcb: {  	[sflag:s6] =	ssyncadd.s32 $0xFFFFFF00  }
0xcc: {  	[bflag:$0x0] =	sbarrier.arrive $0xFFFF  }
0xcd: {  	[tilespmem:s3], [sflag:$0x1] =	stream.linear.gather [hbm4b:s9+s3], $0x1400, $0x38;
	[tilespmem:$0x1780] =	vst v63  }
0xce: {  	_ =	swait.ge [sflag:s6], $0x1400  }
0xcf: {  	[sflag:s6] =	ssyncset.done $0x0  }
0xd0: {  	[sflag:s6] =	ssyncadd.s32 $0xFFFFEC00  }
0xd1: {  	[spmem:s2] =	stream.indirect.scatter.add.f32 [tilespmem:s8], [sflag:$0x1], $0x1, s3, s10, $0xb8;
	[tilespmem:$0x1780] =	vst v63  }
0xd2: {  	_ =	swait.ge [sflag:s6], $0x100  }
0xd3: {  	[sflag:s6] =	ssyncset.done $0x0  }
0xd4: {  	[sflag:s6] =	ssyncadd.s32 $0xFFFFFF00  }
0xd5: {  	[spmem:s2] =	stream.indirect.scatter.add.f32 [tilespmem:s8], [sflag:$0x1], $0x1, s10, s10, $0xb8;
	[tilespmem:$0x1780] =	vst v63  }
0xd6: {  	_ =	swait.ge [sflag:s6], $0x100  }
0xd7: {  	[sflag:s6] =	ssyncset.done $0x0  }
0xd8: {  	[sflag:s6] =	ssyncadd.s32 $0xFFFFFF00  }
0xd9: {  	[spmem:s2] =	stream.indirect.scatter.add.f32 [tilespmem:s8], [sflag:$0x1], $0x1, s11, s10, $0xb8;
	[tilespmem:$0x1780] =	vst v63  }
0xda: {  	_ =	swait.ge [sflag:s6], $0x100  }
0xdb: {  	[sflag:s6] =	ssyncset.done $0x0  }
0xdc: {  	[sflag:s6] =	ssyncadd.s32 $0xFFFFFF00  }
0xdd: {  	[spmem:s2] =	stream.indirect.scatter.add.f32 [tilespmem:s8], [sflag:$0x1], $0x1, s12, s10, $0xb8;
	[tilespmem:$0x1780] =	vst v63  }
0xde: {  	_ =	swait.ge [sflag:s6], $0x100  }
0xdf: {  	[sflag:s6] =	ssyncset.done $0x0  }
0xe0: {  	[sflag:s6] =	ssyncadd.s32 $0xFFFFFF00  }
0xe1: {  	[spmem:s2] =	stream.indirect.scatter.add.f32 [tilespmem:s8], [sflag:$0x1], $0x1, s13, s10, $0xb8;
	[tilespmem:$0x1780] =	vst v63  }
0xe2: {  	_ =	swait.ge [sflag:s6], $0x100  }
0xe3: {  	[sflag:s6] =	ssyncset.done $0x0  }
0xe4: {  	[sflag:s6] =	ssyncadd.s32 $0xFFFFFF00  }
0xe5: {  	[spmem:s2] =	stream.indirect.scatter.add.f32 [tilespmem:s8], [sflag:$0x1], $0x1, s14, s10, $0xb8;
	[tilespmem:$0x1780] =	vst v63  }
0xe6: {  	_ =	swait.ge [sflag:s6], $0x100  }
0xe7: {  	[sflag:s6] =	ssyncset.done $0x0  }
0xe8: {  	[sflag:s6] =	ssyncadd.s32 $0xFFFFFF00  }
0xe9: {  	[spmem:s2] =	stream.indirect.scatter.add.f32 [tilespmem:s8], [sflag:$0x1], $0x1, s15, s10, $0xb8;
	[tilespmem:$0x1780] =	vst v63  }
0xea: {  	_ =	swait.ge [sflag:s6], $0x100  }
0xeb: {  	[sflag:s6] =	ssyncset.done $0x0  }
0xec: {  	[sflag:s6] =	ssyncadd.s32 $0xFFFFFF00  }
0xed: {  	[spmem:s2] =	stream.indirect.scatter.add.f32 [tilespmem:s8], [sflag:$0x1], $0x1, s16, s10, $0xb8;
	[tilespmem:$0x1780] =	vst v63  }
0xee: {  	_ =	swait.ge [sflag:s6], $0x100  }
0xef: {  	[sflag:s6] =	ssyncset.done $0x0  }
0xf0: {  	[sflag:s6] =	ssyncadd.s32 $0xFFFFFF00  }
0xf1: {  	[spmem:s2] =	stream.indirect.scatter.add.f32 [tilespmem:s8], [sflag:$0x1], $0x1, s17, s10, $0xb8;
	[tilespmem:$0x1780] =	vst v63  }
0xf2: {  	_ =	swait.ge [sflag:s6], $0x100  }
0xf3: {  	[sflag:s6] =	ssyncset.done $0x0  }
0xf4: {  	[sflag:s6] =	ssyncadd.s32 $0xFFFFFF00  }
0xf5: {  	[spmem:s2] =	stream.indirect.scatter.add.f32 [tilespmem:s8], [sflag:$0x1], $0x1, s18, s10, $0xb8;
	[tilespmem:$0x1780] =	vst v63  }
0xf6: {  	_ =	swait.ge [sflag:s6], $0x100  }
0xf7: {  	[sflag:s6] =	ssyncset.done $0x0  }
0xf8: {  	[sflag:s6] =	ssyncadd.s32 $0xFFFFFF00  }
0xf9: {  	[spmem:s2] =	stream.indirect.scatter.add.f32 [tilespmem:s8], [sflag:$0x1], $0x1, s19, s10, $0xb8;
	[tilespmem:$0x1780] =	vst v63  }
0xfa: {  	_ =	swait.ge [sflag:s6], $0x100  }
0xfb: {  	[sflag:s6] =	ssyncset.done $0x0  }
0xfc: {  	[sflag:s6] =	ssyncadd.s32 $0xFFFFFF00  }
0xfd: {  	[spmem:s2] =	stream.indirect.scatter.add.f32 [tilespmem:s8], [sflag:$0x1], $0x1, s20, s10, $0xb8;
	[tilespmem:$0x1780] =	vst v63  }
0xfe: {  	_ =	swait.ge [sflag:s6], $0x100  }
0xff: {  	[sflag:s6] =	ssyncset.done $0x0  }
0x100: {  	[sflag:s6] =	ssyncadd.s32 $0xFFFFFF00  }
0x101: {  	[spmem:s2] =	stream.indirect.scatter.add.f32 [tilespmem:s8], [sflag:$0x1], $0x1, s21, s10, $0xb8;
	[tilespmem:$0x1780] =	vst v63  }
0x102: {  	_ =	swait.ge [sflag:s6], $0x100  }
0x103: {  	[sflag:s6] =	ssyncset.done $0x0  }
0x104: {  	[sflag:s6] =	ssyncadd.s32 $0xFFFFFF00  }
0x105: {  	[spmem:s2] =	stream.indirect.scatter.add.f32 [tilespmem:s8], [sflag:$0x1], $0x1, s22, s10, $0xb8;
	[tilespmem:$0x1780] =	vst v63  }
0x106: {  	_ =	swait.ge [sflag:s6], $0x100  }
0x107: {  	[sflag:s6] =	ssyncset.done $0x0  }
0x108: {  	[sflag:s6] =	ssyncadd.s32 $0xFFFFFF00  }
0x109: {  	[spmem:s2] =	stream.indirect.scatter.add.f32 [tilespmem:s8], [sflag:$0x1], $0x1, s23, s10, $0xb8;
	[tilespmem:$0x1780] =	vst v63  }
0x10a: {  	_ =	swait.ge [sflag:s6], $0x100  }
0x10b: {  	[sflag:s6] =	ssyncset.done $0x0  }
0x10c: {  	[sflag:s6] =	ssyncadd.s32 $0xFFFFFF00  }
0x10d: {  	[spmem:s2] =	stream.indirect.scatter.add.f32 [tilespmem:s8], [sflag:$0x1], $0x1, s24, s10, $0xb8;
	[tilespmem:$0x1780] =	vst v63  }
0x10e: {  	_ =	swait.ge [sflag:s6], $0x100  }
0x10f: {  	[sflag:s6] =	ssyncset.done $0x0  }
0x110: {  	[sflag:s6] =	ssyncadd.s32 $0xFFFFFF00  }
0x111: {  	[spmem:s2] =	stream.indirect.scatter.add.f32 [tilespmem:s8], [sflag:$0x1], $0x1, s25, s10, $0xb8;
	[tilespmem:$0x1780] =	vst v63  }
0x112: {  	_ =	swait.ge [sflag:s6], $0x100  }
0x113: {  	[sflag:s6] =	ssyncset.done $0x0  }
0x114: {  	[sflag:s6] =	ssyncadd.s32 $0xFFFFFF00  }
0x115: {  	[spmem:s2] =	stream.indirect.scatter.add.f32 [tilespmem:s8], [sflag:$0x1], $0x1, s26, s10, $0xb8;
	[tilespmem:$0x1780] =	vst v63  }
0x116: {  	_ =	swait.ge [sflag:s6], $0x100  }
0x117: {  	[sflag:s6] =	ssyncset.done $0x0  }
0x118: {  	[sflag:s6] =	ssyncadd.s32 $0xFFFFFF00  }
0x119: {  	[spmem:s2] =	stream.indirect.scatter.add.f32 [tilespmem:s8], [sflag:$0x1], $0x1, s28, s10, $0xb8;
	[tilespmem:$0x1780] =	vst v63  }
0x11a: {  	_ =	swait.ge [sflag:s6], $0x100  }
0x11b: {  	[sflag:s6] =	ssyncset.done $0x0  }
0x11c: {  	[sflag:s6] =	ssyncadd.s32 $0xFFFFFF00  }
0x11d: {  	[spmem:s2] =	stream.indirect.scatter.add.f32 [tilespmem:s8], [sflag:$0x1], $0x1, s29, s10, $0xb8;
	[tilespmem:$0x1780] =	vst v63  }
0x11e: {  	_ =	swait.ge [sflag:s6], $0x100  }
0x11f: {  	[sflag:s6] =	ssyncset.done $0x0  }
0x120: {  	[sflag:s6] =	ssyncadd.s32 $0xFFFFFF00  }
0x121: {  	[tilespmem:s3], [sflag:$0x1] =	stream.linear.gather [hbm4b:s30+s3], $0x1400, $0x38;
	[tilespmem:$0x1780] =	vst v63  }
0x122: {  	_ =	swait.ge [sflag:s6], $0x1400  }
0x123: {  	[sflag:s6] =	ssyncset.done $0x0  }
0x124: {  	[sflag:s6] =	ssyncadd.s32 $0xFFFFEC00  }
0x125: {  	[spmem:s2] =	stream.indirect.scatter.add.f32 [tilespmem:s8], [sflag:$0x1], $0x1, s3, s10, $0xb8;
	[tilespmem:$0x1780] =	vst v63  }
0x126: {  	_ =	swait.ge [sflag:s6], $0x100  }
0x127: {  	[sflag:s6] =	ssyncset.done $0x0  }
0x128: {  	[sflag:s6] =	ssyncadd.s32 $0xFFFFFF00  }
0x129: {  	[spmem:s2] =	stream.indirect.scatter.add.f32 [tilespmem:s8], [sflag:$0x1], $0x1, s10, s10, $0xb8;
	[tilespmem:$0x1780] =	vst v63  }
0x12a: {  	_ =	swait.ge [sflag:s6], $0x100  }
0x12b: {  	[sflag:s6] =	ssyncset.done $0x0  }
0x12c: {  	[sflag:s6] =	ssyncadd.s32 $0xFFFFFF00  }
0x12d: {  	[spmem:s2] =	stream.indirect.scatter.add.f32 [tilespmem:s8], [sflag:$0x1], $0x1, s11, s10, $0xb8;
	[tilespmem:$0x1780] =	vst v63  }
0x12e: {  	_ =	swait.ge [sflag:s6], $0x100  }
0x12f: {  	[sflag:s6] =	ssyncset.done $0x0  }
0x130: {  	[sflag:s6] =	ssyncadd.s32 $0xFFFFFF00  }
0x131: {  	[spmem:s2] =	stream.indirect.scatter.add.f32 [tilespmem:s8], [sflag:$0x1], $0x1, s12, s10, $0xb8;
	[tilespmem:$0x1780] =	vst v63  }
0x132: {  	_ =	swait.ge [sflag:s6], $0x100  }
0x133: {  	[sflag:s6] =	ssyncset.done $0x0  }
0x134: {  	[sflag:s6] =	ssyncadd.s32 $0xFFFFFF00  }
0x135: {  	[spmem:s2] =	stream.indirect.scatter.add.f32 [tilespmem:s8], [sflag:$0x1], $0x1, s13, s10, $0xb8;
	[tilespmem:$0x1780] =	vst v63  }
0x136: {  	_ =	swait.ge [sflag:s6], $0x100  }
0x137: {  	[sflag:s6] =	ssyncset.done $0x0  }
0x138: {  	[sflag:s6] =	ssyncadd.s32 $0xFFFFFF00  }
0x139: {  	[spmem:s2] =	stream.indirect.scatter.add.f32 [tilespmem:s8], [sflag:$0x1], $0x1, s14, s10, $0xb8;
	[tilespmem:$0x1780] =	vst v63  }
0x13a: {  	_ =	swait.ge [sflag:s6], $0x100  }
0x13b: {  	[sflag:s6] =	ssyncset.done $0x0  }
0x13c: {  	[sflag:s6] =	ssyncadd.s32 $0xFFFFFF00  }
0x13d: {  	[spmem:s2] =	stream.indirect.scatter.add.f32 [tilespmem:s8], [sflag:$0x1], $0x1, s15, s10, $0xb8;
	[tilespmem:$0x1780] =	vst v63  }
0x13e: {  	_ =	swait.ge [sflag:s6], $0x100  }
0x13f: {  	[sflag:s6] =	ssyncset.done $0x0  }
0x140: {  	[sflag:s6] =	ssyncadd.s32 $0xFFFFFF00  }
0x141: {  	[spmem:s2] =	stream.indirect.scatter.add.f32 [tilespmem:s8], [sflag:$0x1], $0x1, s16, s10, $0xb8;
	[tilespmem:$0x1780] =	vst v63  }
0x142: {  	_ =	swait.ge [sflag:s6], $0x100  }
0x143: {  	[sflag:s6] =	ssyncset.done $0x0  }
0x144: {  	[sflag:s6] =	ssyncadd.s32 $0xFFFFFF00  }
0x145: {  	[spmem:s2] =	stream.indirect.scatter.add.f32 [tilespmem:s8], [sflag:$0x1], $0x1, s17, s10, $0xb8;
	[tilespmem:$0x1780] =	vst v63  }
0x146: {  	_ =	swait.ge [sflag:s6], $0x100  }
0x147: {  	[sflag:s6] =	ssyncset.done $0x0  }
0x148: {  	[sflag:s6] =	ssyncadd.s32 $0xFFFFFF00  }
0x149: {  	[spmem:s2] =	stream.indirect.scatter.add.f32 [tilespmem:s8], [sflag:$0x1], $0x1, s18, s10, $0xb8;
	[tilespmem:$0x1780] =	vst v63  }
0x14a: {  	_ =	swait.ge [sflag:s6], $0x100  }
0x14b: {  	[sflag:s6] =	ssyncset.done $0x0  }
0x14c: {  	[sflag:s6] =	ssyncadd.s32 $0xFFFFFF00  }
0x14d: {  	[spmem:s2] =	stream.indirect.scatter.add.f32 [tilespmem:s8], [sflag:$0x1], $0x1, s19, s10, $0xb8;
	[tilespmem:$0x1780] =	vst v63  }
0x14e: {  	_ =	swait.ge [sflag:s6], $0x100  }
0x14f: {  	[sflag:s6] =	ssyncset.done $0x0  }
0x150: {  	[sflag:s6] =	ssyncadd.s32 $0xFFFFFF00  }
0x151: {  	[spmem:s2] =	stream.indirect.scatter.add.f32 [tilespmem:s8], [sflag:$0x1], $0x1, s20, s10, $0xb8;
	[tilespmem:$0x1780] =	vst v63  }
0x152: {  	_ =	swait.ge [sflag:s6], $0x100  }
0x153: {  	[sflag:s6] =	ssyncset.done $0x0  }
0x154: {  	[sflag:s6] =	ssyncadd.s32 $0xFFFFFF00  }
0x155: {  	[spmem:s2] =	stream.indirect.scatter.add.f32 [tilespmem:s8], [sflag:$0x1], $0x1, s21, s10, $0xb8;
	[tilespmem:$0x1780] =	vst v63  }
0x156: {  	_ =	swait.ge [sflag:s6], $0x100  }
0x157: {  	[sflag:s6] =	ssyncset.done $0x0  }
0x158: {  	[sflag:s6] =	ssyncadd.s32 $0xFFFFFF00  }
0x159: {  	[spmem:s2] =	stream.indirect.scatter.add.f32 [tilespmem:s8], [sflag:$0x1], $0x1, s22, s10, $0xb8;
	[tilespmem:$0x1780] =	vst v63  }
0x15a: {  	_ =	swait.ge [sflag:s6], $0x100  }
0x15b: {  	[sflag:s6] =	ssyncset.done $0x0  }
0x15c: {  	[sflag:s6] =	ssyncadd.s32 $0xFFFFFF00  }
0x15d: {  	[spmem:s2] =	stream.indirect.scatter.add.f32 [tilespmem:s8], [sflag:$0x1], $0x1, s23, s10, $0xb8;
	[tilespmem:$0x1780] =	vst v63  }
0x15e: {  	_ =	swait.ge [sflag:s6], $0x100  }
0x15f: {  	[sflag:s6] =	ssyncset.done $0x0  }
0x160: {  	[sflag:s6] =	ssyncadd.s32 $0xFFFFFF00  }
0x161: {  	[spmem:s2] =	stream.indirect.scatter.add.f32 [tilespmem:s8], [sflag:$0x1], $0x1, s24, s10, $0xb8;
	[tilespmem:$0x1780] =	vst v63  }
0x162: {  	_ =	swait.ge [sflag:s6], $0x100  }
0x163: {  	[sflag:s6] =	ssyncset.done $0x0  }
0x164: {  	[sflag:s6] =	ssyncadd.s32 $0xFFFFFF00  }
0x165: {  	[spmem:s2] =	stream.indirect.scatter.add.f32 [tilespmem:s8], [sflag:$0x1], $0x1, s25, s10, $0xb8;
	[tilespmem:$0x1780] =	vst v63  }
0x166: {  	_ =	swait.ge [sflag:s6], $0x100  }
0x167: {  	[sflag:s6] =	ssyncset.done $0x0  }
0x168: {  	[sflag:s6] =	ssyncadd.s32 $0xFFFFFF00  }
0x169: {  	[spmem:s2] =	stream.indirect.scatter.add.f32 [tilespmem:s8], [sflag:$0x1], $0x1, s26, s10, $0xb8;
	[tilespmem:$0x1780] =	vst v63  }
0x16a: {  	_ =	swait.ge [sflag:s6], $0x100  }
0x16b: {  	[sflag:s6] =	ssyncset.done $0x0  }
0x16c: {  	[sflag:s6] =	ssyncadd.s32 $0xFFFFFF00  }
0x16d: {  	[spmem:s2] =	stream.indirect.scatter.add.f32 [tilespmem:s8], [sflag:$0x1], $0x1, s28, s10, $0xb8;
	[tilespmem:$0x1780] =	vst v63  }
0x16e: {  	_ =	swait.ge [sflag:s6], $0x100  }
0x16f: {  	[sflag:s6] =	ssyncset.done $0x0  }
0x170: {  	[sflag:s6] =	ssyncadd.s32 $0xFFFFFF00  }
0x171: {  	[spmem:s2] =	stream.indirect.scatter.add.f32 [tilespmem:s8], [sflag:$0x1], $0x1, s29, s10, $0xb8;
	[tilespmem:$0x1780] =	vst v63  }
0x172: {  	_ =	swait.ge [sflag:s6], $0x100  }
0x173: {  	p0 =	sne.s32 s0, $0x1;
	[sflag:s6] =	ssyncset.done $0x0  }
.Ltmp1:
0x174: {  	[sflag:s6] =	ssyncadd.s32 $0xFFFFFF00;
	(pc) =	sbr.rel @p0 .LBB2_1-.Ltmp1, $4  }
0x175: {  	[bflag:$0x0] =	sbarrier.arrive $0xFFFF  }
0x176: {  	[hbm:s31], [sflag:s5] =	dma.local [spmem:s7], $0x50  }
0x177: {  	_ =	swait.ge [sflag:s6], $0x50  }
0x178: {  	s0 =	sadd.s32 $0xFFFFFFFF, s0;
	[sflag:s6] =	ssyncset.done $0x0  }
.LBB2_2:
0x179: {  	[sflag:s6] =	ssyncadd.s32 $0xFFFFFFB0  }
0x17a: {  	_ =	sfence.sel $0x180000  }
0x17b: {  	[bflag:$0x0] =	sbarrier.arrive $0xFFFF  }
0x17c: {  	_ =	strace $0x90000047  }
0x17d: {  	s0 =	stileid.u32;
	[bflag:$0x2] =	sbarrier.arrive $0xFFFF  }
0x17e: {  	p0 =	sne.s32 s0, $0x0;
	s0 =	rddreg [dreg:$0x3]  }
0x17f: {  	s0 =	sadd.s32 @!p0 $0x100000, s0  }
0x180: {  	[sflag:s0] =	ssyncadd.tile.s32 @!p0 $0x1;
	_ =	shalt  }
.Lfunc_end2:
_tile_overlayer_lowered:
.L_overlay_start_2:
0x181: {  	(tag) =	ssettag $0x2  }
0x182: {  	s0 =	rddreg [dreg:$0x0];
	s2 =	stileid.u32  }
0x183: {  	s1 =	rddreg [dreg:$0x1];
	p0 =	sne.s32 s2, $0x0  }
0x184: {  	s3 =	rddreg [dreg:$0x2];
	[bflag:$0x3] =	sbarrier.arrive $0xFFFF;
	s2 =	simm.s32 @!p0 $0x1C01  }
0x185: {  	[timem:s3], [sflag:s2] =	dma.local @!p0 [hbm:s0], s1  }
0x186: {  	s0 =	simm.s32 @!p0 $0x1  }
0x187: {  	_ =	swait.ge @!p0 [sflag:s0], s1  }
0x188: {  	s1 =	ssub.s32 @!p0 $0x0, s1;
	[sflag:s0] =	ssyncset.done @!p0 $0x0  }
0x189: {  	[sflag:s0] =	ssyncadd.s32 @!p0 s1  }
0x18a: {  	[bflag:$0x3] =	sbarrier.arrive $0xFFFF  }
0x18b: {  	_ =	shalt  }

</sc_bundles>
